<compile_context>
chip_gen: v7x
topology: tpu7x:2x2x1
jax: 0.10.2.dev20260603
libtpu: 0.0.44.dev20260713+nightly
codegen_flags: <defaults>
</compile_context>

<pallas_src>
import jax
import jax.numpy as jnp
from jax import lax
from jax.experimental import pallas as pl
from jax.experimental.pallas import tpu as pltpu
from jax.experimental.pallas import tpu_sc as plsc

DIM = 128
NS = 32
BS = 4096
NSLOTS = 2 * BS
NW = 32
SLOTS_PER_W = NSLOTS // NW
PAIRS_PER_W = BS // NW
CHUNK_SLOTS = 4
NCHUNK = SLOTS_PER_W // CHUNK_SLOTS
VPR = DIM // 16
PACKW = 16


def _sc_body(ent_emb, rel_emb, pair_flat, e2edges, epack,
             out, pidx, edgebuf, epk, eflat, eeflat, rflat,
             entbuf, relbuf, selfbuf, scorebuf, sem0, sem1, sem2, sem3):
    wid = lax.axis_index("s") * 2 + lax.axis_index("c")
    base = wid * SLOTS_PER_W

    pltpu.sync_copy(pair_flat.at[pl.ds(base, SLOTS_PER_W)], pidx)

    cp_e0 = pltpu.async_copy(e2edges.at[pidx.at[pl.ds(0, 128)]],
                             edgebuf.at[pl.ds(0, 128)], sem0)
    cp_e1 = pltpu.async_copy(e2edges.at[pidx.at[pl.ds(128, 128)]],
                             edgebuf.at[pl.ds(128, 128)], sem0)
    cp_s0 = pltpu.async_copy(ent_emb.at[pidx.at[pl.ds(0, 128)]],
                             selfbuf.at[pl.ds(0, 128)], sem1)
    cp_s1 = pltpu.async_copy(ent_emb.at[pidx.at[pl.ds(128, 128)]],
                             selfbuf.at[pl.ds(128, 128)], sem1)
    cp_e0.wait()
    cp_e1.wait()
    cp_s0.wait()
    cp_s1.wait()

    iota = jnp.arange(16, dtype=jnp.int32)
    zeros16 = jnp.zeros((16,), jnp.int32)
    twos16 = zeros16 + 2
    inv64 = jnp.float32(1.0 / 64.0)

    def chunk_body(c, carry):
        for k in range(8):
            row = c * CHUNK_SLOTS + k // 2
            eflat[pl.ds(k * 16, 16)] = edgebuf[row, pl.ds((k % 2) * 16, 16)]
        cpa = pltpu.async_copy(epack.at[eflat], epk, sem2)
        cpa.wait()
        for k in range(16):
            pos = k * 16 + iota
            eeflat[pl.ds(k * 16, 16)] = plsc.load_gather(
                epk, [pos >> 1, pos & 1])
        for k in range(8):
            rflat[pl.ds(k * 16, 16)] = plsc.load_gather(
                epk, [k * 16 + iota, twos16])
        g0 = pltpu.async_copy(ent_emb.at[eeflat.at[pl.ds(0, 128)]],
                              entbuf.at[pl.ds(0, 128)], sem0)
        g1 = pltpu.async_copy(ent_emb.at[eeflat.at[pl.ds(128, 128)]],
                              entbuf.at[pl.ds(128, 128)], sem1)
        g2 = pltpu.async_copy(rel_emb.at[rflat], relbuf, sem3)
        g0.wait()
        g1.wait()
        g2.wait()

        for s in range(CHUNK_SLOTS):
            def red_body(j, acc):
                er = s * 64 + 2 * j
                rrow = s * NS + j
                out_acc = []
                for v in range(VPR):
                    sl = pl.ds(v * 16, 16)
                    a = entbuf[er, sl] + entbuf[er + 1, sl]
                    b = relbuf[rrow, sl]
                    out_acc.append(acc[v] + a + b + b)
                return tuple(out_acc)

            zero = jnp.zeros((16,), jnp.float32)
            acc = lax.fori_loop(0, NS, red_body, (zero,) * VPR)
            slot = c * CHUNK_SLOTS + s
            for v in range(VPR):
                sl = pl.ds(v * 16, 16)
                selfbuf[slot, sl] = selfbuf[slot, sl] + acc[v] * inv64
        return carry

    lax.fori_loop(0, NCHUNK, chunk_body, 0)

    for g in range(PAIRS_PER_W // 16):
        rows0 = 2 * (g * 16 + iota)
        rows1 = rows0 + 1

        def dot_body(d, sc):
            cols = zeros16 + d
            a = plsc.load_gather(selfbuf, [rows0, cols])
            b = plsc.load_gather(selfbuf, [rows1, cols])
            return sc + a * b

        sc = lax.fori_loop(0, DIM, dot_body, jnp.zeros((16,), jnp.float32))
        scorebuf[pl.ds(g * 16, 16)] = sc

    pltpu.sync_copy(scorebuf, out.at[pl.ds(wid * PAIRS_PER_W, PAIRS_PER_W)])


@jax.jit
def _run(ent_emb, rel_emb, pair_flat, e2edges, epack):
    mesh = plsc.VectorSubcoreMesh(core_axis_name="c", subcore_axis_name="s")
    f = pl.kernel(
        _sc_body,
        out_type=jax.ShapeDtypeStruct((BS,), jnp.float32),
        mesh=mesh,
        scratch_types=[
            pltpu.VMEM((SLOTS_PER_W,), jnp.int32),
            pltpu.VMEM((SLOTS_PER_W, NS), jnp.int32),
            pltpu.VMEM((128, PACKW), jnp.int32),
            pltpu.VMEM((128,), jnp.int32),
            pltpu.VMEM((256,), jnp.int32),
            pltpu.VMEM((128,), jnp.int32),
            pltpu.VMEM((256, DIM), jnp.float32),
            pltpu.VMEM((128, DIM), jnp.float32),
            pltpu.VMEM((SLOTS_PER_W, DIM), jnp.float32),
            pltpu.VMEM((PAIRS_PER_W,), jnp.float32),
            pltpu.SemaphoreType.DMA,
            pltpu.SemaphoreType.DMA,
            pltpu.SemaphoreType.DMA,
            pltpu.SemaphoreType.DMA,
        ],
        compiler_params=pltpu.CompilerParams(
            needs_layout_passes=False, use_tc_tiling_on_sc=False),
    )
    return f(ent_emb, rel_emb, pair_flat, e2edges, epack)


def kernel(entity_emb, relation_emb, item_bias, entity_pairs, entity2edges,
           edge2entities, edge2relation):
    pair_flat = entity_pairs.reshape(NSLOTS).astype(jnp.int32)
    n_edges = edge2relation.shape[0]
    epack = jnp.concatenate(
        [edge2entities, edge2relation.reshape(-1, 1),
         jnp.zeros((n_edges, PACKW - 3), jnp.int32)], axis=1)
    score = _run(entity_emb, relation_emb, pair_flat, entity2edges, epack)
    return score + jnp.take(item_bias, entity_pairs[:, 1], axis=0)

# --- scband reference (transcript-rebuilt; emitter-appended) ---
"""Pipeline reference for scband-trans-match-17566416241101 (READ-ONLY COPY).

The authoritative reference and input builder live on the scoring server;
editing this copy changes nothing except your own understanding.
"""

import jax, jax.numpy as jnp
import numpy as np

AGG_PARAM = 1.0
N_ENTITIES = 100000
N_EDGES = 1600000
N_RELATIONS = 10000
DIM = 128
BS = 4096
NS = 32


def setup_inputs(seed: int = 0) -> dict:
    key = jax.random.key(seed)
    ks = jax.random.split(key, 8)
    entity_pairs = jax.random.randint(ks[0], (BS, 2), 0, N_ENTITIES, dtype=jnp.int64 if jax.config.jax_enable_x64 else jnp.int32)
    entity2edges = jax.random.randint(ks[1], (N_ENTITIES, NS), 0, N_EDGES, dtype=jnp.int32)
    edge2entities = jax.random.randint(ks[2], (N_EDGES, 2), 0, N_ENTITIES, dtype=jnp.int32)
    edge2relation = jax.random.randint(ks[3], (N_EDGES,), 0, N_RELATIONS, dtype=jnp.int32)
    entity_emb = jax.random.normal(ks[4], (N_ENTITIES, DIM), dtype=jnp.float32) / jnp.sqrt(DIM)
    relation_emb = jax.random.normal(ks[5], (N_RELATIONS, DIM), dtype=jnp.float32) / jnp.sqrt(DIM)
    item_bias = jnp.zeros((N_ENTITIES,), dtype=jnp.float32)
    return {
        'entity_emb': entity_emb,
        'relation_emb': relation_emb,
        'item_bias': item_bias,
        'entity_pairs': entity_pairs,
        'entity2edges': entity2edges,
        'edge2entities': edge2entities,
        'edge2relation': edge2relation,
    }


def reference(entity_emb, relation_emb, item_bias, entity_pairs, entity2edges, edge2entities, edge2relation):
    # --- _get_entity_neighbors_and_masks (one context hop) ---
    edge_ids = jnp.take(entity2edges, entity_pairs, axis=0)            # [bs, 2, ns]
    nbr_pair = jnp.take(edge2entities, edge_ids, axis=0)               # [bs, 2, ns, 2]
    nbr_ent_vec = jnp.take(entity_emb, nbr_pair, axis=0)               # [bs, 2, ns, 2, d]
    nbr_ent_vec = jnp.mean(nbr_ent_vec, axis=-2)                       # [bs, 2, ns, d]
    rel_ids = jnp.take(edge2relation, edge_ids, axis=0)                # [bs, 2, ns]
    nbr_edge_vec = jnp.take(relation_emb, rel_ids, axis=0)             # [bs, 2, ns, d]
    # --- Aggregator.forward: masked mean of neighbor edge vectors ---
    masks = jnp.ones(edge_ids.shape + (1,), dtype=jnp.float32)         # [bs, 2, ns, 1]
    nei_nums = jnp.sum(masks, axis=-2)                                 # [bs, 2, 1]
    nei_nums = jnp.where(nei_nums == 0, 1.0, nei_nums)
    edge_agg = jnp.sum(nbr_edge_vec * masks, axis=-2) / nei_nums       # [bs, 2, d]
    # --- MeanAggregator._call (self_included=True) ---
    ent_agg = jnp.mean(nbr_ent_vec, axis=-2)                           # [bs, 2, d]
    neighbor_vectors = ent_agg + AGG_PARAM * edge_agg                  # [bs, 2, d]
    self_vectors = jnp.take(entity_emb, entity_pairs, axis=0)          # [bs, 2, d]
    self_vectors = self_vectors + AGG_PARAM * neighbor_vectors         # [bs, 2, d]
    # --- inner-product score with item bias (score_type='inner') ---
    score = jnp.sum(self_vectors[:, 0, :] * self_vectors[:, 1, :], axis=-1)
    score = score + jnp.take(item_bias, entity_pairs[:, 1], axis=0)    # [bs]
    return score


if False:  # reference __main__ guard neutralized (emitter)
    out = reference(**setup_inputs())
    print(out.shape, out.dtype)

if __name__ == "__main__":
    import jax
    _d = setup_inputs()
    print(jax.jit(kernel)(*tuple(_d.values())))

</pallas_src>

<mosaic_0001>
#map = affine_map<(d0, d1) -> (0, 0)>
#map1 = affine_map<(d0, d1) -> (0)>
module attributes {stable_mosaic.version = 14 : i64} {
  func.func @_sc_body(%arg0: i32, %arg1: i32, %arg2: memref<100000x128xf32, #tpu.memory_space<hbm>>, %arg3: memref<10000x128xf32, #tpu.memory_space<hbm>>, %arg4: memref<8192xi32, #tpu.memory_space<hbm>>, %arg5: memref<100000x32xi32, #tpu.memory_space<hbm>>, %arg6: memref<1600000x16xi32, #tpu.memory_space<hbm>>, %arg7: memref<4096xf32, #tpu.memory_space<hbm>>, %arg8: memref<256xi32, #tpu.memory_space<vmem>>, %arg9: memref<256x32xi32, #tpu.memory_space<vmem>>, %arg10: memref<128x16xi32, #tpu.memory_space<vmem>>, %arg11: memref<128xi32, #tpu.memory_space<vmem>>, %arg12: memref<256xi32, #tpu.memory_space<vmem>>, %arg13: memref<128xi32, #tpu.memory_space<vmem>>, %arg14: memref<256x128xf32, #tpu.memory_space<vmem>>, %arg15: memref<128x128xf32, #tpu.memory_space<vmem>>, %arg16: memref<256x128xf32, #tpu.memory_space<vmem>>, %arg17: memref<128xf32, #tpu.memory_space<vmem>>, %arg18: memref<!tpu.dma_semaphore, #tpu.memory_space<semaphore_mem>>, %arg19: memref<!tpu.dma_semaphore, #tpu.memory_space<semaphore_mem>>, %arg20: memref<!tpu.dma_semaphore, #tpu.memory_space<semaphore_mem>>, %arg21: memref<!tpu.dma_semaphore, #tpu.memory_space<semaphore_mem>>) attributes {dimension_semantics = [#tpu.dimension_semantics<core_parallel>, #tpu.dimension_semantics<subcore_parallel>], iteration_bounds = array<i64: 2, 16>, scalar_prefetch = 0 : i64, scratch_operands = 14 : i64, tpu.core_type = #tpu.core_type<sc_vector_subcore>, window_params = [{transform_indices = #map}, {transform_indices = #map}, {transform_indices = #map1}, {transform_indices = #map}, {transform_indices = #map}, {transform_indices = #map1}]} {
    %mul3A = arith.constant 2 : i32
    %mul3A_0 = arith.muli %arg1, %mul3A : i32
    %add3A = arith.addi %mul3A_0, %arg0 : i32
    %mul3A_1 = arith.constant 256 : i32
    %mul3A_2 = arith.muli %add3A, %mul3A_1 : i32
    "tpu.region"() ({
      %run_scoped3A = tpu.sem_alloc : memref<!tpu.dma_semaphore, #tpu.memory_space<semaphore_mem>>
      %dma_start3A_228 = tpu.memref_slice %arg4[%mul3A_2] : memref<8192xi32, #tpu.memory_space<hbm>> -> memref<256xi32, #tpu.memory_space<hbm>>
      %dma_start3A_229 = tpu.memref_slice %arg4[%mul3A_2] : memref<8192xi32, #tpu.memory_space<hbm>> -> memref<256xi32, #tpu.memory_space<hbm>>
      tpu.enqueue_dma source(%dma_start3A_229 : memref<256xi32, #tpu.memory_space<hbm>>) target(%arg8 : memref<256xi32, #tpu.memory_space<vmem>>) target_semaphore(%run_scoped3A : memref<!tpu.dma_semaphore, #tpu.memory_space<semaphore_mem>>)
      %dma_wait3A_230 = tpu.memref_slice %arg4[%mul3A_2] : memref<8192xi32, #tpu.memory_space<hbm>> -> memref<256xi32, #tpu.memory_space<hbm>>
      %dma_wait3A_231 = tpu.memref_slice %arg4[%mul3A_2] : memref<8192xi32, #tpu.memory_space<hbm>> -> memref<256xi32, #tpu.memory_space<hbm>>
      tpu.wait_dma2 semaphore(%run_scoped3A : memref<!tpu.dma_semaphore, #tpu.memory_space<semaphore_mem>>) src(%dma_wait3A_231 : memref<256xi32, #tpu.memory_space<hbm>>) dst(%arg8 : memref<256xi32, #tpu.memory_space<vmem>>)
      tpu.yield
    }) : () -> ()
    %dma_start3A = arith.constant 0 : i32
    %dma_start3A_3 = arith.constant 0 : i32
    %dma_start3A_4 = tpu.memref_slice %arg9[%dma_start3A, %dma_start3A_3] : memref<256x32xi32, #tpu.memory_space<vmem>> -> memref<128x32xi32, #tpu.memory_space<vmem>>
    %dma_start3A_5 = arith.constant 0 : i32
    %dma_start3A_6 = tpu.memref_slice %arg8[%dma_start3A_5] : memref<256xi32, #tpu.memory_space<vmem>> -> memref<128xi32, #tpu.memory_space<vmem>>
    %dma_start3A_7 = arith.constant 0 : i32
    %dma_start3A_8 = arith.constant 0 : i32
    %dma_start3A_9 = tpu.memref_slice %arg5[%dma_start3A_7, %dma_start3A_8] : memref<100000x32xi32, #tpu.memory_space<hbm>> -> memref<100000x32xi32, #tpu.memory_space<hbm>>
    tpu.enqueue_indirect_dma source(%dma_start3A_9 : memref<100000x32xi32, #tpu.memory_space<hbm>>) target(%dma_start3A_4 : memref<128x32xi32, #tpu.memory_space<vmem>>) offsets(%dma_start3A_6 : memref<128xi32, #tpu.memory_space<vmem>>) semaphore(%arg18 : memref<!tpu.dma_semaphore, #tpu.memory_space<semaphore_mem>>)
    %dma_start3A_10 = arith.constant 128 : i32
    %dma_start3A_11 = arith.constant 0 : i32
    %dma_start3A_12 = tpu.memref_slice %arg9[%dma_start3A_10, %dma_start3A_11] : memref<256x32xi32, #tpu.memory_space<vmem>> -> memref<128x32xi32, #tpu.memory_space<vmem>>
    %dma_start3A_13 = arith.constant 128 : i32
    %dma_start3A_14 = tpu.memref_slice %arg8[%dma_start3A_13] : memref<256xi32, #tpu.memory_space<vmem>> -> memref<128xi32, #tpu.memory_space<vmem>>
    %dma_start3A_15 = arith.constant 0 : i32
    %dma_start3A_16 = arith.constant 0 : i32
    %dma_start3A_17 = tpu.memref_slice %arg5[%dma_start3A_15, %dma_start3A_16] : memref<100000x32xi32, #tpu.memory_space<hbm>> -> memref<100000x32xi32, #tpu.memory_space<hbm>>
    tpu.enqueue_indirect_dma source(%dma_start3A_17 : memref<100000x32xi32, #tpu.memory_space<hbm>>) target(%dma_start3A_12 : memref<128x32xi32, #tpu.memory_space<vmem>>) offsets(%dma_start3A_14 : memref<128xi32, #tpu.memory_space<vmem>>) semaphore(%arg18 : memref<!tpu.dma_semaphore, #tpu.memory_space<semaphore_mem>>)
    %dma_start3A_18 = arith.constant 0 : i32
    %dma_start3A_19 = arith.constant 0 : i32
    %dma_start3A_20 = tpu.memref_slice %arg16[%dma_start3A_18, %dma_start3A_19] : memref<256x128xf32, #tpu.memory_space<vmem>> -> memref<128x128xf32, #tpu.memory_space<vmem>>
    %dma_start3A_21 = arith.constant 0 : i32
    %dma_start3A_22 = tpu.memref_slice %arg8[%dma_start3A_21] : memref<256xi32, #tpu.memory_space<vmem>> -> memref<128xi32, #tpu.memory_space<vmem>>
    %dma_start3A_23 = arith.constant 0 : i32
    %dma_start3A_24 = arith.constant 0 : i32
    %dma_start3A_25 = tpu.memref_slice %arg2[%dma_start3A_23, %dma_start3A_24] : memref<100000x128xf32, #tpu.memory_space<hbm>> -> memref<100000x128xf32, #tpu.memory_space<hbm>>
    tpu.enqueue_indirect_dma source(%dma_start3A_25 : memref<100000x128xf32, #tpu.memory_space<hbm>>) target(%dma_start3A_20 : memref<128x128xf32, #tpu.memory_space<vmem>>) offsets(%dma_start3A_22 : memref<128xi32, #tpu.memory_space<vmem>>) semaphore(%arg19 : memref<!tpu.dma_semaphore, #tpu.memory_space<semaphore_mem>>)
    %dma_start3A_26 = arith.constant 128 : i32
    %dma_start3A_27 = arith.constant 0 : i32
    %dma_start3A_28 = tpu.memref_slice %arg16[%dma_start3A_26, %dma_start3A_27] : memref<256x128xf32, #tpu.memory_space<vmem>> -> memref<128x128xf32, #tpu.memory_space<vmem>>
    %dma_start3A_29 = arith.constant 128 : i32
    %dma_start3A_30 = tpu.memref_slice %arg8[%dma_start3A_29] : memref<256xi32, #tpu.memory_space<vmem>> -> memref<128xi32, #tpu.memory_space<vmem>>
    %dma_start3A_31 = arith.constant 0 : i32
    %dma_start3A_32 = arith.constant 0 : i32
    %dma_start3A_33 = tpu.memref_slice %arg2[%dma_start3A_31, %dma_start3A_32] : memref<100000x128xf32, #tpu.memory_space<hbm>> -> memref<100000x128xf32, #tpu.memory_space<hbm>>
    tpu.enqueue_indirect_dma source(%dma_start3A_33 : memref<100000x128xf32, #tpu.memory_space<hbm>>) target(%dma_start3A_28 : memref<128x128xf32, #tpu.memory_space<vmem>>) offsets(%dma_start3A_30 : memref<128xi32, #tpu.memory_space<vmem>>) semaphore(%arg19 : memref<!tpu.dma_semaphore, #tpu.memory_space<semaphore_mem>>)
    %dma_wait3A = arith.constant 0 : i32
    %dma_wait3A_34 = arith.constant 0 : i32
    %dma_wait3A_35 = tpu.memref_slice %arg9[%dma_wait3A, %dma_wait3A_34] : memref<256x32xi32, #tpu.memory_space<vmem>> -> memref<128x32xi32, #tpu.memory_space<vmem>>
    %dma_wait3A_36 = arith.constant 0 : i32
    %dma_wait3A_37 = tpu.memref_slice %arg8[%dma_wait3A_36] : memref<256xi32, #tpu.memory_space<vmem>> -> memref<128xi32, #tpu.memory_space<vmem>>
    %dma_wait3A_38 = arith.constant 0 : i32
    %dma_wait3A_39 = arith.constant 0 : i32
    %dma_wait3A_40 = tpu.memref_slice %arg5[%dma_wait3A_38, %dma_wait3A_39] : memref<100000x32xi32, #tpu.memory_space<hbm>> -> memref<100000x32xi32, #tpu.memory_space<hbm>>
    tpu.wait_indirect_dma semaphore(%arg18 : memref<!tpu.dma_semaphore, #tpu.memory_space<semaphore_mem>>) src(%dma_wait3A_40 : memref<100000x32xi32, #tpu.memory_space<hbm>>) dst(%dma_wait3A_35 : memref<128x32xi32, #tpu.memory_space<vmem>>)
    %dma_wait3A_41 = arith.constant 128 : i32
    %dma_wait3A_42 = arith.constant 0 : i32
    %dma_wait3A_43 = tpu.memref_slice %arg9[%dma_wait3A_41, %dma_wait3A_42] : memref<256x32xi32, #tpu.memory_space<vmem>> -> memref<128x32xi32, #tpu.memory_space<vmem>>
    %dma_wait3A_44 = arith.constant 128 : i32
    %dma_wait3A_45 = tpu.memref_slice %arg8[%dma_wait3A_44] : memref<256xi32, #tpu.memory_space<vmem>> -> memref<128xi32, #tpu.memory_space<vmem>>
    %dma_wait3A_46 = arith.constant 0 : i32
    %dma_wait3A_47 = arith.constant 0 : i32
    %dma_wait3A_48 = tpu.memref_slice %arg5[%dma_wait3A_46, %dma_wait3A_47] : memref<100000x32xi32, #tpu.memory_space<hbm>> -> memref<100000x32xi32, #tpu.memory_space<hbm>>
    tpu.wait_indirect_dma semaphore(%arg18 : memref<!tpu.dma_semaphore, #tpu.memory_space<semaphore_mem>>) src(%dma_wait3A_48 : memref<100000x32xi32, #tpu.memory_space<hbm>>) dst(%dma_wait3A_43 : memref<128x32xi32, #tpu.memory_space<vmem>>)
    %dma_wait3A_49 = arith.constant 0 : i32
    %dma_wait3A_50 = arith.constant 0 : i32
    %dma_wait3A_51 = tpu.memref_slice %arg16[%dma_wait3A_49, %dma_wait3A_50] : memref<256x128xf32, #tpu.memory_space<vmem>> -> memref<128x128xf32, #tpu.memory_space<vmem>>
    %dma_wait3A_52 = arith.constant 0 : i32
    %dma_wait3A_53 = tpu.memref_slice %arg8[%dma_wait3A_52] : memref<256xi32, #tpu.memory_space<vmem>> -> memref<128xi32, #tpu.memory_space<vmem>>
    %dma_wait3A_54 = arith.constant 0 : i32
    %dma_wait3A_55 = arith.constant 0 : i32
    %dma_wait3A_56 = tpu.memref_slice %arg2[%dma_wait3A_54, %dma_wait3A_55] : memref<100000x128xf32, #tpu.memory_space<hbm>> -> memref<100000x128xf32, #tpu.memory_space<hbm>>
    tpu.wait_indirect_dma semaphore(%arg19 : memref<!tpu.dma_semaphore, #tpu.memory_space<semaphore_mem>>) src(%dma_wait3A_56 : memref<100000x128xf32, #tpu.memory_space<hbm>>) dst(%dma_wait3A_51 : memref<128x128xf32, #tpu.memory_space<vmem>>)
    %dma_wait3A_57 = arith.constant 128 : i32
    %dma_wait3A_58 = arith.constant 0 : i32
    %dma_wait3A_59 = tpu.memref_slice %arg16[%dma_wait3A_57, %dma_wait3A_58] : memref<256x128xf32, #tpu.memory_space<vmem>> -> memref<128x128xf32, #tpu.memory_space<vmem>>
    %dma_wait3A_60 = arith.constant 128 : i32
    %dma_wait3A_61 = tpu.memref_slice %arg8[%dma_wait3A_60] : memref<256xi32, #tpu.memory_space<vmem>> -> memref<128xi32, #tpu.memory_space<vmem>>
    %dma_wait3A_62 = arith.constant 0 : i32
    %dma_wait3A_63 = arith.constant 0 : i32
    %dma_wait3A_64 = tpu.memref_slice %arg2[%dma_wait3A_62, %dma_wait3A_63] : memref<100000x128xf32, #tpu.memory_space<hbm>> -> memref<100000x128xf32, #tpu.memory_space<hbm>>
    tpu.wait_indirect_dma semaphore(%arg19 : memref<!tpu.dma_semaphore, #tpu.memory_space<semaphore_mem>>) src(%dma_wait3A_64 : memref<100000x128xf32, #tpu.memory_space<hbm>>) dst(%dma_wait3A_59 : memref<128x128xf32, #tpu.memory_space<vmem>>)
    %iota3A = tpu.iota {dimensions = array<i32: 0>} : vector<16xi32>
    %broadcast_in_dim3A = arith.constant 0 : i32
    %broadcast_in_dim3A_65 = vector.broadcast %broadcast_in_dim3A : i32 to vector<16xi32>
    %add3A_66 = arith.constant 2 : i32
    %add3A_67 = vector.broadcast %add3A_66 : i32 to vector<16xi32>
    %add3A_68 = arith.addi %broadcast_in_dim3A_65, %add3A_67 : vector<16xi32>
    %scan3A = arith.constant 0 : i32
    %scan3A_69 = arith.constant 1.562500e-02 : f32
    %scan3A_70 = arith.constant 0 : i32
    %scan3A_71 = arith.constant 64 : i32
    %scan3A_72 = arith.addi %scan3A_70, %scan3A_71 : i32
    %scan3A_73 = arith.constant 1 : i32
    scf.for %scan3A_228 = %scan3A_70 to %scan3A_72 step %scan3A_73  : i32 {
      %mul3A_229 = arith.constant 4 : i32
      %mul3A_230 = arith.muli %scan3A_228, %mul3A_229 : i32
      %add3A_231 = arith.constant 0 : i32
      %add3A_232 = arith.addi %mul3A_230, %add3A_231 : i32
      %get3A = arith.index_cast %add3A_232 : i32 to index
      %get3A_233 = arith.constant 0 : index
      %get3A_234 = tpu.vector_load %arg9[%get3A, %get3A_233] {strides = array<i32>} : memref<256x32xi32, #tpu.memory_space<vmem>>, vector<16xi32>,
      %swap3A_235 = arith.constant 0 : index
      %swap3A_236 = tpu.vector_load %arg11[%swap3A_235] {strides = array<i32>} : memref<128xi32, #tpu.memory_space<vmem>>, vector<16xi32>,
      tpu.vector_store %arg11[%swap3A_235], %get3A_234 {strides = array<i32>} : memref<128xi32, #tpu.memory_space<vmem>>, vector<16xi32>,
      %mul3A_237 = arith.constant 4 : i32
      %mul3A_238 = arith.muli %scan3A_228, %mul3A_237 : i32
      %add3A_239 = arith.constant 0 : i32
      %add3A_240 = arith.addi %mul3A_238, %add3A_239 : i32
      %get3A_241 = arith.index_cast %add3A_240 : i32 to index
      %get3A_242 = arith.constant 16 : index
      %get3A_243 = tpu.vector_load %arg9[%get3A_241, %get3A_242] {strides = array<i32>} : memref<256x32xi32, #tpu.memory_space<vmem>>, vector<16xi32>,
      %swap3A_244 = arith.constant 16 : index
      %swap3A_245 = tpu.vector_load %arg11[%swap3A_244] {strides = array<i32>} : memref<128xi32, #tpu.memory_space<vmem>>, vector<16xi32>,
      tpu.vector_store %arg11[%swap3A_244], %get3A_243 {strides = array<i32>} : memref<128xi32, #tpu.memory_space<vmem>>, vector<16xi32>,
      %mul3A_246 = arith.constant 4 : i32
      %mul3A_247 = arith.muli %scan3A_228, %mul3A_246 : i32
      %add3A_248 = arith.constant 1 : i32
      %add3A_249 = arith.addi %mul3A_247, %add3A_248 : i32
      %get3A_250 = arith.index_cast %add3A_249 : i32 to index
      %get3A_251 = arith.constant 0 : index
      %get3A_252 = tpu.vector_load %arg9[%get3A_250, %get3A_251] {strides = array<i32>} : memref<256x32xi32, #tpu.memory_space<vmem>>, vector<16xi32>,
      %swap3A_253 = arith.constant 32 : index
      %swap3A_254 = tpu.vector_load %arg11[%swap3A_253] {strides = array<i32>} : memref<128xi32, #tpu.memory_space<vmem>>, vector<16xi32>,
      tpu.vector_store %arg11[%swap3A_253], %get3A_252 {strides = array<i32>} : memref<128xi32, #tpu.memory_space<vmem>>, vector<16xi32>,
      %mul3A_255 = arith.constant 4 : i32
      %mul3A_256 = arith.muli %scan3A_228, %mul3A_255 : i32
      %add3A_257 = arith.constant 1 : i32
      %add3A_258 = arith.addi %mul3A_256, %add3A_257 : i32
      %get3A_259 = arith.index_cast %add3A_258 : i32 to index
      %get3A_260 = arith.constant 16 : index
      %get3A_261 = tpu.vector_load %arg9[%get3A_259, %get3A_260] {strides = array<i32>} : memref<256x32xi32, #tpu.memory_space<vmem>>, vector<16xi32>,
      %swap3A_262 = arith.constant 48 : index
      %swap3A_263 = tpu.vector_load %arg11[%swap3A_262] {strides = array<i32>} : memref<128xi32, #tpu.memory_space<vmem>>, vector<16xi32>,
      tpu.vector_store %arg11[%swap3A_262], %get3A_261 {strides = array<i32>} : memref<128xi32, #tpu.memory_space<vmem>>, vector<16xi32>,
      %mul3A_264 = arith.constant 4 : i32
      %mul3A_265 = arith.muli %scan3A_228, %mul3A_264 : i32
      %add3A_266 = arith.constant 2 : i32
      %add3A_267 = arith.addi %mul3A_265, %add3A_266 : i32
      %get3A_268 = arith.index_cast %add3A_267 : i32 to index
      %get3A_269 = arith.constant 0 : index
      %get3A_270 = tpu.vector_load %arg9[%get3A_268, %get3A_269] {strides = array<i32>} : memref<256x32xi32, #tpu.memory_space<vmem>>, vector<16xi32>,
      %swap3A_271 = arith.constant 64 : index
      %swap3A_272 = tpu.vector_load %arg11[%swap3A_271] {strides = array<i32>} : memref<128xi32, #tpu.memory_space<vmem>>, vector<16xi32>,
      tpu.vector_store %arg11[%swap3A_271], %get3A_270 {strides = array<i32>} : memref<128xi32, #tpu.memory_space<vmem>>, vector<16xi32>,
      %mul3A_273 = arith.constant 4 : i32
      %mul3A_274 = arith.muli %scan3A_228, %mul3A_273 : i32
      %add3A_275 = arith.constant 2 : i32
      %add3A_276 = arith.addi %mul3A_274, %add3A_275 : i32
      %get3A_277 = arith.index_cast %add3A_276 : i32 to index
      %get3A_278 = arith.constant 16 : index
      %get3A_279 = tpu.vector_load %arg9[%get3A_277, %get3A_278] {strides = array<i32>} : memref<256x32xi32, #tpu.memory_space<vmem>>, vector<16xi32>,
      %swap3A_280 = arith.constant 80 : index
      %swap3A_281 = tpu.vector_load %arg11[%swap3A_280] {strides = array<i32>} : memref<128xi32, #tpu.memory_space<vmem>>, vector<16xi32>,
      tpu.vector_store %arg11[%swap3A_280], %get3A_279 {strides = array<i32>} : memref<128xi32, #tpu.memory_space<vmem>>, vector<16xi32>,
      %mul3A_282 = arith.constant 4 : i32
      %mul3A_283 = arith.muli %scan3A_228, %mul3A_282 : i32
      %add3A_284 = arith.constant 3 : i32
      %add3A_285 = arith.addi %mul3A_283, %add3A_284 : i32
      %get3A_286 = arith.index_cast %add3A_285 : i32 to index
      %get3A_287 = arith.constant 0 : index
      %get3A_288 = tpu.vector_load %arg9[%get3A_286, %get3A_287] {strides = array<i32>} : memref<256x32xi32, #tpu.memory_space<vmem>>, vector<16xi32>,
      %swap3A_289 = arith.constant 96 : index
      %swap3A_290 = tpu.vector_load %arg11[%swap3A_289] {strides = array<i32>} : memref<128xi32, #tpu.memory_space<vmem>>, vector<16xi32>,
      tpu.vector_store %arg11[%swap3A_289], %get3A_288 {strides = array<i32>} : memref<128xi32, #tpu.memory_space<vmem>>, vector<16xi32>,
      %mul3A_291 = arith.constant 4 : i32
      %mul3A_292 = arith.muli %scan3A_228, %mul3A_291 : i32
      %add3A_293 = arith.constant 3 : i32
      %add3A_294 = arith.addi %mul3A_292, %add3A_293 : i32
      %get3A_295 = arith.index_cast %add3A_294 : i32 to index
      %get3A_296 = arith.constant 16 : index
      %get3A_297 = tpu.vector_load %arg9[%get3A_295, %get3A_296] {strides = array<i32>} : memref<256x32xi32, #tpu.memory_space<vmem>>, vector<16xi32>,
      %swap3A_298 = arith.constant 112 : index
      %swap3A_299 = tpu.vector_load %arg11[%swap3A_298] {strides = array<i32>} : memref<128xi32, #tpu.memory_space<vmem>>, vector<16xi32>,
      tpu.vector_store %arg11[%swap3A_298], %get3A_297 {strides = array<i32>} : memref<128xi32, #tpu.memory_space<vmem>>, vector<16xi32>,
      %dma_start3A_300 = arith.constant 0 : i32
      %dma_start3A_301 = arith.constant 0 : i32
      %dma_start3A_302 = tpu.memref_slice %arg6[%dma_start3A_300, %dma_start3A_301] : memref<1600000x16xi32, #tpu.memory_space<hbm>> -> memref<1600000x16xi32, #tpu.memory_space<hbm>>
      tpu.enqueue_indirect_dma source(%dma_start3A_302 : memref<1600000x16xi32, #tpu.memory_space<hbm>>) target(%arg10 : memref<128x16xi32, #tpu.memory_space<vmem>>) offsets(%arg11 : memref<128xi32, #tpu.memory_space<vmem>>) semaphore(%arg20 : memref<!tpu.dma_semaphore, #tpu.memory_space<semaphore_mem>>)
      %dma_wait3A_303 = arith.constant 0 : i32
      %dma_wait3A_304 = arith.constant 0 : i32
      %dma_wait3A_305 = tpu.memref_slice %arg6[%dma_wait3A_303, %dma_wait3A_304] : memref<1600000x16xi32, #tpu.memory_space<hbm>> -> memref<1600000x16xi32, #tpu.memory_space<hbm>>
      tpu.wait_indirect_dma semaphore(%arg20 : memref<!tpu.dma_semaphore, #tpu.memory_space<semaphore_mem>>) src(%dma_wait3A_305 : memref<1600000x16xi32, #tpu.memory_space<hbm>>) dst(%arg10 : memref<128x16xi32, #tpu.memory_space<vmem>>)
      %add3A_306 = arith.constant 0 : i32
      %add3A_307 = vector.broadcast %add3A_306 : i32 to vector<16xi32>
      %add3A_308 = arith.addi %add3A_307, %iota3A : vector<16xi32>
      %shift_right_arithmetic3A = arith.constant 1 : i32
      %shift_right_arithmetic3A_309 = vector.broadcast %shift_right_arithmetic3A : i32 to vector<16xi32>
      %shift_right_arithmetic3A_310 = arith.shrsi %add3A_308, %shift_right_arithmetic3A_309 : vector<16xi32>
      %and3A = arith.constant 1 : i32
      %and3A_311 = vector.broadcast %and3A : i32 to vector<16xi32>
      %and3A_312 = arith.andi %add3A_308, %and3A_311 : vector<16xi32>
      %gather3A = tpu.vector_load_idx %arg10[%shift_right_arithmetic3A_310, %and3A_312] : memref<128x16xi32, #tpu.memory_space<vmem>>[vector<16xi32>, vector<16xi32>], vector<16xi32>,
      %swap3A_313 = arith.constant 0 : index
      %swap3A_314 = tpu.vector_load %arg12[%swap3A_313] {strides = array<i32>} : memref<256xi32, #tpu.memory_space<vmem>>, vector<16xi32>,
      tpu.vector_store %arg12[%swap3A_313], %gather3A {strides = array<i32>} : memref<256xi32, #tpu.memory_space<vmem>>, vector<16xi32>,
      %add3A_315 = arith.constant 16 : i32
      %add3A_316 = vector.broadcast %add3A_315 : i32 to vector<16xi32>
      %add3A_317 = arith.addi %add3A_316, %iota3A : vector<16xi32>
      %shift_right_arithmetic3A_318 = arith.constant 1 : i32
      %shift_right_arithmetic3A_319 = vector.broadcast %shift_right_arithmetic3A_318 : i32 to vector<16xi32>
      %shift_right_arithmetic3A_320 = arith.shrsi %add3A_317, %shift_right_arithmetic3A_319 : vector<16xi32>
      %and3A_321 = arith.constant 1 : i32
      %and3A_322 = vector.broadcast %and3A_321 : i32 to vector<16xi32>
      %and3A_323 = arith.andi %add3A_317, %and3A_322 : vector<16xi32>
      %gather3A_324 = tpu.vector_load_idx %arg10[%shift_right_arithmetic3A_320, %and3A_323] : memref<128x16xi32, #tpu.memory_space<vmem>>[vector<16xi32>, vector<16xi32>], vector<16xi32>,
      %swap3A_325 = arith.constant 16 : index
      %swap3A_326 = tpu.vector_load %arg12[%swap3A_325] {strides = array<i32>} : memref<256xi32, #tpu.memory_space<vmem>>, vector<16xi32>,
      tpu.vector_store %arg12[%swap3A_325], %gather3A_324 {strides = array<i32>} : memref<256xi32, #tpu.memory_space<vmem>>, vector<16xi32>,
      %add3A_327 = arith.constant 32 : i32
      %add3A_328 = vector.broadcast %add3A_327 : i32 to vector<16xi32>
      %add3A_329 = arith.addi %add3A_328, %iota3A : vector<16xi32>
      %shift_right_arithmetic3A_330 = arith.constant 1 : i32
      %shift_right_arithmetic3A_331 = vector.broadcast %shift_right_arithmetic3A_330 : i32 to vector<16xi32>
      %shift_right_arithmetic3A_332 = arith.shrsi %add3A_329, %shift_right_arithmetic3A_331 : vector<16xi32>
      %and3A_333 = arith.constant 1 : i32
      %and3A_334 = vector.broadcast %and3A_333 : i32 to vector<16xi32>
      %and3A_335 = arith.andi %add3A_329, %and3A_334 : vector<16xi32>
      %gather3A_336 = tpu.vector_load_idx %arg10[%shift_right_arithmetic3A_332, %and3A_335] : memref<128x16xi32, #tpu.memory_space<vmem>>[vector<16xi32>, vector<16xi32>], vector<16xi32>,
      %swap3A_337 = arith.constant 32 : index
      %swap3A_338 = tpu.vector_load %arg12[%swap3A_337] {strides = array<i32>} : memref<256xi32, #tpu.memory_space<vmem>>, vector<16xi32>,
      tpu.vector_store %arg12[%swap3A_337], %gather3A_336 {strides = array<i32>} : memref<256xi32, #tpu.memory_space<vmem>>, vector<16xi32>,
      %add3A_339 = arith.constant 48 : i32
      %add3A_340 = vector.broadcast %add3A_339 : i32 to vector<16xi32>
      %add3A_341 = arith.addi %add3A_340, %iota3A : vector<16xi32>
      %shift_right_arithmetic3A_342 = arith.constant 1 : i32
      %shift_right_arithmetic3A_343 = vector.broadcast %shift_right_arithmetic3A_342 : i32 to vector<16xi32>
      %shift_right_arithmetic3A_344 = arith.shrsi %add3A_341, %shift_right_arithmetic3A_343 : vector<16xi32>
      %and3A_345 = arith.constant 1 : i32
      %and3A_346 = vector.broadcast %and3A_345 : i32 to vector<16xi32>
      %and3A_347 = arith.andi %add3A_341, %and3A_346 : vector<16xi32>
      %gather3A_348 = tpu.vector_load_idx %arg10[%shift_right_arithmetic3A_344, %and3A_347] : memref<128x16xi32, #tpu.memory_space<vmem>>[vector<16xi32>, vector<16xi32>], vector<16xi32>,
      %swap3A_349 = arith.constant 48 : index
      %swap3A_350 = tpu.vector_load %arg12[%swap3A_349] {strides = array<i32>} : memref<256xi32, #tpu.memory_space<vmem>>, vector<16xi32>,
      tpu.vector_store %arg12[%swap3A_349], %gather3A_348 {strides = array<i32>} : memref<256xi32, #tpu.memory_space<vmem>>, vector<16xi32>,
      %add3A_351 = arith.constant 64 : i32
      %add3A_352 = vector.broadcast %add3A_351 : i32 to vector<16xi32>
      %add3A_353 = arith.addi %add3A_352, %iota3A : vector<16xi32>
      %shift_right_arithmetic3A_354 = arith.constant 1 : i32
      %shift_right_arithmetic3A_355 = vector.broadcast %shift_right_arithmetic3A_354 : i32 to vector<16xi32>
      %shift_right_arithmetic3A_356 = arith.shrsi %add3A_353, %shift_right_arithmetic3A_355 : vector<16xi32>
      %and3A_357 = arith.constant 1 : i32
      %and3A_358 = vector.broadcast %and3A_357 : i32 to vector<16xi32>
      %and3A_359 = arith.andi %add3A_353, %and3A_358 : vector<16xi32>
      %gather3A_360 = tpu.vector_load_idx %arg10[%shift_right_arithmetic3A_356, %and3A_359] : memref<128x16xi32, #tpu.memory_space<vmem>>[vector<16xi32>, vector<16xi32>], vector<16xi32>,
      %swap3A_361 = arith.constant 64 : index
      %swap3A_362 = tpu.vector_load %arg12[%swap3A_361] {strides = array<i32>} : memref<256xi32, #tpu.memory_space<vmem>>, vector<16xi32>,
      tpu.vector_store %arg12[%swap3A_361], %gather3A_360 {strides = array<i32>} : memref<256xi32, #tpu.memory_space<vmem>>, vector<16xi32>,
      %add3A_363 = arith.constant 80 : i32
      %add3A_364 = vector.broadcast %add3A_363 : i32 to vector<16xi32>
      %add3A_365 = arith.addi %add3A_364, %iota3A : vector<16xi32>
      %shift_right_arithmetic3A_366 = arith.constant 1 : i32
      %shift_right_arithmetic3A_367 = vector.broadcast %shift_right_arithmetic3A_366 : i32 to vector<16xi32>
      %shift_right_arithmetic3A_368 = arith.shrsi %add3A_365, %shift_right_arithmetic3A_367 : vector<16xi32>
      %and3A_369 = arith.constant 1 : i32
      %and3A_370 = vector.broadcast %and3A_369 : i32 to vector<16xi32>
      %and3A_371 = arith.andi %add3A_365, %and3A_370 : vector<16xi32>
      %gather3A_372 = tpu.vector_load_idx %arg10[%shift_right_arithmetic3A_368, %and3A_371] : memref<128x16xi32, #tpu.memory_space<vmem>>[vector<16xi32>, vector<16xi32>], vector<16xi32>,
      %swap3A_373 = arith.constant 80 : index
      %swap3A_374 = tpu.vector_load %arg12[%swap3A_373] {strides = array<i32>} : memref<256xi32, #tpu.memory_space<vmem>>, vector<16xi32>,
      tpu.vector_store %arg12[%swap3A_373], %gather3A_372 {strides = array<i32>} : memref<256xi32, #tpu.memory_space<vmem>>, vector<16xi32>,
      %add3A_375 = arith.constant 96 : i32
      %add3A_376 = vector.broadcast %add3A_375 : i32 to vector<16xi32>
      %add3A_377 = arith.addi %add3A_376, %iota3A : vector<16xi32>
      %shift_right_arithmetic3A_378 = arith.constant 1 : i32
      %shift_right_arithmetic3A_379 = vector.broadcast %shift_right_arithmetic3A_378 : i32 to vector<16xi32>
      %shift_right_arithmetic3A_380 = arith.shrsi %add3A_377, %shift_right_arithmetic3A_379 : vector<16xi32>
      %and3A_381 = arith.constant 1 : i32
      %and3A_382 = vector.broadcast %and3A_381 : i32 to vector<16xi32>
      %and3A_383 = arith.andi %add3A_377, %and3A_382 : vector<16xi32>
      %gather3A_384 = tpu.vector_load_idx %arg10[%shift_right_arithmetic3A_380, %and3A_383] : memref<128x16xi32, #tpu.memory_space<vmem>>[vector<16xi32>, vector<16xi32>], vector<16xi32>,
      %swap3A_385 = arith.constant 96 : index
      %swap3A_386 = tpu.vector_load %arg12[%swap3A_385] {strides = array<i32>} : memref<256xi32, #tpu.memory_space<vmem>>, vector<16xi32>,
      tpu.vector_store %arg12[%swap3A_385], %gather3A_384 {strides = array<i32>} : memref<256xi32, #tpu.memory_space<vmem>>, vector<16xi32>,
      %add3A_387 = arith.constant 112 : i32
      %add3A_388 = vector.broadcast %add3A_387 : i32 to vector<16xi32>
      %add3A_389 = arith.addi %add3A_388, %iota3A : vector<16xi32>
      %shift_right_arithmetic3A_390 = arith.constant 1 : i32
      %shift_right_arithmetic3A_391 = vector.broadcast %shift_right_arithmetic3A_390 : i32 to vector<16xi32>
      %shift_right_arithmetic3A_392 = arith.shrsi %add3A_389, %shift_right_arithmetic3A_391 : vector<16xi32>
      %and3A_393 = arith.constant 1 : i32
      %and3A_394 = vector.broadcast %and3A_393 : i32 to vector<16xi32>
      %and3A_395 = arith.andi %add3A_389, %and3A_394 : vector<16xi32>
      %gather3A_396 = tpu.vector_load_idx %arg10[%shift_right_arithmetic3A_392, %and3A_395] : memref<128x16xi32, #tpu.memory_space<vmem>>[vector<16xi32>, vector<16xi32>], vector<16xi32>,
      %swap3A_397 = arith.constant 112 : index
      %swap3A_398 = tpu.vector_load %arg12[%swap3A_397] {strides = array<i32>} : memref<256xi32, #tpu.memory_space<vmem>>, vector<16xi32>,
      tpu.vector_store %arg12[%swap3A_397], %gather3A_396 {strides = array<i32>} : memref<256xi32, #tpu.memory_space<vmem>>, vector<16xi32>,
      %add3A_399 = arith.constant 128 : i32
      %add3A_400 = vector.broadcast %add3A_399 : i32 to vector<16xi32>
      %add3A_401 = arith.addi %add3A_400, %iota3A : vector<16xi32>
      %shift_right_arithmetic3A_402 = arith.constant 1 : i32
      %shift_right_arithmetic3A_403 = vector.broadcast %shift_right_arithmetic3A_402 : i32 to vector<16xi32>
      %shift_right_arithmetic3A_404 = arith.shrsi %add3A_401, %shift_right_arithmetic3A_403 : vector<16xi32>
      %and3A_405 = arith.constant 1 : i32
      %and3A_406 = vector.broadcast %and3A_405 : i32 to vector<16xi32>
      %and3A_407 = arith.andi %add3A_401, %and3A_406 : vector<16xi32>
      %gather3A_408 = tpu.vector_load_idx %arg10[%shift_right_arithmetic3A_404, %and3A_407] : memref<128x16xi32, #tpu.memory_space<vmem>>[vector<16xi32>, vector<16xi32>], vector<16xi32>,
      %swap3A_409 = arith.constant 128 : index
      %swap3A_410 = tpu.vector_load %arg12[%swap3A_409] {strides = array<i32>} : memref<256xi32, #tpu.memory_space<vmem>>, vector<16xi32>,
      tpu.vector_store %arg12[%swap3A_409], %gather3A_408 {strides = array<i32>} : memref<256xi32, #tpu.memory_space<vmem>>, vector<16xi32>,
      %add3A_411 = arith.constant 144 : i32
      %add3A_412 = vector.broadcast %add3A_411 : i32 to vector<16xi32>
      %add3A_413 = arith.addi %add3A_412, %iota3A : vector<16xi32>
      %shift_right_arithmetic3A_414 = arith.constant 1 : i32
      %shift_right_arithmetic3A_415 = vector.broadcast %shift_right_arithmetic3A_414 : i32 to vector<16xi32>
      %shift_right_arithmetic3A_416 = arith.shrsi %add3A_413, %shift_right_arithmetic3A_415 : vector<16xi32>
      %and3A_417 = arith.constant 1 : i32
      %and3A_418 = vector.broadcast %and3A_417 : i32 to vector<16xi32>
      %and3A_419 = arith.andi %add3A_413, %and3A_418 : vector<16xi32>
      %gather3A_420 = tpu.vector_load_idx %arg10[%shift_right_arithmetic3A_416, %and3A_419] : memref<128x16xi32, #tpu.memory_space<vmem>>[vector<16xi32>, vector<16xi32>], vector<16xi32>,
      %swap3A_421 = arith.constant 144 : index
      %swap3A_422 = tpu.vector_load %arg12[%swap3A_421] {strides = array<i32>} : memref<256xi32, #tpu.memory_space<vmem>>, vector<16xi32>,
      tpu.vector_store %arg12[%swap3A_421], %gather3A_420 {strides = array<i32>} : memref<256xi32, #tpu.memory_space<vmem>>, vector<16xi32>,
      %add3A_423 = arith.constant 160 : i32
      %add3A_424 = vector.broadcast %add3A_423 : i32 to vector<16xi32>
      %add3A_425 = arith.addi %add3A_424, %iota3A : vector<16xi32>
      %shift_right_arithmetic3A_426 = arith.constant 1 : i32
      %shift_right_arithmetic3A_427 = vector.broadcast %shift_right_arithmetic3A_426 : i32 to vector<16xi32>
      %shift_right_arithmetic3A_428 = arith.shrsi %add3A_425, %shift_right_arithmetic3A_427 : vector<16xi32>
      %and3A_429 = arith.constant 1 : i32
      %and3A_430 = vector.broadcast %and3A_429 : i32 to vector<16xi32>
      %and3A_431 = arith.andi %add3A_425, %and3A_430 : vector<16xi32>
      %gather3A_432 = tpu.vector_load_idx %arg10[%shift_right_arithmetic3A_428, %and3A_431] : memref<128x16xi32, #tpu.memory_space<vmem>>[vector<16xi32>, vector<16xi32>], vector<16xi32>,
      %swap3A_433 = arith.constant 160 : index
      %swap3A_434 = tpu.vector_load %arg12[%swap3A_433] {strides = array<i32>} : memref<256xi32, #tpu.memory_space<vmem>>, vector<16xi32>,
      tpu.vector_store %arg12[%swap3A_433], %gather3A_432 {strides = array<i32>} : memref<256xi32, #tpu.memory_space<vmem>>, vector<16xi32>,
      %add3A_435 = arith.constant 176 : i32
      %add3A_436 = vector.broadcast %add3A_435 : i32 to vector<16xi32>
      %add3A_437 = arith.addi %add3A_436, %iota3A : vector<16xi32>
      %shift_right_arithmetic3A_438 = arith.constant 1 : i32
      %shift_right_arithmetic3A_439 = vector.broadcast %shift_right_arithmetic3A_438 : i32 to vector<16xi32>
      %shift_right_arithmetic3A_440 = arith.shrsi %add3A_437, %shift_right_arithmetic3A_439 : vector<16xi32>
      %and3A_441 = arith.constant 1 : i32
      %and3A_442 = vector.broadcast %and3A_441 : i32 to vector<16xi32>
      %and3A_443 = arith.andi %add3A_437, %and3A_442 : vector<16xi32>
      %gather3A_444 = tpu.vector_load_idx %arg10[%shift_right_arithmetic3A_440, %and3A_443] : memref<128x16xi32, #tpu.memory_space<vmem>>[vector<16xi32>, vector<16xi32>], vector<16xi32>,
      %swap3A_445 = arith.constant 176 : index
      %swap3A_446 = tpu.vector_load %arg12[%swap3A_445] {strides = array<i32>} : memref<256xi32, #tpu.memory_space<vmem>>, vector<16xi32>,
      tpu.vector_store %arg12[%swap3A_445], %gather3A_444 {strides = array<i32>} : memref<256xi32, #tpu.memory_space<vmem>>, vector<16xi32>,
      %add3A_447 = arith.constant 192 : i32
      %add3A_448 = vector.broadcast %add3A_447 : i32 to vector<16xi32>
      %add3A_449 = arith.addi %add3A_448, %iota3A : vector<16xi32>
      %shift_right_arithmetic3A_450 = arith.constant 1 : i32
      %shift_right_arithmetic3A_451 = vector.broadcast %shift_right_arithmetic3A_450 : i32 to vector<16xi32>
      %shift_right_arithmetic3A_452 = arith.shrsi %add3A_449, %shift_right_arithmetic3A_451 : vector<16xi32>
      %and3A_453 = arith.constant 1 : i32
      %and3A_454 = vector.broadcast %and3A_453 : i32 to vector<16xi32>
      %and3A_455 = arith.andi %add3A_449, %and3A_454 : vector<16xi32>
      %gather3A_456 = tpu.vector_load_idx %arg10[%shift_right_arithmetic3A_452, %and3A_455] : memref<128x16xi32, #tpu.memory_space<vmem>>[vector<16xi32>, vector<16xi32>], vector<16xi32>,
      %swap3A_457 = arith.constant 192 : index
      %swap3A_458 = tpu.vector_load %arg12[%swap3A_457] {strides = array<i32>} : memref<256xi32, #tpu.memory_space<vmem>>, vector<16xi32>,
      tpu.vector_store %arg12[%swap3A_457], %gather3A_456 {strides = array<i32>} : memref<256xi32, #tpu.memory_space<vmem>>, vector<16xi32>,
      %add3A_459 = arith.constant 208 : i32
      %add3A_460 = vector.broadcast %add3A_459 : i32 to vector<16xi32>
      %add3A_461 = arith.addi %add3A_460, %iota3A : vector<16xi32>
      %shift_right_arithmetic3A_462 = arith.constant 1 : i32
      %shift_right_arithmetic3A_463 = vector.broadcast %shift_right_arithmetic3A_462 : i32 to vector<16xi32>
      %shift_right_arithmetic3A_464 = arith.shrsi %add3A_461, %shift_right_arithmetic3A_463 : vector<16xi32>
      %and3A_465 = arith.constant 1 : i32
      %and3A_466 = vector.broadcast %and3A_465 : i32 to vector<16xi32>
      %and3A_467 = arith.andi %add3A_461, %and3A_466 : vector<16xi32>
      %gather3A_468 = tpu.vector_load_idx %arg10[%shift_right_arithmetic3A_464, %and3A_467] : memref<128x16xi32, #tpu.memory_space<vmem>>[vector<16xi32>, vector<16xi32>], vector<16xi32>,
      %swap3A_469 = arith.constant 208 : index
      %swap3A_470 = tpu.vector_load %arg12[%swap3A_469] {strides = array<i32>} : memref<256xi32, #tpu.memory_space<vmem>>, vector<16xi32>,
      tpu.vector_store %arg12[%swap3A_469], %gather3A_468 {strides = array<i32>} : memref<256xi32, #tpu.memory_space<vmem>>, vector<16xi32>,
      %add3A_471 = arith.constant 224 : i32
      %add3A_472 = vector.broadcast %add3A_471 : i32 to vector<16xi32>
      %add3A_473 = arith.addi %add3A_472, %iota3A : vector<16xi32>
      %shift_right_arithmetic3A_474 = arith.constant 1 : i32
      %shift_right_arithmetic3A_475 = vector.broadcast %shift_right_arithmetic3A_474 : i32 to vector<16xi32>
      %shift_right_arithmetic3A_476 = arith.shrsi %add3A_473, %shift_right_arithmetic3A_475 : vector<16xi32>
      %and3A_477 = arith.constant 1 : i32
      %and3A_478 = vector.broadcast %and3A_477 : i32 to vector<16xi32>
      %and3A_479 = arith.andi %add3A_473, %and3A_478 : vector<16xi32>
      %gather3A_480 = tpu.vector_load_idx %arg10[%shift_right_arithmetic3A_476, %and3A_479] : memref<128x16xi32, #tpu.memory_space<vmem>>[vector<16xi32>, vector<16xi32>], vector<16xi32>,
      %swap3A_481 = arith.constant 224 : index
      %swap3A_482 = tpu.vector_load %arg12[%swap3A_481] {strides = array<i32>} : memref<256xi32, #tpu.memory_space<vmem>>, vector<16xi32>,
      tpu.vector_store %arg12[%swap3A_481], %gather3A_480 {strides = array<i32>} : memref<256xi32, #tpu.memory_space<vmem>>, vector<16xi32>,
      %add3A_483 = arith.constant 240 : i32
      %add3A_484 = vector.broadcast %add3A_483 : i32 to vector<16xi32>
      %add3A_485 = arith.addi %add3A_484, %iota3A : vector<16xi32>
      %shift_right_arithmetic3A_486 = arith.constant 1 : i32
      %shift_right_arithmetic3A_487 = vector.broadcast %shift_right_arithmetic3A_486 : i32 to vector<16xi32>
      %shift_right_arithmetic3A_488 = arith.shrsi %add3A_485, %shift_right_arithmetic3A_487 : vector<16xi32>
      %and3A_489 = arith.constant 1 : i32
      %and3A_490 = vector.broadcast %and3A_489 : i32 to vector<16xi32>
      %and3A_491 = arith.andi %add3A_485, %and3A_490 : vector<16xi32>
      %gather3A_492 = tpu.vector_load_idx %arg10[%shift_right_arithmetic3A_488, %and3A_491] : memref<128x16xi32, #tpu.memory_space<vmem>>[vector<16xi32>, vector<16xi32>], vector<16xi32>,
      %swap3A_493 = arith.constant 240 : index
      %swap3A_494 = tpu.vector_load %arg12[%swap3A_493] {strides = array<i32>} : memref<256xi32, #tpu.memory_space<vmem>>, vector<16xi32>,
      tpu.vector_store %arg12[%swap3A_493], %gather3A_492 {strides = array<i32>} : memref<256xi32, #tpu.memory_space<vmem>>, vector<16xi32>,
      %add3A_495 = arith.constant 0 : i32
      %add3A_496 = vector.broadcast %add3A_495 : i32 to vector<16xi32>
      %add3A_497 = arith.addi %add3A_496, %iota3A : vector<16xi32>
      %gather3A_498 = tpu.vector_load_idx %arg10[%add3A_497, %add3A_68] : memref<128x16xi32, #tpu.memory_space<vmem>>[vector<16xi32>, vector<16xi32>], vector<16xi32>,
      %swap3A_499 = arith.constant 0 : index
      %swap3A_500 = tpu.vector_load %arg13[%swap3A_499] {strides = array<i32>} : memref<128xi32, #tpu.memory_space<vmem>>, vector<16xi32>,
      tpu.vector_store %arg13[%swap3A_499], %gather3A_498 {strides = array<i32>} : memref<128xi32, #tpu.memory_space<vmem>>, vector<16xi32>,
      %add3A_501 = arith.constant 16 : i32
      %add3A_502 = vector.broadcast %add3A_501 : i32 to vector<16xi32>
      %add3A_503 = arith.addi %add3A_502, %iota3A : vector<16xi32>
      %gather3A_504 = tpu.vector_load_idx %arg10[%add3A_503, %add3A_68] : memref<128x16xi32, #tpu.memory_space<vmem>>[vector<16xi32>, vector<16xi32>], vector<16xi32>,
      %swap3A_505 = arith.constant 16 : index
      %swap3A_506 = tpu.vector_load %arg13[%swap3A_505] {strides = array<i32>} : memref<128xi32, #tpu.memory_space<vmem>>, vector<16xi32>,
      tpu.vector_store %arg13[%swap3A_505], %gather3A_504 {strides = array<i32>} : memref<128xi32, #tpu.memory_space<vmem>>, vector<16xi32>,
      %add3A_507 = arith.constant 32 : i32
      %add3A_508 = vector.broadcast %add3A_507 : i32 to vector<16xi32>
      %add3A_509 = arith.addi %add3A_508, %iota3A : vector<16xi32>
      %gather3A_510 = tpu.vector_load_idx %arg10[%add3A_509, %add3A_68] : memref<128x16xi32, #tpu.memory_space<vmem>>[vector<16xi32>, vector<16xi32>], vector<16xi32>,
      %swap3A_511 = arith.constant 32 : index
      %swap3A_512 = tpu.vector_load %arg13[%swap3A_511] {strides = array<i32>} : memref<128xi32, #tpu.memory_space<vmem>>, vector<16xi32>,
      tpu.vector_store %arg13[%swap3A_511], %gather3A_510 {strides = array<i32>} : memref<128xi32, #tpu.memory_space<vmem>>, vector<16xi32>,
      %add3A_513 = arith.constant 48 : i32
      %add3A_514 = vector.broadcast %add3A_513 : i32 to vector<16xi32>
      %add3A_515 = arith.addi %add3A_514, %iota3A : vector<16xi32>
      %gather3A_516 = tpu.vector_load_idx %arg10[%add3A_515, %add3A_68] : memref<128x16xi32, #tpu.memory_space<vmem>>[vector<16xi32>, vector<16xi32>], vector<16xi32>,
      %swap3A_517 = arith.constant 48 : index
      %swap3A_518 = tpu.vector_load %arg13[%swap3A_517] {strides = array<i32>} : memref<128xi32, #tpu.memory_space<vmem>>, vector<16xi32>,
      tpu.vector_store %arg13[%swap3A_517], %gather3A_516 {strides = array<i32>} : memref<128xi32, #tpu.memory_space<vmem>>, vector<16xi32>,
      %add3A_519 = arith.constant 64 : i32
      %add3A_520 = vector.broadcast %add3A_519 : i32 to vector<16xi32>
      %add3A_521 = arith.addi %add3A_520, %iota3A : vector<16xi32>
      %gather3A_522 = tpu.vector_load_idx %arg10[%add3A_521, %add3A_68] : memref<128x16xi32, #tpu.memory_space<vmem>>[vector<16xi32>, vector<16xi32>], vector<16xi32>,
      %swap3A_523 = arith.constant 64 : index
      %swap3A_524 = tpu.vector_load %arg13[%swap3A_523] {strides = array<i32>} : memref<128xi32, #tpu.memory_space<vmem>>, vector<16xi32>,
      tpu.vector_store %arg13[%swap3A_523], %gather3A_522 {strides = array<i32>} : memref<128xi32, #tpu.memory_space<vmem>>, vector<16xi32>,
      %add3A_525 = arith.constant 80 : i32
      %add3A_526 = vector.broadcast %add3A_525 : i32 to vector<16xi32>
      %add3A_527 = arith.addi %add3A_526, %iota3A : vector<16xi32>
      %gather3A_528 = tpu.vector_load_idx %arg10[%add3A_527, %add3A_68] : memref<128x16xi32, #tpu.memory_space<vmem>>[vector<16xi32>, vector<16xi32>], vector<16xi32>,
      %swap3A_529 = arith.constant 80 : index
      %swap3A_530 = tpu.vector_load %arg13[%swap3A_529] {strides = array<i32>} : memref<128xi32, #tpu.memory_space<vmem>>, vector<16xi32>,
      tpu.vector_store %arg13[%swap3A_529], %gather3A_528 {strides = array<i32>} : memref<128xi32, #tpu.memory_space<vmem>>, vector<16xi32>,
      %add3A_531 = arith.constant 96 : i32
      %add3A_532 = vector.broadcast %add3A_531 : i32 to vector<16xi32>
      %add3A_533 = arith.addi %add3A_532, %iota3A : vector<16xi32>
      %gather3A_534 = tpu.vector_load_idx %arg10[%add3A_533, %add3A_68] : memref<128x16xi32, #tpu.memory_space<vmem>>[vector<16xi32>, vector<16xi32>], vector<16xi32>,
      %swap3A_535 = arith.constant 96 : index
      %swap3A_536 = tpu.vector_load %arg13[%swap3A_535] {strides = array<i32>} : memref<128xi32, #tpu.memory_space<vmem>>, vector<16xi32>,
      tpu.vector_store %arg13[%swap3A_535], %gather3A_534 {strides = array<i32>} : memref<128xi32, #tpu.memory_space<vmem>>, vector<16xi32>,
      %add3A_537 = arith.constant 112 : i32
      %add3A_538 = vector.broadcast %add3A_537 : i32 to vector<16xi32>
      %add3A_539 = arith.addi %add3A_538, %iota3A : vector<16xi32>
      %gather3A_540 = tpu.vector_load_idx %arg10[%add3A_539, %add3A_68] : memref<128x16xi32, #tpu.memory_space<vmem>>[vector<16xi32>, vector<16xi32>], vector<16xi32>,
      %swap3A_541 = arith.constant 112 : index
      %swap3A_542 = tpu.vector_load %arg13[%swap3A_541] {strides = array<i32>} : memref<128xi32, #tpu.memory_space<vmem>>, vector<16xi32>,
      tpu.vector_store %arg13[%swap3A_541], %gather3A_540 {strides = array<i32>} : memref<128xi32, #tpu.memory_space<vmem>>, vector<16xi32>,
      %dma_start3A_543 = arith.constant 0 : i32
      %dma_start3A_544 = arith.constant 0 : i32
      %dma_start3A_545 = tpu.memref_slice %arg14[%dma_start3A_543, %dma_start3A_544] : memref<256x128xf32, #tpu.memory_space<vmem>> -> memref<128x128xf32, #tpu.memory_space<vmem>>
      %dma_start3A_546 = arith.constant 0 : i32
      %dma_start3A_547 = tpu.memref_slice %arg12[%dma_start3A_546] : memref<256xi32, #tpu.memory_space<vmem>> -> memref<128xi32, #tpu.memory_space<vmem>>
      %dma_start3A_548 = arith.constant 0 : i32
      %dma_start3A_549 = arith.constant 0 : i32
      %dma_start3A_550 = tpu.memref_slice %arg2[%dma_start3A_548, %dma_start3A_549] : memref<100000x128xf32, #tpu.memory_space<hbm>> -> memref<100000x128xf32, #tpu.memory_space<hbm>>
      tpu.enqueue_indirect_dma source(%dma_start3A_550 : memref<100000x128xf32, #tpu.memory_space<hbm>>) target(%dma_start3A_545 : memref<128x128xf32, #tpu.memory_space<vmem>>) offsets(%dma_start3A_547 : memref<128xi32, #tpu.memory_space<vmem>>) semaphore(%arg18 : memref<!tpu.dma_semaphore, #tpu.memory_space<semaphore_mem>>)
      %dma_start3A_551 = arith.constant 128 : i32
      %dma_start3A_552 = arith.constant 0 : i32
      %dma_start3A_553 = tpu.memref_slice %arg14[%dma_start3A_551, %dma_start3A_552] : memref<256x128xf32, #tpu.memory_space<vmem>> -> memref<128x128xf32, #tpu.memory_space<vmem>>
      %dma_start3A_554 = arith.constant 128 : i32
      %dma_start3A_555 = tpu.memref_slice %arg12[%dma_start3A_554] : memref<256xi32, #tpu.memory_space<vmem>> -> memref<128xi32, #tpu.memory_space<vmem>>
      %dma_start3A_556 = arith.constant 0 : i32
      %dma_start3A_557 = arith.constant 0 : i32
      %dma_start3A_558 = tpu.memref_slice %arg2[%dma_start3A_556, %dma_start3A_557] : memref<100000x128xf32, #tpu.memory_space<hbm>> -> memref<100000x128xf32, #tpu.memory_space<hbm>>
      tpu.enqueue_indirect_dma source(%dma_start3A_558 : memref<100000x128xf32, #tpu.memory_space<hbm>>) target(%dma_start3A_553 : memref<128x128xf32, #tpu.memory_space<vmem>>) offsets(%dma_start3A_555 : memref<128xi32, #tpu.memory_space<vmem>>) semaphore(%arg19 : memref<!tpu.dma_semaphore, #tpu.memory_space<semaphore_mem>>)
      %dma_start3A_559 = arith.constant 0 : i32
      %dma_start3A_560 = arith.constant 0 : i32
      %dma_start3A_561 = tpu.memref_slice %arg3[%dma_start3A_559, %dma_start3A_560] : memref<10000x128xf32, #tpu.memory_space<hbm>> -> memref<10000x128xf32, #tpu.memory_space<hbm>>
      tpu.enqueue_indirect_dma source(%dma_start3A_561 : memref<10000x128xf32, #tpu.memory_space<hbm>>) target(%arg15 : memref<128x128xf32, #tpu.memory_space<vmem>>) offsets(%arg13 : memref<128xi32, #tpu.memory_space<vmem>>) semaphore(%arg21 : memref<!tpu.dma_semaphore, #tpu.memory_space<semaphore_mem>>)
      %dma_wait3A_562 = arith.constant 0 : i32
      %dma_wait3A_563 = arith.constant 0 : i32
      %dma_wait3A_564 = tpu.memref_slice %arg14[%dma_wait3A_562, %dma_wait3A_563] : memref<256x128xf32, #tpu.memory_space<vmem>> -> memref<128x128xf32, #tpu.memory_space<vmem>>
      %dma_wait3A_565 = arith.constant 0 : i32
      %dma_wait3A_566 = tpu.memref_slice %arg12[%dma_wait3A_565] : memref<256xi32, #tpu.memory_space<vmem>> -> memref<128xi32, #tpu.memory_space<vmem>>
      %dma_wait3A_567 = arith.constant 0 : i32
      %dma_wait3A_568 = arith.constant 0 : i32
      %dma_wait3A_569 = tpu.memref_slice %arg2[%dma_wait3A_567, %dma_wait3A_568] : memref<100000x128xf32, #tpu.memory_space<hbm>> -> memref<100000x128xf32, #tpu.memory_space<hbm>>
      tpu.wait_indirect_dma semaphore(%arg18 : memref<!tpu.dma_semaphore, #tpu.memory_space<semaphore_mem>>) src(%dma_wait3A_569 : memref<100000x128xf32, #tpu.memory_space<hbm>>) dst(%dma_wait3A_564 : memref<128x128xf32, #tpu.memory_space<vmem>>)
      %dma_wait3A_570 = arith.constant 128 : i32
      %dma_wait3A_571 = arith.constant 0 : i32
      %dma_wait3A_572 = tpu.memref_slice %arg14[%dma_wait3A_570, %dma_wait3A_571] : memref<256x128xf32, #tpu.memory_space<vmem>> -> memref<128x128xf32, #tpu.memory_space<vmem>>
      %dma_wait3A_573 = arith.constant 128 : i32
      %dma_wait3A_574 = tpu.memref_slice %arg12[%dma_wait3A_573] : memref<256xi32, #tpu.memory_space<vmem>> -> memref<128xi32, #tpu.memory_space<vmem>>
      %dma_wait3A_575 = arith.constant 0 : i32
      %dma_wait3A_576 = arith.constant 0 : i32
      %dma_wait3A_577 = tpu.memref_slice %arg2[%dma_wait3A_575, %dma_wait3A_576] : memref<100000x128xf32, #tpu.memory_space<hbm>> -> memref<100000x128xf32, #tpu.memory_space<hbm>>
      tpu.wait_indirect_dma semaphore(%arg19 : memref<!tpu.dma_semaphore, #tpu.memory_space<semaphore_mem>>) src(%dma_wait3A_577 : memref<100000x128xf32, #tpu.memory_space<hbm>>) dst(%dma_wait3A_572 : memref<128x128xf32, #tpu.memory_space<vmem>>)
      %dma_wait3A_578 = arith.constant 0 : i32
      %dma_wait3A_579 = arith.constant 0 : i32
      %dma_wait3A_580 = tpu.memref_slice %arg3[%dma_wait3A_578, %dma_wait3A_579] : memref<10000x128xf32, #tpu.memory_space<hbm>> -> memref<10000x128xf32, #tpu.memory_space<hbm>>
      tpu.wait_indirect_dma semaphore(%arg21 : memref<!tpu.dma_semaphore, #tpu.memory_space<semaphore_mem>>) src(%dma_wait3A_580 : memref<10000x128xf32, #tpu.memory_space<hbm>>) dst(%arg15 : memref<128x128xf32, #tpu.memory_space<vmem>>)
      %broadcast_in_dim3A_581 = arith.constant 0.000000e+00 : f32
      %broadcast_in_dim3A_582 = vector.broadcast %broadcast_in_dim3A_581 : f32 to vector<16xf32>
      %scan3A_583 = arith.constant 0 : i32
      %scan3A_584 = arith.constant 32 : i32
      %scan3A_585 = arith.addi %scan3A_583, %scan3A_584 : i32
      %scan3A_586 = arith.constant 1 : i32
      %scan3A_587:8 = scf.for %scan3A_917 = %scan3A_583 to %scan3A_585 step %scan3A_586 iter_args(%scan3A_918 = %broadcast_in_dim3A_582, %scan3A_919 = %broadcast_in_dim3A_582, %scan3A_920 = %broadcast_in_dim3A_582, %scan3A_921 = %broadcast_in_dim3A_582, %scan3A_922 = %broadcast_in_dim3A_582, %scan3A_923 = %broadcast_in_dim3A_582, %scan3A_924 = %broadcast_in_dim3A_582, %scan3A_925 = %broadcast_in_dim3A_582) -> (vector<16xf32>, vector<16xf32>, vector<16xf32>, vector<16xf32>, vector<16xf32>, vector<16xf32>, vector<16xf32>, vector<16xf32>)  : i32 {
        %mul3A_926 = arith.constant 2 : i32
        %mul3A_927 = arith.muli %mul3A_926, %scan3A_917 : i32
        %add3A_928 = arith.constant 0 : i32
        %add3A_929 = arith.addi %add3A_928, %mul3A_927 : i32
        %add3A_930 = arith.constant 0 : i32
        %add3A_931 = arith.addi %add3A_930, %scan3A_917 : i32
        %get3A_932 = arith.index_cast %add3A_929 : i32 to index
        %get3A_933 = arith.constant 0 : index
        %get3A_934 = tpu.vector_load %arg14[%get3A_932, %get3A_933] {strides = array<i32>} : memref<256x128xf32, #tpu.memory_space<vmem>>, vector<16xf32>,
        %add3A_935 = arith.constant 1 : i32
        %add3A_936 = arith.addi %add3A_929, %add3A_935 : i32
        %get3A_937 = arith.index_cast %add3A_936 : i32 to index
        %get3A_938 = arith.constant 0 : index
        %get3A_939 = tpu.vector_load %arg14[%get3A_937, %get3A_938] {strides = array<i32>} : memref<256x128xf32, #tpu.memory_space<vmem>>, vector<16xf32>,
        %add3A_940 = arith.addf %get3A_934, %get3A_939 : vector<16xf32>
        %get3A_941 = arith.index_cast %add3A_931 : i32 to index
        %get3A_942 = arith.constant 0 : index
        %get3A_943 = tpu.vector_load %arg15[%get3A_941, %get3A_942] {strides = array<i32>} : memref<128x128xf32, #tpu.memory_space<vmem>>, vector<16xf32>,
        %add3A_944 = arith.addf %scan3A_918, %add3A_940 : vector<16xf32>
        %add3A_945 = arith.addf %add3A_944, %get3A_943 : vector<16xf32>
        %add3A_946 = arith.addf %add3A_945, %get3A_943 : vector<16xf32>
        %get3A_947 = arith.index_cast %add3A_929 : i32 to index
        %get3A_948 = arith.constant 16 : index
        %get3A_949 = tpu.vector_load %arg14[%get3A_947, %get3A_948] {strides = array<i32>} : memref<256x128xf32, #tpu.memory_space<vmem>>, vector<16xf32>,
        %add3A_950 = arith.constant 1 : i32
        %add3A_951 = arith.addi %add3A_929, %add3A_950 : i32
        %get3A_952 = arith.index_cast %add3A_951 : i32 to index
        %get3A_953 = arith.constant 16 : index
        %get3A_954 = tpu.vector_load %arg14[%get3A_952, %get3A_953] {strides = array<i32>} : memref<256x128xf32, #tpu.memory_space<vmem>>, vector<16xf32>,
        %add3A_955 = arith.addf %get3A_949, %get3A_954 : vector<16xf32>
        %get3A_956 = arith.index_cast %add3A_931 : i32 to index
        %get3A_957 = arith.constant 16 : index
        %get3A_958 = tpu.vector_load %arg15[%get3A_956, %get3A_957] {strides = array<i32>} : memref<128x128xf32, #tpu.memory_space<vmem>>, vector<16xf32>,
        %add3A_959 = arith.addf %scan3A_919, %add3A_955 : vector<16xf32>
        %add3A_960 = arith.addf %add3A_959, %get3A_958 : vector<16xf32>
        %add3A_961 = arith.addf %add3A_960, %get3A_958 : vector<16xf32>
        %get3A_962 = arith.index_cast %add3A_929 : i32 to index
        %get3A_963 = arith.constant 32 : index
        %get3A_964 = tpu.vector_load %arg14[%get3A_962, %get3A_963] {strides = array<i32>} : memref<256x128xf32, #tpu.memory_space<vmem>>, vector<16xf32>,
        %add3A_965 = arith.constant 1 : i32
        %add3A_966 = arith.addi %add3A_929, %add3A_965 : i32
        %get3A_967 = arith.index_cast %add3A_966 : i32 to index
        %get3A_968 = arith.constant 32 : index
        %get3A_969 = tpu.vector_load %arg14[%get3A_967, %get3A_968] {strides = array<i32>} : memref<256x128xf32, #tpu.memory_space<vmem>>, vector<16xf32>,
        %add3A_970 = arith.addf %get3A_964, %get3A_969 : vector<16xf32>
        %get3A_971 = arith.index_cast %add3A_931 : i32 to index
        %get3A_972 = arith.constant 32 : index
        %get3A_973 = tpu.vector_load %arg15[%get3A_971, %get3A_972] {strides = array<i32>} : memref<128x128xf32, #tpu.memory_space<vmem>>, vector<16xf32>,
        %add3A_974 = arith.addf %scan3A_920, %add3A_970 : vector<16xf32>
        %add3A_975 = arith.addf %add3A_974, %get3A_973 : vector<16xf32>
        %add3A_976 = arith.addf %add3A_975, %get3A_973 : vector<16xf32>
        %get3A_977 = arith.index_cast %add3A_929 : i32 to index
        %get3A_978 = arith.constant 48 : index
        %get3A_979 = tpu.vector_load %arg14[%get3A_977, %get3A_978] {strides = array<i32>} : memref<256x128xf32, #tpu.memory_space<vmem>>, vector<16xf32>,
        %add3A_980 = arith.constant 1 : i32
        %add3A_981 = arith.addi %add3A_929, %add3A_980 : i32
        %get3A_982 = arith.index_cast %add3A_981 : i32 to index
        %get3A_983 = arith.constant 48 : index
        %get3A_984 = tpu.vector_load %arg14[%get3A_982, %get3A_983] {strides = array<i32>} : memref<256x128xf32, #tpu.memory_space<vmem>>, vector<16xf32>,
        %add3A_985 = arith.addf %get3A_979, %get3A_984 : vector<16xf32>
        %get3A_986 = arith.index_cast %add3A_931 : i32 to index
        %get3A_987 = arith.constant 48 : index
        %get3A_988 = tpu.vector_load %arg15[%get3A_986, %get3A_987] {strides = array<i32>} : memref<128x128xf32, #tpu.memory_space<vmem>>, vector<16xf32>,
        %add3A_989 = arith.addf %scan3A_921, %add3A_985 : vector<16xf32>
        %add3A_990 = arith.addf %add3A_989, %get3A_988 : vector<16xf32>
        %add3A_991 = arith.addf %add3A_990, %get3A_988 : vector<16xf32>
        %get3A_992 = arith.index_cast %add3A_929 : i32 to index
        %get3A_993 = arith.constant 64 : index
        %get3A_994 = tpu.vector_load %arg14[%get3A_992, %get3A_993] {strides = array<i32>} : memref<256x128xf32, #tpu.memory_space<vmem>>, vector<16xf32>,
        %add3A_995 = arith.constant 1 : i32
        %add3A_996 = arith.addi %add3A_929, %add3A_995 : i32
        %get3A_997 = arith.index_cast %add3A_996 : i32 to index
        %get3A_998 = arith.constant 64 : index
        %get3A_999 = tpu.vector_load %arg14[%get3A_997, %get3A_998] {strides = array<i32>} : memref<256x128xf32, #tpu.memory_space<vmem>>, vector<16xf32>,
        %add3A_1000 = arith.addf %get3A_994, %get3A_999 : vector<16xf32>
        %get3A_1001 = arith.index_cast %add3A_931 : i32 to index
        %get3A_1002 = arith.constant 64 : index
        %get3A_1003 = tpu.vector_load %arg15[%get3A_1001, %get3A_1002] {strides = array<i32>} : memref<128x128xf32, #tpu.memory_space<vmem>>, vector<16xf32>,
        %add3A_1004 = arith.addf %scan3A_922, %add3A_1000 : vector<16xf32>
        %add3A_1005 = arith.addf %add3A_1004, %get3A_1003 : vector<16xf32>
        %add3A_1006 = arith.addf %add3A_1005, %get3A_1003 : vector<16xf32>
        %get3A_1007 = arith.index_cast %add3A_929 : i32 to index
        %get3A_1008 = arith.constant 80 : index
        %get3A_1009 = tpu.vector_load %arg14[%get3A_1007, %get3A_1008] {strides = array<i32>} : memref<256x128xf32, #tpu.memory_space<vmem>>, vector<16xf32>,
        %add3A_1010 = arith.constant 1 : i32
        %add3A_1011 = arith.addi %add3A_929, %add3A_1010 : i32
        %get3A_1012 = arith.index_cast %add3A_1011 : i32 to index
        %get3A_1013 = arith.constant 80 : index
        %get3A_1014 = tpu.vector_load %arg14[%get3A_1012, %get3A_1013] {strides = array<i32>} : memref<256x128xf32, #tpu.memory_space<vmem>>, vector<16xf32>,
        %add3A_1015 = arith.addf %get3A_1009, %get3A_1014 : vector<16xf32>
        %get3A_1016 = arith.index_cast %add3A_931 : i32 to index
        %get3A_1017 = arith.constant 80 : index
        %get3A_1018 = tpu.vector_load %arg15[%get3A_1016, %get3A_1017] {strides = array<i32>} : memref<128x128xf32, #tpu.memory_space<vmem>>, vector<16xf32>,
        %add3A_1019 = arith.addf %scan3A_923, %add3A_1015 : vector<16xf32>
        %add3A_1020 = arith.addf %add3A_1019, %get3A_1018 : vector<16xf32>
        %add3A_1021 = arith.addf %add3A_1020, %get3A_1018 : vector<16xf32>
        %get3A_1022 = arith.index_cast %add3A_929 : i32 to index
        %get3A_1023 = arith.constant 96 : index
        %get3A_1024 = tpu.vector_load %arg14[%get3A_1022, %get3A_1023] {strides = array<i32>} : memref<256x128xf32, #tpu.memory_space<vmem>>, vector<16xf32>,
        %add3A_1025 = arith.constant 1 : i32
        %add3A_1026 = arith.addi %add3A_929, %add3A_1025 : i32
        %get3A_1027 = arith.index_cast %add3A_1026 : i32 to index
        %get3A_1028 = arith.constant 96 : index
        %get3A_1029 = tpu.vector_load %arg14[%get3A_1027, %get3A_1028] {strides = array<i32>} : memref<256x128xf32, #tpu.memory_space<vmem>>, vector<16xf32>,
        %add3A_1030 = arith.addf %get3A_1024, %get3A_1029 : vector<16xf32>
        %get3A_1031 = arith.index_cast %add3A_931 : i32 to index
        %get3A_1032 = arith.constant 96 : index
        %get3A_1033 = tpu.vector_load %arg15[%get3A_1031, %get3A_1032] {strides = array<i32>} : memref<128x128xf32, #tpu.memory_space<vmem>>, vector<16xf32>,
        %add3A_1034 = arith.addf %scan3A_924, %add3A_1030 : vector<16xf32>
        %add3A_1035 = arith.addf %add3A_1034, %get3A_1033 : vector<16xf32>
        %add3A_1036 = arith.addf %add3A_1035, %get3A_1033 : vector<16xf32>
        %get3A_1037 = arith.index_cast %add3A_929 : i32 to index
        %get3A_1038 = arith.constant 112 : index
        %get3A_1039 = tpu.vector_load %arg14[%get3A_1037, %get3A_1038] {strides = array<i32>} : memref<256x128xf32, #tpu.memory_space<vmem>>, vector<16xf32>,
        %add3A_1040 = arith.constant 1 : i32
        %add3A_1041 = arith.addi %add3A_929, %add3A_1040 : i32
        %get3A_1042 = arith.index_cast %add3A_1041 : i32 to index
        %get3A_1043 = arith.constant 112 : index
        %get3A_1044 = tpu.vector_load %arg14[%get3A_1042, %get3A_1043] {strides = array<i32>} : memref<256x128xf32, #tpu.memory_space<vmem>>, vector<16xf32>,
        %add3A_1045 = arith.addf %get3A_1039, %get3A_1044 : vector<16xf32>
        %get3A_1046 = arith.index_cast %add3A_931 : i32 to index
        %get3A_1047 = arith.constant 112 : index
        %get3A_1048 = tpu.vector_load %arg15[%get3A_1046, %get3A_1047] {strides = array<i32>} : memref<128x128xf32, #tpu.memory_space<vmem>>, vector<16xf32>,
        %add3A_1049 = arith.addf %scan3A_925, %add3A_1045 : vector<16xf32>
        %add3A_1050 = arith.addf %add3A_1049, %get3A_1048 : vector<16xf32>
        %add3A_1051 = arith.addf %add3A_1050, %get3A_1048 : vector<16xf32>
        scf.yield %add3A_946, %add3A_961, %add3A_976, %add3A_991, %add3A_1006, %add3A_1021, %add3A_1036, %add3A_1051 : vector<16xf32>, vector<16xf32>, vector<16xf32>, vector<16xf32>, vector<16xf32>, vector<16xf32>, vector<16xf32>, vector<16xf32>
      }
      %scan3A_588 = arith.constant 32 : i32
      %mul3A_589 = arith.constant 4 : i32
      %mul3A_590 = arith.muli %scan3A_228, %mul3A_589 : i32
      %add3A_591 = arith.constant 0 : i32
      %add3A_592 = arith.addi %mul3A_590, %add3A_591 : i32
      %get3A_593 = arith.index_cast %add3A_592 : i32 to index
      %get3A_594 = arith.constant 0 : index
      %get3A_595 = tpu.vector_load %arg16[%get3A_593, %get3A_594] {strides = array<i32>} : memref<256x128xf32, #tpu.memory_space<vmem>>, vector<16xf32>,
      %mul3A_596 = vector.broadcast %scan3A_69 : f32 to vector<16xf32>
      %mul3A_597 = arith.mulf %scan3A_587#0, %mul3A_596 : vector<16xf32>
      %add3A_598 = arith.addf %get3A_595, %mul3A_597 : vector<16xf32>
      %swap3A_599 = arith.index_cast %add3A_592 : i32 to index
      %swap3A_600 = arith.constant 0 : index
      %swap3A_601 = tpu.vector_load %arg16[%swap3A_599, %swap3A_600] {strides = array<i32>} : memref<256x128xf32, #tpu.memory_space<vmem>>, vector<16xf32>,
      tpu.vector_store %arg16[%swap3A_599, %swap3A_600], %add3A_598 {strides = array<i32>} : memref<256x128xf32, #tpu.memory_space<vmem>>, vector<16xf32>,
      %get3A_602 = arith.index_cast %add3A_592 : i32 to index
      %get3A_603 = arith.constant 16 : index
      %get3A_604 = tpu.vector_load %arg16[%get3A_602, %get3A_603] {strides = array<i32>} : memref<256x128xf32, #tpu.memory_space<vmem>>, vector<16xf32>,
      %mul3A_605 = vector.broadcast %scan3A_69 : f32 to vector<16xf32>
      %mul3A_606 = arith.mulf %scan3A_587#1, %mul3A_605 : vector<16xf32>
      %add3A_607 = arith.addf %get3A_604, %mul3A_606 : vector<16xf32>
      %swap3A_608 = arith.index_cast %add3A_592 : i32 to index
      %swap3A_609 = arith.constant 16 : index
      %swap3A_610 = tpu.vector_load %arg16[%swap3A_608, %swap3A_609] {strides = array<i32>} : memref<256x128xf32, #tpu.memory_space<vmem>>, vector<16xf32>,
      tpu.vector_store %arg16[%swap3A_608, %swap3A_609], %add3A_607 {strides = array<i32>} : memref<256x128xf32, #tpu.memory_space<vmem>>, vector<16xf32>,
      %get3A_611 = arith.index_cast %add3A_592 : i32 to index
      %get3A_612 = arith.constant 32 : index
      %get3A_613 = tpu.vector_load %arg16[%get3A_611, %get3A_612] {strides = array<i32>} : memref<256x128xf32, #tpu.memory_space<vmem>>, vector<16xf32>,
      %mul3A_614 = vector.broadcast %scan3A_69 : f32 to vector<16xf32>
      %mul3A_615 = arith.mulf %scan3A_587#2, %mul3A_614 : vector<16xf32>
      %add3A_616 = arith.addf %get3A_613, %mul3A_615 : vector<16xf32>
      %swap3A_617 = arith.index_cast %add3A_592 : i32 to index
      %swap3A_618 = arith.constant 32 : index
      %swap3A_619 = tpu.vector_load %arg16[%swap3A_617, %swap3A_618] {strides = array<i32>} : memref<256x128xf32, #tpu.memory_space<vmem>>, vector<16xf32>,
      tpu.vector_store %arg16[%swap3A_617, %swap3A_618], %add3A_616 {strides = array<i32>} : memref<256x128xf32, #tpu.memory_space<vmem>>, vector<16xf32>,
      %get3A_620 = arith.index_cast %add3A_592 : i32 to index
      %get3A_621 = arith.constant 48 : index
      %get3A_622 = tpu.vector_load %arg16[%get3A_620, %get3A_621] {strides = array<i32>} : memref<256x128xf32, #tpu.memory_space<vmem>>, vector<16xf32>,
      %mul3A_623 = vector.broadcast %scan3A_69 : f32 to vector<16xf32>
      %mul3A_624 = arith.mulf %scan3A_587#3, %mul3A_623 : vector<16xf32>
      %add3A_625 = arith.addf %get3A_622, %mul3A_624 : vector<16xf32>
      %swap3A_626 = arith.index_cast %add3A_592 : i32 to index
      %swap3A_627 = arith.constant 48 : index
      %swap3A_628 = tpu.vector_load %arg16[%swap3A_626, %swap3A_627] {strides = array<i32>} : memref<256x128xf32, #tpu.memory_space<vmem>>, vector<16xf32>,
      tpu.vector_store %arg16[%swap3A_626, %swap3A_627], %add3A_625 {strides = array<i32>} : memref<256x128xf32, #tpu.memory_space<vmem>>, vector<16xf32>,
      %get3A_629 = arith.index_cast %add3A_592 : i32 to index
      %get3A_630 = arith.constant 64 : index
      %get3A_631 = tpu.vector_load %arg16[%get3A_629, %get3A_630] {strides = array<i32>} : memref<256x128xf32, #tpu.memory_space<vmem>>, vector<16xf32>,
      %mul3A_632 = vector.broadcast %scan3A_69 : f32 to vector<16xf32>
      %mul3A_633 = arith.mulf %scan3A_587#4, %mul3A_632 : vector<16xf32>
      %add3A_634 = arith.addf %get3A_631, %mul3A_633 : vector<16xf32>
      %swap3A_635 = arith.index_cast %add3A_592 : i32 to index
      %swap3A_636 = arith.constant 64 : index
      %swap3A_637 = tpu.vector_load %arg16[%swap3A_635, %swap3A_636] {strides = array<i32>} : memref<256x128xf32, #tpu.memory_space<vmem>>, vector<16xf32>,
      tpu.vector_store %arg16[%swap3A_635, %swap3A_636], %add3A_634 {strides = array<i32>} : memref<256x128xf32, #tpu.memory_space<vmem>>, vector<16xf32>,
      %get3A_638 = arith.index_cast %add3A_592 : i32 to index
      %get3A_639 = arith.constant 80 : index
      %get3A_640 = tpu.vector_load %arg16[%get3A_638, %get3A_639] {strides = array<i32>} : memref<256x128xf32, #tpu.memory_space<vmem>>, vector<16xf32>,
      %mul3A_641 = vector.broadcast %scan3A_69 : f32 to vector<16xf32>
      %mul3A_642 = arith.mulf %scan3A_587#5, %mul3A_641 : vector<16xf32>
      %add3A_643 = arith.addf %get3A_640, %mul3A_642 : vector<16xf32>
      %swap3A_644 = arith.index_cast %add3A_592 : i32 to index
      %swap3A_645 = arith.constant 80 : index
      %swap3A_646 = tpu.vector_load %arg16[%swap3A_644, %swap3A_645] {strides = array<i32>} : memref<256x128xf32, #tpu.memory_space<vmem>>, vector<16xf32>,
      tpu.vector_store %arg16[%swap3A_644, %swap3A_645], %add3A_643 {strides = array<i32>} : memref<256x128xf32, #tpu.memory_space<vmem>>, vector<16xf32>,
      %get3A_647 = arith.index_cast %add3A_592 : i32 to index
      %get3A_648 = arith.constant 96 : index
      %get3A_649 = tpu.vector_load %arg16[%get3A_647, %get3A_648] {strides = array<i32>} : memref<256x128xf32, #tpu.memory_space<vmem>>, vector<16xf32>,
      %mul3A_650 = vector.broadcast %scan3A_69 : f32 to vector<16xf32>
      %mul3A_651 = arith.mulf %scan3A_587#6, %mul3A_650 : vector<16xf32>
      %add3A_652 = arith.addf %get3A_649, %mul3A_651 : vector<16xf32>
      %swap3A_653 = arith.index_cast %add3A_592 : i32 to index
      %swap3A_654 = arith.constant 96 : index
      %swap3A_655 = tpu.vector_load %arg16[%swap3A_653, %swap3A_654] {strides = array<i32>} : memref<256x128xf32, #tpu.memory_space<vmem>>, vector<16xf32>,
      tpu.vector_store %arg16[%swap3A_653, %swap3A_654], %add3A_652 {strides = array<i32>} : memref<256x128xf32, #tpu.memory_space<vmem>>, vector<16xf32>,
      %get3A_656 = arith.index_cast %add3A_592 : i32 to index
      %get3A_657 = arith.constant 112 : index
      %get3A_658 = tpu.vector_load %arg16[%get3A_656, %get3A_657] {strides = array<i32>} : memref<256x128xf32, #tpu.memory_space<vmem>>, vector<16xf32>,
      %mul3A_659 = vector.broadcast %scan3A_69 : f32 to vector<16xf32>
      %mul3A_660 = arith.mulf %scan3A_587#7, %mul3A_659 : vector<16xf32>
      %add3A_661 = arith.addf %get3A_658, %mul3A_660 : vector<16xf32>
      %swap3A_662 = arith.index_cast %add3A_592 : i32 to index
      %swap3A_663 = arith.constant 112 : index
      %swap3A_664 = tpu.vector_load %arg16[%swap3A_662, %swap3A_663] {strides = array<i32>} : memref<256x128xf32, #tpu.memory_space<vmem>>, vector<16xf32>,
      tpu.vector_store %arg16[%swap3A_662, %swap3A_663], %add3A_661 {strides = array<i32>} : memref<256x128xf32, #tpu.memory_space<vmem>>, vector<16xf32>,
      %broadcast_in_dim3A_665 = arith.constant 0.000000e+00 : f32
      %broadcast_in_dim3A_666 = vector.broadcast %broadcast_in_dim3A_665 : f32 to vector<16xf32>
      %scan3A_667 = arith.constant 0 : i32
      %scan3A_668 = arith.constant 32 : i32
      %scan3A_669 = arith.addi %scan3A_667, %scan3A_668 : i32
      %scan3A_670 = arith.constant 1 : i32
      %scan3A_671:8 = scf.for %scan3A_917 = %scan3A_667 to %scan3A_669 step %scan3A_670 iter_args(%scan3A_918 = %broadcast_in_dim3A_666, %scan3A_919 = %broadcast_in_dim3A_666, %scan3A_920 = %broadcast_in_dim3A_666, %scan3A_921 = %broadcast_in_dim3A_666, %scan3A_922 = %broadcast_in_dim3A_666, %scan3A_923 = %broadcast_in_dim3A_666, %scan3A_924 = %broadcast_in_dim3A_666, %scan3A_925 = %broadcast_in_dim3A_666) -> (vector<16xf32>, vector<16xf32>, vector<16xf32>, vector<16xf32>, vector<16xf32>, vector<16xf32>, vector<16xf32>, vector<16xf32>)  : i32 {
        %mul3A_926 = arith.constant 2 : i32
        %mul3A_927 = arith.muli %mul3A_926, %scan3A_917 : i32
        %add3A_928 = arith.constant 64 : i32
        %add3A_929 = arith.addi %add3A_928, %mul3A_927 : i32
        %add3A_930 = arith.constant 32 : i32
        %add3A_931 = arith.addi %add3A_930, %scan3A_917 : i32
        %get3A_932 = arith.index_cast %add3A_929 : i32 to index
        %get3A_933 = arith.constant 0 : index
        %get3A_934 = tpu.vector_load %arg14[%get3A_932, %get3A_933] {strides = array<i32>} : memref<256x128xf32, #tpu.memory_space<vmem>>, vector<16xf32>,
        %add3A_935 = arith.constant 1 : i32
        %add3A_936 = arith.addi %add3A_929, %add3A_935 : i32
        %get3A_937 = arith.index_cast %add3A_936 : i32 to index
        %get3A_938 = arith.constant 0 : index
        %get3A_939 = tpu.vector_load %arg14[%get3A_937, %get3A_938] {strides = array<i32>} : memref<256x128xf32, #tpu.memory_space<vmem>>, vector<16xf32>,
        %add3A_940 = arith.addf %get3A_934, %get3A_939 : vector<16xf32>
        %get3A_941 = arith.index_cast %add3A_931 : i32 to index
        %get3A_942 = arith.constant 0 : index
        %get3A_943 = tpu.vector_load %arg15[%get3A_941, %get3A_942] {strides = array<i32>} : memref<128x128xf32, #tpu.memory_space<vmem>>, vector<16xf32>,
        %add3A_944 = arith.addf %scan3A_918, %add3A_940 : vector<16xf32>
        %add3A_945 = arith.addf %add3A_944, %get3A_943 : vector<16xf32>
        %add3A_946 = arith.addf %add3A_945, %get3A_943 : vector<16xf32>
        %get3A_947 = arith.index_cast %add3A_929 : i32 to index
        %get3A_948 = arith.constant 16 : index
        %get3A_949 = tpu.vector_load %arg14[%get3A_947, %get3A_948] {strides = array<i32>} : memref<256x128xf32, #tpu.memory_space<vmem>>, vector<16xf32>,
        %add3A_950 = arith.constant 1 : i32
        %add3A_951 = arith.addi %add3A_929, %add3A_950 : i32
        %get3A_952 = arith.index_cast %add3A_951 : i32 to index
        %get3A_953 = arith.constant 16 : index
        %get3A_954 = tpu.vector_load %arg14[%get3A_952, %get3A_953] {strides = array<i32>} : memref<256x128xf32, #tpu.memory_space<vmem>>, vector<16xf32>,
        %add3A_955 = arith.addf %get3A_949, %get3A_954 : vector<16xf32>
        %get3A_956 = arith.index_cast %add3A_931 : i32 to index
        %get3A_957 = arith.constant 16 : index
        %get3A_958 = tpu.vector_load %arg15[%get3A_956, %get3A_957] {strides = array<i32>} : memref<128x128xf32, #tpu.memory_space<vmem>>, vector<16xf32>,
        %add3A_959 = arith.addf %scan3A_919, %add3A_955 : vector<16xf32>
        %add3A_960 = arith.addf %add3A_959, %get3A_958 : vector<16xf32>
        %add3A_961 = arith.addf %add3A_960, %get3A_958 : vector<16xf32>
        %get3A_962 = arith.index_cast %add3A_929 : i32 to index
        %get3A_963 = arith.constant 32 : index
        %get3A_964 = tpu.vector_load %arg14[%get3A_962, %get3A_963] {strides = array<i32>} : memref<256x128xf32, #tpu.memory_space<vmem>>, vector<16xf32>,
        %add3A_965 = arith.constant 1 : i32
        %add3A_966 = arith.addi %add3A_929, %add3A_965 : i32
        %get3A_967 = arith.index_cast %add3A_966 : i32 to index
        %get3A_968 = arith.constant 32 : index
        %get3A_969 = tpu.vector_load %arg14[%get3A_967, %get3A_968] {strides = array<i32>} : memref<256x128xf32, #tpu.memory_space<vmem>>, vector<16xf32>,
        %add3A_970 = arith.addf %get3A_964, %get3A_969 : vector<16xf32>
        %get3A_971 = arith.index_cast %add3A_931 : i32 to index
        %get3A_972 = arith.constant 32 : index
        %get3A_973 = tpu.vector_load %arg15[%get3A_971, %get3A_972] {strides = array<i32>} : memref<128x128xf32, #tpu.memory_space<vmem>>, vector<16xf32>,
        %add3A_974 = arith.addf %scan3A_920, %add3A_970 : vector<16xf32>
        %add3A_975 = arith.addf %add3A_974, %get3A_973 : vector<16xf32>
        %add3A_976 = arith.addf %add3A_975, %get3A_973 : vector<16xf32>
        %get3A_977 = arith.index_cast %add3A_929 : i32 to index
        %get3A_978 = arith.constant 48 : index
        %get3A_979 = tpu.vector_load %arg14[%get3A_977, %get3A_978] {strides = array<i32>} : memref<256x128xf32, #tpu.memory_space<vmem>>, vector<16xf32>,
        %add3A_980 = arith.constant 1 : i32
        %add3A_981 = arith.addi %add3A_929, %add3A_980 : i32
        %get3A_982 = arith.index_cast %add3A_981 : i32 to index
        %get3A_983 = arith.constant 48 : index
        %get3A_984 = tpu.vector_load %arg14[%get3A_982, %get3A_983] {strides = array<i32>} : memref<256x128xf32, #tpu.memory_space<vmem>>, vector<16xf32>,
        %add3A_985 = arith.addf %get3A_979, %get3A_984 : vector<16xf32>
        %get3A_986 = arith.index_cast %add3A_931 : i32 to index
        %get3A_987 = arith.constant 48 : index
        %get3A_988 = tpu.vector_load %arg15[%get3A_986, %get3A_987] {strides = array<i32>} : memref<128x128xf32, #tpu.memory_space<vmem>>, vector<16xf32>,
        %add3A_989 = arith.addf %scan3A_921, %add3A_985 : vector<16xf32>
        %add3A_990 = arith.addf %add3A_989, %get3A_988 : vector<16xf32>
        %add3A_991 = arith.addf %add3A_990, %get3A_988 : vector<16xf32>
        %get3A_992 = arith.index_cast %add3A_929 : i32 to index
        %get3A_993 = arith.constant 64 : index
        %get3A_994 = tpu.vector_load %arg14[%get3A_992, %get3A_993] {strides = array<i32>} : memref<256x128xf32, #tpu.memory_space<vmem>>, vector<16xf32>,
        %add3A_995 = arith.constant 1 : i32
        %add3A_996 = arith.addi %add3A_929, %add3A_995 : i32
        %get3A_997 = arith.index_cast %add3A_996 : i32 to index
        %get3A_998 = arith.constant 64 : index
        %get3A_999 = tpu.vector_load %arg14[%get3A_997, %get3A_998] {strides = array<i32>} : memref<256x128xf32, #tpu.memory_space<vmem>>, vector<16xf32>,
        %add3A_1000 = arith.addf %get3A_994, %get3A_999 : vector<16xf32>
        %get3A_1001 = arith.index_cast %add3A_931 : i32 to index
        %get3A_1002 = arith.constant 64 : index
        %get3A_1003 = tpu.vector_load %arg15[%get3A_1001, %get3A_1002] {strides = array<i32>} : memref<128x128xf32, #tpu.memory_space<vmem>>, vector<16xf32>,
        %add3A_1004 = arith.addf %scan3A_922, %add3A_1000 : vector<16xf32>
        %add3A_1005 = arith.addf %add3A_1004, %get3A_1003 : vector<16xf32>
        %add3A_1006 = arith.addf %add3A_1005, %get3A_1003 : vector<16xf32>
        %get3A_1007 = arith.index_cast %add3A_929 : i32 to index
        %get3A_1008 = arith.constant 80 : index
        %get3A_1009 = tpu.vector_load %arg14[%get3A_1007, %get3A_1008] {strides = array<i32>} : memref<256x128xf32, #tpu.memory_space<vmem>>, vector<16xf32>,
        %add3A_1010 = arith.constant 1 : i32
        %add3A_1011 = arith.addi %add3A_929, %add3A_1010 : i32
        %get3A_1012 = arith.index_cast %add3A_1011 : i32 to index
        %get3A_1013 = arith.constant 80 : index
        %get3A_1014 = tpu.vector_load %arg14[%get3A_1012, %get3A_1013] {strides = array<i32>} : memref<256x128xf32, #tpu.memory_space<vmem>>, vector<16xf32>,
        %add3A_1015 = arith.addf %get3A_1009, %get3A_1014 : vector<16xf32>
        %get3A_1016 = arith.index_cast %add3A_931 : i32 to index
        %get3A_1017 = arith.constant 80 : index
        %get3A_1018 = tpu.vector_load %arg15[%get3A_1016, %get3A_1017] {strides = array<i32>} : memref<128x128xf32, #tpu.memory_space<vmem>>, vector<16xf32>,
        %add3A_1019 = arith.addf %scan3A_923, %add3A_1015 : vector<16xf32>
        %add3A_1020 = arith.addf %add3A_1019, %get3A_1018 : vector<16xf32>
        %add3A_1021 = arith.addf %add3A_1020, %get3A_1018 : vector<16xf32>
        %get3A_1022 = arith.index_cast %add3A_929 : i32 to index
        %get3A_1023 = arith.constant 96 : index
        %get3A_1024 = tpu.vector_load %arg14[%get3A_1022, %get3A_1023] {strides = array<i32>} : memref<256x128xf32, #tpu.memory_space<vmem>>, vector<16xf32>,
        %add3A_1025 = arith.constant 1 : i32
        %add3A_1026 = arith.addi %add3A_929, %add3A_1025 : i32
        %get3A_1027 = arith.index_cast %add3A_1026 : i32 to index
        %get3A_1028 = arith.constant 96 : index
        %get3A_1029 = tpu.vector_load %arg14[%get3A_1027, %get3A_1028] {strides = array<i32>} : memref<256x128xf32, #tpu.memory_space<vmem>>, vector<16xf32>,
        %add3A_1030 = arith.addf %get3A_1024, %get3A_1029 : vector<16xf32>
        %get3A_1031 = arith.index_cast %add3A_931 : i32 to index
        %get3A_1032 = arith.constant 96 : index
        %get3A_1033 = tpu.vector_load %arg15[%get3A_1031, %get3A_1032] {strides = array<i32>} : memref<128x128xf32, #tpu.memory_space<vmem>>, vector<16xf32>,
        %add3A_1034 = arith.addf %scan3A_924, %add3A_1030 : vector<16xf32>
        %add3A_1035 = arith.addf %add3A_1034, %get3A_1033 : vector<16xf32>
        %add3A_1036 = arith.addf %add3A_1035, %get3A_1033 : vector<16xf32>
        %get3A_1037 = arith.index_cast %add3A_929 : i32 to index
        %get3A_1038 = arith.constant 112 : index
        %get3A_1039 = tpu.vector_load %arg14[%get3A_1037, %get3A_1038] {strides = array<i32>} : memref<256x128xf32, #tpu.memory_space<vmem>>, vector<16xf32>,
        %add3A_1040 = arith.constant 1 : i32
        %add3A_1041 = arith.addi %add3A_929, %add3A_1040 : i32
        %get3A_1042 = arith.index_cast %add3A_1041 : i32 to index
        %get3A_1043 = arith.constant 112 : index
        %get3A_1044 = tpu.vector_load %arg14[%get3A_1042, %get3A_1043] {strides = array<i32>} : memref<256x128xf32, #tpu.memory_space<vmem>>, vector<16xf32>,
        %add3A_1045 = arith.addf %get3A_1039, %get3A_1044 : vector<16xf32>
        %get3A_1046 = arith.index_cast %add3A_931 : i32 to index
        %get3A_1047 = arith.constant 112 : index
        %get3A_1048 = tpu.vector_load %arg15[%get3A_1046, %get3A_1047] {strides = array<i32>} : memref<128x128xf32, #tpu.memory_space<vmem>>, vector<16xf32>,
        %add3A_1049 = arith.addf %scan3A_925, %add3A_1045 : vector<16xf32>
        %add3A_1050 = arith.addf %add3A_1049, %get3A_1048 : vector<16xf32>
        %add3A_1051 = arith.addf %add3A_1050, %get3A_1048 : vector<16xf32>
        scf.yield %add3A_946, %add3A_961, %add3A_976, %add3A_991, %add3A_1006, %add3A_1021, %add3A_1036, %add3A_1051 : vector<16xf32>, vector<16xf32>, vector<16xf32>, vector<16xf32>, vector<16xf32>, vector<16xf32>, vector<16xf32>, vector<16xf32>
      }
      %scan3A_672 = arith.constant 32 : i32
      %mul3A_673 = arith.constant 4 : i32
      %mul3A_674 = arith.muli %scan3A_228, %mul3A_673 : i32
      %add3A_675 = arith.constant 1 : i32
      %add3A_676 = arith.addi %mul3A_674, %add3A_675 : i32
      %get3A_677 = arith.index_cast %add3A_676 : i32 to index
      %get3A_678 = arith.constant 0 : index
      %get3A_679 = tpu.vector_load %arg16[%get3A_677, %get3A_678] {strides = array<i32>} : memref<256x128xf32, #tpu.memory_space<vmem>>, vector<16xf32>,
      %mul3A_680 = vector.broadcast %scan3A_69 : f32 to vector<16xf32>
      %mul3A_681 = arith.mulf %scan3A_671#0, %mul3A_680 : vector<16xf32>
      %add3A_682 = arith.addf %get3A_679, %mul3A_681 : vector<16xf32>
      %swap3A_683 = arith.index_cast %add3A_676 : i32 to index
      %swap3A_684 = arith.constant 0 : index
      %swap3A_685 = tpu.vector_load %arg16[%swap3A_683, %swap3A_684] {strides = array<i32>} : memref<256x128xf32, #tpu.memory_space<vmem>>, vector<16xf32>,
      tpu.vector_store %arg16[%swap3A_683, %swap3A_684], %add3A_682 {strides = array<i32>} : memref<256x128xf32, #tpu.memory_space<vmem>>, vector<16xf32>,
      %get3A_686 = arith.index_cast %add3A_676 : i32 to index
      %get3A_687 = arith.constant 16 : index
      %get3A_688 = tpu.vector_load %arg16[%get3A_686, %get3A_687] {strides = array<i32>} : memref<256x128xf32, #tpu.memory_space<vmem>>, vector<16xf32>,
      %mul3A_689 = vector.broadcast %scan3A_69 : f32 to vector<16xf32>
      %mul3A_690 = arith.mulf %scan3A_671#1, %mul3A_689 : vector<16xf32>
      %add3A_691 = arith.addf %get3A_688, %mul3A_690 : vector<16xf32>
      %swap3A_692 = arith.index_cast %add3A_676 : i32 to index
      %swap3A_693 = arith.constant 16 : index
      %swap3A_694 = tpu.vector_load %arg16[%swap3A_692, %swap3A_693] {strides = array<i32>} : memref<256x128xf32, #tpu.memory_space<vmem>>, vector<16xf32>,
      tpu.vector_store %arg16[%swap3A_692, %swap3A_693], %add3A_691 {strides = array<i32>} : memref<256x128xf32, #tpu.memory_space<vmem>>, vector<16xf32>,
      %get3A_695 = arith.index_cast %add3A_676 : i32 to index
      %get3A_696 = arith.constant 32 : index
      %get3A_697 = tpu.vector_load %arg16[%get3A_695, %get3A_696] {strides = array<i32>} : memref<256x128xf32, #tpu.memory_space<vmem>>, vector<16xf32>,
      %mul3A_698 = vector.broadcast %scan3A_69 : f32 to vector<16xf32>
      %mul3A_699 = arith.mulf %scan3A_671#2, %mul3A_698 : vector<16xf32>
      %add3A_700 = arith.addf %get3A_697, %mul3A_699 : vector<16xf32>
      %swap3A_701 = arith.index_cast %add3A_676 : i32 to index
      %swap3A_702 = arith.constant 32 : index
      %swap3A_703 = tpu.vector_load %arg16[%swap3A_701, %swap3A_702] {strides = array<i32>} : memref<256x128xf32, #tpu.memory_space<vmem>>, vector<16xf32>,
      tpu.vector_store %arg16[%swap3A_701, %swap3A_702], %add3A_700 {strides = array<i32>} : memref<256x128xf32, #tpu.memory_space<vmem>>, vector<16xf32>,
      %get3A_704 = arith.index_cast %add3A_676 : i32 to index
      %get3A_705 = arith.constant 48 : index
      %get3A_706 = tpu.vector_load %arg16[%get3A_704, %get3A_705] {strides = array<i32>} : memref<256x128xf32, #tpu.memory_space<vmem>>, vector<16xf32>,
      %mul3A_707 = vector.broadcast %scan3A_69 : f32 to vector<16xf32>
      %mul3A_708 = arith.mulf %scan3A_671#3, %mul3A_707 : vector<16xf32>
      %add3A_709 = arith.addf %get3A_706, %mul3A_708 : vector<16xf32>
      %swap3A_710 = arith.index_cast %add3A_676 : i32 to index
      %swap3A_711 = arith.constant 48 : index
      %swap3A_712 = tpu.vector_load %arg16[%swap3A_710, %swap3A_711] {strides = array<i32>} : memref<256x128xf32, #tpu.memory_space<vmem>>, vector<16xf32>,
      tpu.vector_store %arg16[%swap3A_710, %swap3A_711], %add3A_709 {strides = array<i32>} : memref<256x128xf32, #tpu.memory_space<vmem>>, vector<16xf32>,
      %get3A_713 = arith.index_cast %add3A_676 : i32 to index
      %get3A_714 = arith.constant 64 : index
      %get3A_715 = tpu.vector_load %arg16[%get3A_713, %get3A_714] {strides = array<i32>} : memref<256x128xf32, #tpu.memory_space<vmem>>, vector<16xf32>,
      %mul3A_716 = vector.broadcast %scan3A_69 : f32 to vector<16xf32>
      %mul3A_717 = arith.mulf %scan3A_671#4, %mul3A_716 : vector<16xf32>
      %add3A_718 = arith.addf %get3A_715, %mul3A_717 : vector<16xf32>
      %swap3A_719 = arith.index_cast %add3A_676 : i32 to index
      %swap3A_720 = arith.constant 64 : index
      %swap3A_721 = tpu.vector_load %arg16[%swap3A_719, %swap3A_720] {strides = array<i32>} : memref<256x128xf32, #tpu.memory_space<vmem>>, vector<16xf32>,
      tpu.vector_store %arg16[%swap3A_719, %swap3A_720], %add3A_718 {strides = array<i32>} : memref<256x128xf32, #tpu.memory_space<vmem>>, vector<16xf32>,
      %get3A_722 = arith.index_cast %add3A_676 : i32 to index
      %get3A_723 = arith.constant 80 : index
      %get3A_724 = tpu.vector_load %arg16[%get3A_722, %get3A_723] {strides = array<i32>} : memref<256x128xf32, #tpu.memory_space<vmem>>, vector<16xf32>,
      %mul3A_725 = vector.broadcast %scan3A_69 : f32 to vector<16xf32>
      %mul3A_726 = arith.mulf %scan3A_671#5, %mul3A_725 : vector<16xf32>
      %add3A_727 = arith.addf %get3A_724, %mul3A_726 : vector<16xf32>
      %swap3A_728 = arith.index_cast %add3A_676 : i32 to index
      %swap3A_729 = arith.constant 80 : index
      %swap3A_730 = tpu.vector_load %arg16[%swap3A_728, %swap3A_729] {strides = array<i32>} : memref<256x128xf32, #tpu.memory_space<vmem>>, vector<16xf32>,
      tpu.vector_store %arg16[%swap3A_728, %swap3A_729], %add3A_727 {strides = array<i32>} : memref<256x128xf32, #tpu.memory_space<vmem>>, vector<16xf32>,
      %get3A_731 = arith.index_cast %add3A_676 : i32 to index
      %get3A_732 = arith.constant 96 : index
      %get3A_733 = tpu.vector_load %arg16[%get3A_731, %get3A_732] {strides = array<i32>} : memref<256x128xf32, #tpu.memory_space<vmem>>, vector<16xf32>,
      %mul3A_734 = vector.broadcast %scan3A_69 : f32 to vector<16xf32>
      %mul3A_735 = arith.mulf %scan3A_671#6, %mul3A_734 : vector<16xf32>
      %add3A_736 = arith.addf %get3A_733, %mul3A_735 : vector<16xf32>
      %swap3A_737 = arith.index_cast %add3A_676 : i32 to index
      %swap3A_738 = arith.constant 96 : index
      %swap3A_739 = tpu.vector_load %arg16[%swap3A_737, %swap3A_738] {strides = array<i32>} : memref<256x128xf32, #tpu.memory_space<vmem>>, vector<16xf32>,
      tpu.vector_store %arg16[%swap3A_737, %swap3A_738], %add3A_736 {strides = array<i32>} : memref<256x128xf32, #tpu.memory_space<vmem>>, vector<16xf32>,
      %get3A_740 = arith.index_cast %add3A_676 : i32 to index
      %get3A_741 = arith.constant 112 : index
      %get3A_742 = tpu.vector_load %arg16[%get3A_740, %get3A_741] {strides = array<i32>} : memref<256x128xf32, #tpu.memory_space<vmem>>, vector<16xf32>,
      %mul3A_743 = vector.broadcast %scan3A_69 : f32 to vector<16xf32>
      %mul3A_744 = arith.mulf %scan3A_671#7, %mul3A_743 : vector<16xf32>
      %add3A_745 = arith.addf %get3A_742, %mul3A_744 : vector<16xf32>
      %swap3A_746 = arith.index_cast %add3A_676 : i32 to index
      %swap3A_747 = arith.constant 112 : index
      %swap3A_748 = tpu.vector_load %arg16[%swap3A_746, %swap3A_747] {strides = array<i32>} : memref<256x128xf32, #tpu.memory_space<vmem>>, vector<16xf32>,
      tpu.vector_store %arg16[%swap3A_746, %swap3A_747], %add3A_745 {strides = array<i32>} : memref<256x128xf32, #tpu.memory_space<vmem>>, vector<16xf32>,
      %broadcast_in_dim3A_749 = arith.constant 0.000000e+00 : f32
      %broadcast_in_dim3A_750 = vector.broadcast %broadcast_in_dim3A_749 : f32 to vector<16xf32>
      %scan3A_751 = arith.constant 0 : i32
      %scan3A_752 = arith.constant 32 : i32
      %scan3A_753 = arith.addi %scan3A_751, %scan3A_752 : i32
      %scan3A_754 = arith.constant 1 : i32
      %scan3A_755:8 = scf.for %scan3A_917 = %scan3A_751 to %scan3A_753 step %scan3A_754 iter_args(%scan3A_918 = %broadcast_in_dim3A_750, %scan3A_919 = %broadcast_in_dim3A_750, %scan3A_920 = %broadcast_in_dim3A_750, %scan3A_921 = %broadcast_in_dim3A_750, %scan3A_922 = %broadcast_in_dim3A_750, %scan3A_923 = %broadcast_in_dim3A_750, %scan3A_924 = %broadcast_in_dim3A_750, %scan3A_925 = %broadcast_in_dim3A_750) -> (vector<16xf32>, vector<16xf32>, vector<16xf32>, vector<16xf32>, vector<16xf32>, vector<16xf32>, vector<16xf32>, vector<16xf32>)  : i32 {
        %mul3A_926 = arith.constant 2 : i32
        %mul3A_927 = arith.muli %mul3A_926, %scan3A_917 : i32
        %add3A_928 = arith.constant 128 : i32
        %add3A_929 = arith.addi %add3A_928, %mul3A_927 : i32
        %add3A_930 = arith.constant 64 : i32
        %add3A_931 = arith.addi %add3A_930, %scan3A_917 : i32
        %get3A_932 = arith.index_cast %add3A_929 : i32 to index
        %get3A_933 = arith.constant 0 : index
        %get3A_934 = tpu.vector_load %arg14[%get3A_932, %get3A_933] {strides = array<i32>} : memref<256x128xf32, #tpu.memory_space<vmem>>, vector<16xf32>,
        %add3A_935 = arith.constant 1 : i32
        %add3A_936 = arith.addi %add3A_929, %add3A_935 : i32
        %get3A_937 = arith.index_cast %add3A_936 : i32 to index
        %get3A_938 = arith.constant 0 : index
        %get3A_939 = tpu.vector_load %arg14[%get3A_937, %get3A_938] {strides = array<i32>} : memref<256x128xf32, #tpu.memory_space<vmem>>, vector<16xf32>,
        %add3A_940 = arith.addf %get3A_934, %get3A_939 : vector<16xf32>
        %get3A_941 = arith.index_cast %add3A_931 : i32 to index
        %get3A_942 = arith.constant 0 : index
        %get3A_943 = tpu.vector_load %arg15[%get3A_941, %get3A_942] {strides = array<i32>} : memref<128x128xf32, #tpu.memory_space<vmem>>, vector<16xf32>,
        %add3A_944 = arith.addf %scan3A_918, %add3A_940 : vector<16xf32>
        %add3A_945 = arith.addf %add3A_944, %get3A_943 : vector<16xf32>
        %add3A_946 = arith.addf %add3A_945, %get3A_943 : vector<16xf32>
        %get3A_947 = arith.index_cast %add3A_929 : i32 to index
        %get3A_948 = arith.constant 16 : index
        %get3A_949 = tpu.vector_load %arg14[%get3A_947, %get3A_948] {strides = array<i32>} : memref<256x128xf32, #tpu.memory_space<vmem>>, vector<16xf32>,
        %add3A_950 = arith.constant 1 : i32
        %add3A_951 = arith.addi %add3A_929, %add3A_950 : i32
        %get3A_952 = arith.index_cast %add3A_951 : i32 to index
        %get3A_953 = arith.constant 16 : index
        %get3A_954 = tpu.vector_load %arg14[%get3A_952, %get3A_953] {strides = array<i32>} : memref<256x128xf32, #tpu.memory_space<vmem>>, vector<16xf32>,
        %add3A_955 = arith.addf %get3A_949, %get3A_954 : vector<16xf32>
        %get3A_956 = arith.index_cast %add3A_931 : i32 to index
        %get3A_957 = arith.constant 16 : index
        %get3A_958 = tpu.vector_load %arg15[%get3A_956, %get3A_957] {strides = array<i32>} : memref<128x128xf32, #tpu.memory_space<vmem>>, vector<16xf32>,
        %add3A_959 = arith.addf %scan3A_919, %add3A_955 : vector<16xf32>
        %add3A_960 = arith.addf %add3A_959, %get3A_958 : vector<16xf32>
        %add3A_961 = arith.addf %add3A_960, %get3A_958 : vector<16xf32>
        %get3A_962 = arith.index_cast %add3A_929 : i32 to index
        %get3A_963 = arith.constant 32 : index
        %get3A_964 = tpu.vector_load %arg14[%get3A_962, %get3A_963] {strides = array<i32>} : memref<256x128xf32, #tpu.memory_space<vmem>>, vector<16xf32>,
        %add3A_965 = arith.constant 1 : i32
        %add3A_966 = arith.addi %add3A_929, %add3A_965 : i32
        %get3A_967 = arith.index_cast %add3A_966 : i32 to index
        %get3A_968 = arith.constant 32 : index
        %get3A_969 = tpu.vector_load %arg14[%get3A_967, %get3A_968] {strides = array<i32>} : memref<256x128xf32, #tpu.memory_space<vmem>>, vector<16xf32>,
        %add3A_970 = arith.addf %get3A_964, %get3A_969 : vector<16xf32>
        %get3A_971 = arith.index_cast %add3A_931 : i32 to index
        %get3A_972 = arith.constant 32 : index
        %get3A_973 = tpu.vector_load %arg15[%get3A_971, %get3A_972] {strides = array<i32>} : memref<128x128xf32, #tpu.memory_space<vmem>>, vector<16xf32>,
        %add3A_974 = arith.addf %scan3A_920, %add3A_970 : vector<16xf32>
        %add3A_975 = arith.addf %add3A_974, %get3A_973 : vector<16xf32>
        %add3A_976 = arith.addf %add3A_975, %get3A_973 : vector<16xf32>
        %get3A_977 = arith.index_cast %add3A_929 : i32 to index
        %get3A_978 = arith.constant 48 : index
        %get3A_979 = tpu.vector_load %arg14[%get3A_977, %get3A_978] {strides = array<i32>} : memref<256x128xf32, #tpu.memory_space<vmem>>, vector<16xf32>,
        %add3A_980 = arith.constant 1 : i32
        %add3A_981 = arith.addi %add3A_929, %add3A_980 : i32
        %get3A_982 = arith.index_cast %add3A_981 : i32 to index
        %get3A_983 = arith.constant 48 : index
        %get3A_984 = tpu.vector_load %arg14[%get3A_982, %get3A_983] {strides = array<i32>} : memref<256x128xf32, #tpu.memory_space<vmem>>, vector<16xf32>,
        %add3A_985 = arith.addf %get3A_979, %get3A_984 : vector<16xf32>
        %get3A_986 = arith.index_cast %add3A_931 : i32 to index
        %get3A_987 = arith.constant 48 : index
        %get3A_988 = tpu.vector_load %arg15[%get3A_986, %get3A_987] {strides = array<i32>} : memref<128x128xf32, #tpu.memory_space<vmem>>, vector<16xf32>,
        %add3A_989 = arith.addf %scan3A_921, %add3A_985 : vector<16xf32>
        %add3A_990 = arith.addf %add3A_989, %get3A_988 : vector<16xf32>
        %add3A_991 = arith.addf %add3A_990, %get3A_988 : vector<16xf32>
        %get3A_992 = arith.index_cast %add3A_929 : i32 to index
        %get3A_993 = arith.constant 64 : index
        %get3A_994 = tpu.vector_load %arg14[%get3A_992, %get3A_993] {strides = array<i32>} : memref<256x128xf32, #tpu.memory_space<vmem>>, vector<16xf32>,
        %add3A_995 = arith.constant 1 : i32
        %add3A_996 = arith.addi %add3A_929, %add3A_995 : i32
        %get3A_997 = arith.index_cast %add3A_996 : i32 to index
        %get3A_998 = arith.constant 64 : index
        %get3A_999 = tpu.vector_load %arg14[%get3A_997, %get3A_998] {strides = array<i32>} : memref<256x128xf32, #tpu.memory_space<vmem>>, vector<16xf32>,
        %add3A_1000 = arith.addf %get3A_994, %get3A_999 : vector<16xf32>
        %get3A_1001 = arith.index_cast %add3A_931 : i32 to index
        %get3A_1002 = arith.constant 64 : index
        %get3A_1003 = tpu.vector_load %arg15[%get3A_1001, %get3A_1002] {strides = array<i32>} : memref<128x128xf32, #tpu.memory_space<vmem>>, vector<16xf32>,
        %add3A_1004 = arith.addf %scan3A_922, %add3A_1000 : vector<16xf32>
        %add3A_1005 = arith.addf %add3A_1004, %get3A_1003 : vector<16xf32>
        %add3A_1006 = arith.addf %add3A_1005, %get3A_1003 : vector<16xf32>
        %get3A_1007 = arith.index_cast %add3A_929 : i32 to index
        %get3A_1008 = arith.constant 80 : index
        %get3A_1009 = tpu.vector_load %arg14[%get3A_1007, %get3A_1008] {strides = array<i32>} : memref<256x128xf32, #tpu.memory_space<vmem>>, vector<16xf32>,
        %add3A_1010 = arith.constant 1 : i32
        %add3A_1011 = arith.addi %add3A_929, %add3A_1010 : i32
        %get3A_1012 = arith.index_cast %add3A_1011 : i32 to index
        %get3A_1013 = arith.constant 80 : index
        %get3A_1014 = tpu.vector_load %arg14[%get3A_1012, %get3A_1013] {strides = array<i32>} : memref<256x128xf32, #tpu.memory_space<vmem>>, vector<16xf32>,
        %add3A_1015 = arith.addf %get3A_1009, %get3A_1014 : vector<16xf32>
        %get3A_1016 = arith.index_cast %add3A_931 : i32 to index
        %get3A_1017 = arith.constant 80 : index
        %get3A_1018 = tpu.vector_load %arg15[%get3A_1016, %get3A_1017] {strides = array<i32>} : memref<128x128xf32, #tpu.memory_space<vmem>>, vector<16xf32>,
        %add3A_1019 = arith.addf %scan3A_923, %add3A_1015 : vector<16xf32>
        %add3A_1020 = arith.addf %add3A_1019, %get3A_1018 : vector<16xf32>
        %add3A_1021 = arith.addf %add3A_1020, %get3A_1018 : vector<16xf32>
        %get3A_1022 = arith.index_cast %add3A_929 : i32 to index
        %get3A_1023 = arith.constant 96 : index
        %get3A_1024 = tpu.vector_load %arg14[%get3A_1022, %get3A_1023] {strides = array<i32>} : memref<256x128xf32, #tpu.memory_space<vmem>>, vector<16xf32>,
        %add3A_1025 = arith.constant 1 : i32
        %add3A_1026 = arith.addi %add3A_929, %add3A_1025 : i32
        %get3A_1027 = arith.index_cast %add3A_1026 : i32 to index
        %get3A_1028 = arith.constant 96 : index
        %get3A_1029 = tpu.vector_load %arg14[%get3A_1027, %get3A_1028] {strides = array<i32>} : memref<256x128xf32, #tpu.memory_space<vmem>>, vector<16xf32>,
        %add3A_1030 = arith.addf %get3A_1024, %get3A_1029 : vector<16xf32>
        %get3A_1031 = arith.index_cast %add3A_931 : i32 to index
        %get3A_1032 = arith.constant 96 : index
        %get3A_1033 = tpu.vector_load %arg15[%get3A_1031, %get3A_1032] {strides = array<i32>} : memref<128x128xf32, #tpu.memory_space<vmem>>, vector<16xf32>,
        %add3A_1034 = arith.addf %scan3A_924, %add3A_1030 : vector<16xf32>
        %add3A_1035 = arith.addf %add3A_1034, %get3A_1033 : vector<16xf32>
        %add3A_1036 = arith.addf %add3A_1035, %get3A_1033 : vector<16xf32>
        %get3A_1037 = arith.index_cast %add3A_929 : i32 to index
        %get3A_1038 = arith.constant 112 : index
        %get3A_1039 = tpu.vector_load %arg14[%get3A_1037, %get3A_1038] {strides = array<i32>} : memref<256x128xf32, #tpu.memory_space<vmem>>, vector<16xf32>,
        %add3A_1040 = arith.constant 1 : i32
        %add3A_1041 = arith.addi %add3A_929, %add3A_1040 : i32
        %get3A_1042 = arith.index_cast %add3A_1041 : i32 to index
        %get3A_1043 = arith.constant 112 : index
        %get3A_1044 = tpu.vector_load %arg14[%get3A_1042, %get3A_1043] {strides = array<i32>} : memref<256x128xf32, #tpu.memory_space<vmem>>, vector<16xf32>,
        %add3A_1045 = arith.addf %get3A_1039, %get3A_1044 : vector<16xf32>
        %get3A_1046 = arith.index_cast %add3A_931 : i32 to index
        %get3A_1047 = arith.constant 112 : index
        %get3A_1048 = tpu.vector_load %arg15[%get3A_1046, %get3A_1047] {strides = array<i32>} : memref<128x128xf32, #tpu.memory_space<vmem>>, vector<16xf32>,
        %add3A_1049 = arith.addf %scan3A_925, %add3A_1045 : vector<16xf32>
        %add3A_1050 = arith.addf %add3A_1049, %get3A_1048 : vector<16xf32>
        %add3A_1051 = arith.addf %add3A_1050, %get3A_1048 : vector<16xf32>
        scf.yield %add3A_946, %add3A_961, %add3A_976, %add3A_991, %add3A_1006, %add3A_1021, %add3A_1036, %add3A_1051 : vector<16xf32>, vector<16xf32>, vector<16xf32>, vector<16xf32>, vector<16xf32>, vector<16xf32>, vector<16xf32>, vector<16xf32>
      }
      %scan3A_756 = arith.constant 32 : i32
      %mul3A_757 = arith.constant 4 : i32
      %mul3A_758 = arith.muli %scan3A_228, %mul3A_757 : i32
      %add3A_759 = arith.constant 2 : i32
      %add3A_760 = arith.addi %mul3A_758, %add3A_759 : i32
      %get3A_761 = arith.index_cast %add3A_760 : i32 to index
      %get3A_762 = arith.constant 0 : index
      %get3A_763 = tpu.vector_load %arg16[%get3A_761, %get3A_762] {strides = array<i32>} : memref<256x128xf32, #tpu.memory_space<vmem>>, vector<16xf32>,
      %mul3A_764 = vector.broadcast %scan3A_69 : f32 to vector<16xf32>
      %mul3A_765 = arith.mulf %scan3A_755#0, %mul3A_764 : vector<16xf32>
      %add3A_766 = arith.addf %get3A_763, %mul3A_765 : vector<16xf32>
      %swap3A_767 = arith.index_cast %add3A_760 : i32 to index
      %swap3A_768 = arith.constant 0 : index
      %swap3A_769 = tpu.vector_load %arg16[%swap3A_767, %swap3A_768] {strides = array<i32>} : memref<256x128xf32, #tpu.memory_space<vmem>>, vector<16xf32>,
      tpu.vector_store %arg16[%swap3A_767, %swap3A_768], %add3A_766 {strides = array<i32>} : memref<256x128xf32, #tpu.memory_space<vmem>>, vector<16xf32>,
      %get3A_770 = arith.index_cast %add3A_760 : i32 to index
      %get3A_771 = arith.constant 16 : index
      %get3A_772 = tpu.vector_load %arg16[%get3A_770, %get3A_771] {strides = array<i32>} : memref<256x128xf32, #tpu.memory_space<vmem>>, vector<16xf32>,
      %mul3A_773 = vector.broadcast %scan3A_69 : f32 to vector<16xf32>
      %mul3A_774 = arith.mulf %scan3A_755#1, %mul3A_773 : vector<16xf32>
      %add3A_775 = arith.addf %get3A_772, %mul3A_774 : vector<16xf32>
      %swap3A_776 = arith.index_cast %add3A_760 : i32 to index
      %swap3A_777 = arith.constant 16 : index
      %swap3A_778 = tpu.vector_load %arg16[%swap3A_776, %swap3A_777] {strides = array<i32>} : memref<256x128xf32, #tpu.memory_space<vmem>>, vector<16xf32>,
      tpu.vector_store %arg16[%swap3A_776, %swap3A_777], %add3A_775 {strides = array<i32>} : memref<256x128xf32, #tpu.memory_space<vmem>>, vector<16xf32>,
      %get3A_779 = arith.index_cast %add3A_760 : i32 to index
      %get3A_780 = arith.constant 32 : index
      %get3A_781 = tpu.vector_load %arg16[%get3A_779, %get3A_780] {strides = array<i32>} : memref<256x128xf32, #tpu.memory_space<vmem>>, vector<16xf32>,
      %mul3A_782 = vector.broadcast %scan3A_69 : f32 to vector<16xf32>
      %mul3A_783 = arith.mulf %scan3A_755#2, %mul3A_782 : vector<16xf32>
      %add3A_784 = arith.addf %get3A_781, %mul3A_783 : vector<16xf32>
      %swap3A_785 = arith.index_cast %add3A_760 : i32 to index
      %swap3A_786 = arith.constant 32 : index
      %swap3A_787 = tpu.vector_load %arg16[%swap3A_785, %swap3A_786] {strides = array<i32>} : memref<256x128xf32, #tpu.memory_space<vmem>>, vector<16xf32>,
      tpu.vector_store %arg16[%swap3A_785, %swap3A_786], %add3A_784 {strides = array<i32>} : memref<256x128xf32, #tpu.memory_space<vmem>>, vector<16xf32>,
      %get3A_788 = arith.index_cast %add3A_760 : i32 to index
      %get3A_789 = arith.constant 48 : index
      %get3A_790 = tpu.vector_load %arg16[%get3A_788, %get3A_789] {strides = array<i32>} : memref<256x128xf32, #tpu.memory_space<vmem>>, vector<16xf32>,
      %mul3A_791 = vector.broadcast %scan3A_69 : f32 to vector<16xf32>
      %mul3A_792 = arith.mulf %scan3A_755#3, %mul3A_791 : vector<16xf32>
      %add3A_793 = arith.addf %get3A_790, %mul3A_792 : vector<16xf32>
      %swap3A_794 = arith.index_cast %add3A_760 : i32 to index
      %swap3A_795 = arith.constant 48 : index
      %swap3A_796 = tpu.vector_load %arg16[%swap3A_794, %swap3A_795] {strides = array<i32>} : memref<256x128xf32, #tpu.memory_space<vmem>>, vector<16xf32>,
      tpu.vector_store %arg16[%swap3A_794, %swap3A_795], %add3A_793 {strides = array<i32>} : memref<256x128xf32, #tpu.memory_space<vmem>>, vector<16xf32>,
      %get3A_797 = arith.index_cast %add3A_760 : i32 to index
      %get3A_798 = arith.constant 64 : index
      %get3A_799 = tpu.vector_load %arg16[%get3A_797, %get3A_798] {strides = array<i32>} : memref<256x128xf32, #tpu.memory_space<vmem>>, vector<16xf32>,
      %mul3A_800 = vector.broadcast %scan3A_69 : f32 to vector<16xf32>
      %mul3A_801 = arith.mulf %scan3A_755#4, %mul3A_800 : vector<16xf32>
      %add3A_802 = arith.addf %get3A_799, %mul3A_801 : vector<16xf32>
      %swap3A_803 = arith.index_cast %add3A_760 : i32 to index
      %swap3A_804 = arith.constant 64 : index
      %swap3A_805 = tpu.vector_load %arg16[%swap3A_803, %swap3A_804] {strides = array<i32>} : memref<256x128xf32, #tpu.memory_space<vmem>>, vector<16xf32>,
      tpu.vector_store %arg16[%swap3A_803, %swap3A_804], %add3A_802 {strides = array<i32>} : memref<256x128xf32, #tpu.memory_space<vmem>>, vector<16xf32>,
      %get3A_806 = arith.index_cast %add3A_760 : i32 to index
      %get3A_807 = arith.constant 80 : index
      %get3A_808 = tpu.vector_load %arg16[%get3A_806, %get3A_807] {strides = array<i32>} : memref<256x128xf32, #tpu.memory_space<vmem>>, vector<16xf32>,
      %mul3A_809 = vector.broadcast %scan3A_69 : f32 to vector<16xf32>
      %mul3A_810 = arith.mulf %scan3A_755#5, %mul3A_809 : vector<16xf32>
      %add3A_811 = arith.addf %get3A_808, %mul3A_810 : vector<16xf32>
      %swap3A_812 = arith.index_cast %add3A_760 : i32 to index
      %swap3A_813 = arith.constant 80 : index
      %swap3A_814 = tpu.vector_load %arg16[%swap3A_812, %swap3A_813] {strides = array<i32>} : memref<256x128xf32, #tpu.memory_space<vmem>>, vector<16xf32>,
      tpu.vector_store %arg16[%swap3A_812, %swap3A_813], %add3A_811 {strides = array<i32>} : memref<256x128xf32, #tpu.memory_space<vmem>>, vector<16xf32>,
      %get3A_815 = arith.index_cast %add3A_760 : i32 to index
      %get3A_816 = arith.constant 96 : index
      %get3A_817 = tpu.vector_load %arg16[%get3A_815, %get3A_816] {strides = array<i32>} : memref<256x128xf32, #tpu.memory_space<vmem>>, vector<16xf32>,
      %mul3A_818 = vector.broadcast %scan3A_69 : f32 to vector<16xf32>
      %mul3A_819 = arith.mulf %scan3A_755#6, %mul3A_818 : vector<16xf32>
      %add3A_820 = arith.addf %get3A_817, %mul3A_819 : vector<16xf32>
      %swap3A_821 = arith.index_cast %add3A_760 : i32 to index
      %swap3A_822 = arith.constant 96 : index
      %swap3A_823 = tpu.vector_load %arg16[%swap3A_821, %swap3A_822] {strides = array<i32>} : memref<256x128xf32, #tpu.memory_space<vmem>>, vector<16xf32>,
      tpu.vector_store %arg16[%swap3A_821, %swap3A_822], %add3A_820 {strides = array<i32>} : memref<256x128xf32, #tpu.memory_space<vmem>>, vector<16xf32>,
      %get3A_824 = arith.index_cast %add3A_760 : i32 to index
      %get3A_825 = arith.constant 112 : index
      %get3A_826 = tpu.vector_load %arg16[%get3A_824, %get3A_825] {strides = array<i32>} : memref<256x128xf32, #tpu.memory_space<vmem>>, vector<16xf32>,
      %mul3A_827 = vector.broadcast %scan3A_69 : f32 to vector<16xf32>
      %mul3A_828 = arith.mulf %scan3A_755#7, %mul3A_827 : vector<16xf32>
      %add3A_829 = arith.addf %get3A_826, %mul3A_828 : vector<16xf32>
      %swap3A_830 = arith.index_cast %add3A_760 : i32 to index
      %swap3A_831 = arith.constant 112 : index
      %swap3A_832 = tpu.vector_load %arg16[%swap3A_830, %swap3A_831] {strides = array<i32>} : memref<256x128xf32, #tpu.memory_space<vmem>>, vector<16xf32>,
      tpu.vector_store %arg16[%swap3A_830, %swap3A_831], %add3A_829 {strides = array<i32>} : memref<256x128xf32, #tpu.memory_space<vmem>>, vector<16xf32>,
      %broadcast_in_dim3A_833 = arith.constant 0.000000e+00 : f32
      %broadcast_in_dim3A_834 = vector.broadcast %broadcast_in_dim3A_833 : f32 to vector<16xf32>
      %scan3A_835 = arith.constant 0 : i32
      %scan3A_836 = arith.constant 32 : i32
      %scan3A_837 = arith.addi %scan3A_835, %scan3A_836 : i32
      %scan3A_838 = arith.constant 1 : i32
      %scan3A_839:8 = scf.for %scan3A_917 = %scan3A_835 to %scan3A_837 step %scan3A_838 iter_args(%scan3A_918 = %broadcast_in_dim3A_834, %scan3A_919 = %broadcast_in_dim3A_834, %scan3A_920 = %broadcast_in_dim3A_834, %scan3A_921 = %broadcast_in_dim3A_834, %scan3A_922 = %broadcast_in_dim3A_834, %scan3A_923 = %broadcast_in_dim3A_834, %scan3A_924 = %broadcast_in_dim3A_834, %scan3A_925 = %broadcast_in_dim3A_834) -> (vector<16xf32>, vector<16xf32>, vector<16xf32>, vector<16xf32>, vector<16xf32>, vector<16xf32>, vector<16xf32>, vector<16xf32>)  : i32 {
        %mul3A_926 = arith.constant 2 : i32
        %mul3A_927 = arith.muli %mul3A_926, %scan3A_917 : i32
        %add3A_928 = arith.constant 192 : i32
        %add3A_929 = arith.addi %add3A_928, %mul3A_927 : i32
        %add3A_930 = arith.constant 96 : i32
        %add3A_931 = arith.addi %add3A_930, %scan3A_917 : i32
        %get3A_932 = arith.index_cast %add3A_929 : i32 to index
        %get3A_933 = arith.constant 0 : index
        %get3A_934 = tpu.vector_load %arg14[%get3A_932, %get3A_933] {strides = array<i32>} : memref<256x128xf32, #tpu.memory_space<vmem>>, vector<16xf32>,
        %add3A_935 = arith.constant 1 : i32
        %add3A_936 = arith.addi %add3A_929, %add3A_935 : i32
        %get3A_937 = arith.index_cast %add3A_936 : i32 to index
        %get3A_938 = arith.constant 0 : index
        %get3A_939 = tpu.vector_load %arg14[%get3A_937, %get3A_938] {strides = array<i32>} : memref<256x128xf32, #tpu.memory_space<vmem>>, vector<16xf32>,
        %add3A_940 = arith.addf %get3A_934, %get3A_939 : vector<16xf32>
        %get3A_941 = arith.index_cast %add3A_931 : i32 to index
        %get3A_942 = arith.constant 0 : index
        %get3A_943 = tpu.vector_load %arg15[%get3A_941, %get3A_942] {strides = array<i32>} : memref<128x128xf32, #tpu.memory_space<vmem>>, vector<16xf32>,
        %add3A_944 = arith.addf %scan3A_918, %add3A_940 : vector<16xf32>
        %add3A_945 = arith.addf %add3A_944, %get3A_943 : vector<16xf32>
        %add3A_946 = arith.addf %add3A_945, %get3A_943 : vector<16xf32>
        %get3A_947 = arith.index_cast %add3A_929 : i32 to index
        %get3A_948 = arith.constant 16 : index
        %get3A_949 = tpu.vector_load %arg14[%get3A_947, %get3A_948] {strides = array<i32>} : memref<256x128xf32, #tpu.memory_space<vmem>>, vector<16xf32>,
        %add3A_950 = arith.constant 1 : i32
        %add3A_951 = arith.addi %add3A_929, %add3A_950 : i32
        %get3A_952 = arith.index_cast %add3A_951 : i32 to index
        %get3A_953 = arith.constant 16 : index
        %get3A_954 = tpu.vector_load %arg14[%get3A_952, %get3A_953] {strides = array<i32>} : memref<256x128xf32, #tpu.memory_space<vmem>>, vector<16xf32>,
        %add3A_955 = arith.addf %get3A_949, %get3A_954 : vector<16xf32>
        %get3A_956 = arith.index_cast %add3A_931 : i32 to index
        %get3A_957 = arith.constant 16 : index
        %get3A_958 = tpu.vector_load %arg15[%get3A_956, %get3A_957] {strides = array<i32>} : memref<128x128xf32, #tpu.memory_space<vmem>>, vector<16xf32>,
        %add3A_959 = arith.addf %scan3A_919, %add3A_955 : vector<16xf32>
        %add3A_960 = arith.addf %add3A_959, %get3A_958 : vector<16xf32>
        %add3A_961 = arith.addf %add3A_960, %get3A_958 : vector<16xf32>
        %get3A_962 = arith.index_cast %add3A_929 : i32 to index
        %get3A_963 = arith.constant 32 : index
        %get3A_964 = tpu.vector_load %arg14[%get3A_962, %get3A_963] {strides = array<i32>} : memref<256x128xf32, #tpu.memory_space<vmem>>, vector<16xf32>,
        %add3A_965 = arith.constant 1 : i32
        %add3A_966 = arith.addi %add3A_929, %add3A_965 : i32
        %get3A_967 = arith.index_cast %add3A_966 : i32 to index
        %get3A_968 = arith.constant 32 : index
        %get3A_969 = tpu.vector_load %arg14[%get3A_967, %get3A_968] {strides = array<i32>} : memref<256x128xf32, #tpu.memory_space<vmem>>, vector<16xf32>,
        %add3A_970 = arith.addf %get3A_964, %get3A_969 : vector<16xf32>
        %get3A_971 = arith.index_cast %add3A_931 : i32 to index
        %get3A_972 = arith.constant 32 : index
        %get3A_973 = tpu.vector_load %arg15[%get3A_971, %get3A_972] {strides = array<i32>} : memref<128x128xf32, #tpu.memory_space<vmem>>, vector<16xf32>,
        %add3A_974 = arith.addf %scan3A_920, %add3A_970 : vector<16xf32>
        %add3A_975 = arith.addf %add3A_974, %get3A_973 : vector<16xf32>
        %add3A_976 = arith.addf %add3A_975, %get3A_973 : vector<16xf32>
        %get3A_977 = arith.index_cast %add3A_929 : i32 to index
        %get3A_978 = arith.constant 48 : index
        %get3A_979 = tpu.vector_load %arg14[%get3A_977, %get3A_978] {strides = array<i32>} : memref<256x128xf32, #tpu.memory_space<vmem>>, vector<16xf32>,
        %add3A_980 = arith.constant 1 : i32
        %add3A_981 = arith.addi %add3A_929, %add3A_980 : i32
        %get3A_982 = arith.index_cast %add3A_981 : i32 to index
        %get3A_983 = arith.constant 48 : index
        %get3A_984 = tpu.vector_load %arg14[%get3A_982, %get3A_983] {strides = array<i32>} : memref<256x128xf32, #tpu.memory_space<vmem>>, vector<16xf32>,
        %add3A_985 = arith.addf %get3A_979, %get3A_984 : vector<16xf32>
        %get3A_986 = arith.index_cast %add3A_931 : i32 to index
        %get3A_987 = arith.constant 48 : index
        %get3A_988 = tpu.vector_load %arg15[%get3A_986, %get3A_987] {strides = array<i32>} : memref<128x128xf32, #tpu.memory_space<vmem>>, vector<16xf32>,
        %add3A_989 = arith.addf %scan3A_921, %add3A_985 : vector<16xf32>
        %add3A_990 = arith.addf %add3A_989, %get3A_988 : vector<16xf32>
        %add3A_991 = arith.addf %add3A_990, %get3A_988 : vector<16xf32>
        %get3A_992 = arith.index_cast %add3A_929 : i32 to index
        %get3A_993 = arith.constant 64 : index
        %get3A_994 = tpu.vector_load %arg14[%get3A_992, %get3A_993] {strides = array<i32>} : memref<256x128xf32, #tpu.memory_space<vmem>>, vector<16xf32>,
        %add3A_995 = arith.constant 1 : i32
        %add3A_996 = arith.addi %add3A_929, %add3A_995 : i32
        %get3A_997 = arith.index_cast %add3A_996 : i32 to index
        %get3A_998 = arith.constant 64 : index
        %get3A_999 = tpu.vector_load %arg14[%get3A_997, %get3A_998] {strides = array<i32>} : memref<256x128xf32, #tpu.memory_space<vmem>>, vector<16xf32>,
        %add3A_1000 = arith.addf %get3A_994, %get3A_999 : vector<16xf32>
        %get3A_1001 = arith.index_cast %add3A_931 : i32 to index
        %get3A_1002 = arith.constant 64 : index
        %get3A_1003 = tpu.vector_load %arg15[%get3A_1001, %get3A_1002] {strides = array<i32>} : memref<128x128xf32, #tpu.memory_space<vmem>>, vector<16xf32>,
        %add3A_1004 = arith.addf %scan3A_922, %add3A_1000 : vector<16xf32>
        %add3A_1005 = arith.addf %add3A_1004, %get3A_1003 : vector<16xf32>
        %add3A_1006 = arith.addf %add3A_1005, %get3A_1003 : vector<16xf32>
        %get3A_1007 = arith.index_cast %add3A_929 : i32 to index
        %get3A_1008 = arith.constant 80 : index
        %get3A_1009 = tpu.vector_load %arg14[%get3A_1007, %get3A_1008] {strides = array<i32>} : memref<256x128xf32, #tpu.memory_space<vmem>>, vector<16xf32>,
        %add3A_1010 = arith.constant 1 : i32
        %add3A_1011 = arith.addi %add3A_929, %add3A_1010 : i32
        %get3A_1012 = arith.index_cast %add3A_1011 : i32 to index
        %get3A_1013 = arith.constant 80 : index
        %get3A_1014 = tpu.vector_load %arg14[%get3A_1012, %get3A_1013] {strides = array<i32>} : memref<256x128xf32, #tpu.memory_space<vmem>>, vector<16xf32>,
        %add3A_1015 = arith.addf %get3A_1009, %get3A_1014 : vector<16xf32>
        %get3A_1016 = arith.index_cast %add3A_931 : i32 to index
        %get3A_1017 = arith.constant 80 : index
        %get3A_1018 = tpu.vector_load %arg15[%get3A_1016, %get3A_1017] {strides = array<i32>} : memref<128x128xf32, #tpu.memory_space<vmem>>, vector<16xf32>,
        %add3A_1019 = arith.addf %scan3A_923, %add3A_1015 : vector<16xf32>
        %add3A_1020 = arith.addf %add3A_1019, %get3A_1018 : vector<16xf32>
        %add3A_1021 = arith.addf %add3A_1020, %get3A_1018 : vector<16xf32>
        %get3A_1022 = arith.index_cast %add3A_929 : i32 to index
        %get3A_1023 = arith.constant 96 : index
        %get3A_1024 = tpu.vector_load %arg14[%get3A_1022, %get3A_1023] {strides = array<i32>} : memref<256x128xf32, #tpu.memory_space<vmem>>, vector<16xf32>,
        %add3A_1025 = arith.constant 1 : i32
        %add3A_1026 = arith.addi %add3A_929, %add3A_1025 : i32
        %get3A_1027 = arith.index_cast %add3A_1026 : i32 to index
        %get3A_1028 = arith.constant 96 : index
        %get3A_1029 = tpu.vector_load %arg14[%get3A_1027, %get3A_1028] {strides = array<i32>} : memref<256x128xf32, #tpu.memory_space<vmem>>, vector<16xf32>,
        %add3A_1030 = arith.addf %get3A_1024, %get3A_1029 : vector<16xf32>
        %get3A_1031 = arith.index_cast %add3A_931 : i32 to index
        %get3A_1032 = arith.constant 96 : index
        %get3A_1033 = tpu.vector_load %arg15[%get3A_1031, %get3A_1032] {strides = array<i32>} : memref<128x128xf32, #tpu.memory_space<vmem>>, vector<16xf32>,
        %add3A_1034 = arith.addf %scan3A_924, %add3A_1030 : vector<16xf32>
        %add3A_1035 = arith.addf %add3A_1034, %get3A_1033 : vector<16xf32>
        %add3A_1036 = arith.addf %add3A_1035, %get3A_1033 : vector<16xf32>
        %get3A_1037 = arith.index_cast %add3A_929 : i32 to index
        %get3A_1038 = arith.constant 112 : index
        %get3A_1039 = tpu.vector_load %arg14[%get3A_1037, %get3A_1038] {strides = array<i32>} : memref<256x128xf32, #tpu.memory_space<vmem>>, vector<16xf32>,
        %add3A_1040 = arith.constant 1 : i32
        %add3A_1041 = arith.addi %add3A_929, %add3A_1040 : i32
        %get3A_1042 = arith.index_cast %add3A_1041 : i32 to index
        %get3A_1043 = arith.constant 112 : index
        %get3A_1044 = tpu.vector_load %arg14[%get3A_1042, %get3A_1043] {strides = array<i32>} : memref<256x128xf32, #tpu.memory_space<vmem>>, vector<16xf32>,
        %add3A_1045 = arith.addf %get3A_1039, %get3A_1044 : vector<16xf32>
        %get3A_1046 = arith.index_cast %add3A_931 : i32 to index
        %get3A_1047 = arith.constant 112 : index
        %get3A_1048 = tpu.vector_load %arg15[%get3A_1046, %get3A_1047] {strides = array<i32>} : memref<128x128xf32, #tpu.memory_space<vmem>>, vector<16xf32>,
        %add3A_1049 = arith.addf %scan3A_925, %add3A_1045 : vector<16xf32>
        %add3A_1050 = arith.addf %add3A_1049, %get3A_1048 : vector<16xf32>
        %add3A_1051 = arith.addf %add3A_1050, %get3A_1048 : vector<16xf32>
        scf.yield %add3A_946, %add3A_961, %add3A_976, %add3A_991, %add3A_1006, %add3A_1021, %add3A_1036, %add3A_1051 : vector<16xf32>, vector<16xf32>, vector<16xf32>, vector<16xf32>, vector<16xf32>, vector<16xf32>, vector<16xf32>, vector<16xf32>
      }
      %scan3A_840 = arith.constant 32 : i32
      %mul3A_841 = arith.constant 4 : i32
      %mul3A_842 = arith.muli %scan3A_228, %mul3A_841 : i32
      %add3A_843 = arith.constant 3 : i32
      %add3A_844 = arith.addi %mul3A_842, %add3A_843 : i32
      %get3A_845 = arith.index_cast %add3A_844 : i32 to index
      %get3A_846 = arith.constant 0 : index
      %get3A_847 = tpu.vector_load %arg16[%get3A_845, %get3A_846] {strides = array<i32>} : memref<256x128xf32, #tpu.memory_space<vmem>>, vector<16xf32>,
      %mul3A_848 = vector.broadcast %scan3A_69 : f32 to vector<16xf32>
      %mul3A_849 = arith.mulf %scan3A_839#0, %mul3A_848 : vector<16xf32>
      %add3A_850 = arith.addf %get3A_847, %mul3A_849 : vector<16xf32>
      %swap3A_851 = arith.index_cast %add3A_844 : i32 to index
      %swap3A_852 = arith.constant 0 : index
      %swap3A_853 = tpu.vector_load %arg16[%swap3A_851, %swap3A_852] {strides = array<i32>} : memref<256x128xf32, #tpu.memory_space<vmem>>, vector<16xf32>,
      tpu.vector_store %arg16[%swap3A_851, %swap3A_852], %add3A_850 {strides = array<i32>} : memref<256x128xf32, #tpu.memory_space<vmem>>, vector<16xf32>,
      %get3A_854 = arith.index_cast %add3A_844 : i32 to index
      %get3A_855 = arith.constant 16 : index
      %get3A_856 = tpu.vector_load %arg16[%get3A_854, %get3A_855] {strides = array<i32>} : memref<256x128xf32, #tpu.memory_space<vmem>>, vector<16xf32>,
      %mul3A_857 = vector.broadcast %scan3A_69 : f32 to vector<16xf32>
      %mul3A_858 = arith.mulf %scan3A_839#1, %mul3A_857 : vector<16xf32>
      %add3A_859 = arith.addf %get3A_856, %mul3A_858 : vector<16xf32>
      %swap3A_860 = arith.index_cast %add3A_844 : i32 to index
      %swap3A_861 = arith.constant 16 : index
      %swap3A_862 = tpu.vector_load %arg16[%swap3A_860, %swap3A_861] {strides = array<i32>} : memref<256x128xf32, #tpu.memory_space<vmem>>, vector<16xf32>,
      tpu.vector_store %arg16[%swap3A_860, %swap3A_861], %add3A_859 {strides = array<i32>} : memref<256x128xf32, #tpu.memory_space<vmem>>, vector<16xf32>,
      %get3A_863 = arith.index_cast %add3A_844 : i32 to index
      %get3A_864 = arith.constant 32 : index
      %get3A_865 = tpu.vector_load %arg16[%get3A_863, %get3A_864] {strides = array<i32>} : memref<256x128xf32, #tpu.memory_space<vmem>>, vector<16xf32>,
      %mul3A_866 = vector.broadcast %scan3A_69 : f32 to vector<16xf32>
      %mul3A_867 = arith.mulf %scan3A_839#2, %mul3A_866 : vector<16xf32>
      %add3A_868 = arith.addf %get3A_865, %mul3A_867 : vector<16xf32>
      %swap3A_869 = arith.index_cast %add3A_844 : i32 to index
      %swap3A_870 = arith.constant 32 : index
      %swap3A_871 = tpu.vector_load %arg16[%swap3A_869, %swap3A_870] {strides = array<i32>} : memref<256x128xf32, #tpu.memory_space<vmem>>, vector<16xf32>,
      tpu.vector_store %arg16[%swap3A_869, %swap3A_870], %add3A_868 {strides = array<i32>} : memref<256x128xf32, #tpu.memory_space<vmem>>, vector<16xf32>,
      %get3A_872 = arith.index_cast %add3A_844 : i32 to index
      %get3A_873 = arith.constant 48 : index
      %get3A_874 = tpu.vector_load %arg16[%get3A_872, %get3A_873] {strides = array<i32>} : memref<256x128xf32, #tpu.memory_space<vmem>>, vector<16xf32>,
      %mul3A_875 = vector.broadcast %scan3A_69 : f32 to vector<16xf32>
      %mul3A_876 = arith.mulf %scan3A_839#3, %mul3A_875 : vector<16xf32>
      %add3A_877 = arith.addf %get3A_874, %mul3A_876 : vector<16xf32>
      %swap3A_878 = arith.index_cast %add3A_844 : i32 to index
      %swap3A_879 = arith.constant 48 : index
      %swap3A_880 = tpu.vector_load %arg16[%swap3A_878, %swap3A_879] {strides = array<i32>} : memref<256x128xf32, #tpu.memory_space<vmem>>, vector<16xf32>,
      tpu.vector_store %arg16[%swap3A_878, %swap3A_879], %add3A_877 {strides = array<i32>} : memref<256x128xf32, #tpu.memory_space<vmem>>, vector<16xf32>,
      %get3A_881 = arith.index_cast %add3A_844 : i32 to index
      %get3A_882 = arith.constant 64 : index
      %get3A_883 = tpu.vector_load %arg16[%get3A_881, %get3A_882] {strides = array<i32>} : memref<256x128xf32, #tpu.memory_space<vmem>>, vector<16xf32>,
      %mul3A_884 = vector.broadcast %scan3A_69 : f32 to vector<16xf32>
      %mul3A_885 = arith.mulf %scan3A_839#4, %mul3A_884 : vector<16xf32>
      %add3A_886 = arith.addf %get3A_883, %mul3A_885 : vector<16xf32>
      %swap3A_887 = arith.index_cast %add3A_844 : i32 to index
      %swap3A_888 = arith.constant 64 : index
      %swap3A_889 = tpu.vector_load %arg16[%swap3A_887, %swap3A_888] {strides = array<i32>} : memref<256x128xf32, #tpu.memory_space<vmem>>, vector<16xf32>,
      tpu.vector_store %arg16[%swap3A_887, %swap3A_888], %add3A_886 {strides = array<i32>} : memref<256x128xf32, #tpu.memory_space<vmem>>, vector<16xf32>,
      %get3A_890 = arith.index_cast %add3A_844 : i32 to index
      %get3A_891 = arith.constant 80 : index
      %get3A_892 = tpu.vector_load %arg16[%get3A_890, %get3A_891] {strides = array<i32>} : memref<256x128xf32, #tpu.memory_space<vmem>>, vector<16xf32>,
      %mul3A_893 = vector.broadcast %scan3A_69 : f32 to vector<16xf32>
      %mul3A_894 = arith.mulf %scan3A_839#5, %mul3A_893 : vector<16xf32>
      %add3A_895 = arith.addf %get3A_892, %mul3A_894 : vector<16xf32>
      %swap3A_896 = arith.index_cast %add3A_844 : i32 to index
      %swap3A_897 = arith.constant 80 : index
      %swap3A_898 = tpu.vector_load %arg16[%swap3A_896, %swap3A_897] {strides = array<i32>} : memref<256x128xf32, #tpu.memory_space<vmem>>, vector<16xf32>,
      tpu.vector_store %arg16[%swap3A_896, %swap3A_897], %add3A_895 {strides = array<i32>} : memref<256x128xf32, #tpu.memory_space<vmem>>, vector<16xf32>,
      %get3A_899 = arith.index_cast %add3A_844 : i32 to index
      %get3A_900 = arith.constant 96 : index
      %get3A_901 = tpu.vector_load %arg16[%get3A_899, %get3A_900] {strides = array<i32>} : memref<256x128xf32, #tpu.memory_space<vmem>>, vector<16xf32>,
      %mul3A_902 = vector.broadcast %scan3A_69 : f32 to vector<16xf32>
      %mul3A_903 = arith.mulf %scan3A_839#6, %mul3A_902 : vector<16xf32>
      %add3A_904 = arith.addf %get3A_901, %mul3A_903 : vector<16xf32>
      %swap3A_905 = arith.index_cast %add3A_844 : i32 to index
      %swap3A_906 = arith.constant 96 : index
      %swap3A_907 = tpu.vector_load %arg16[%swap3A_905, %swap3A_906] {strides = array<i32>} : memref<256x128xf32, #tpu.memory_space<vmem>>, vector<16xf32>,
      tpu.vector_store %arg16[%swap3A_905, %swap3A_906], %add3A_904 {strides = array<i32>} : memref<256x128xf32, #tpu.memory_space<vmem>>, vector<16xf32>,
      %get3A_908 = arith.index_cast %add3A_844 : i32 to index
      %get3A_909 = arith.constant 112 : index
      %get3A_910 = tpu.vector_load %arg16[%get3A_908, %get3A_909] {strides = array<i32>} : memref<256x128xf32, #tpu.memory_space<vmem>>, vector<16xf32>,
      %mul3A_911 = vector.broadcast %scan3A_69 : f32 to vector<16xf32>
      %mul3A_912 = arith.mulf %scan3A_839#7, %mul3A_911 : vector<16xf32>
      %add3A_913 = arith.addf %get3A_910, %mul3A_912 : vector<16xf32>
      %swap3A_914 = arith.index_cast %add3A_844 : i32 to index
      %swap3A_915 = arith.constant 112 : index
      %swap3A_916 = tpu.vector_load %arg16[%swap3A_914, %swap3A_915] {strides = array<i32>} : memref<256x128xf32, #tpu.memory_space<vmem>>, vector<16xf32>,
      tpu.vector_store %arg16[%swap3A_914, %swap3A_915], %add3A_913 {strides = array<i32>} : memref<256x128xf32, #tpu.memory_space<vmem>>, vector<16xf32>,
    }
    %scan3A_74 = arith.constant 64 : i32
    %add3A_75 = arith.constant 0 : i32
    %add3A_76 = vector.broadcast %add3A_75 : i32 to vector<16xi32>
    %add3A_77 = arith.addi %add3A_76, %iota3A : vector<16xi32>
    %mul3A_78 = arith.constant 2 : i32
    %mul3A_79 = vector.broadcast %mul3A_78 : i32 to vector<16xi32>
    %mul3A_80 = arith.muli %mul3A_79, %add3A_77 : vector<16xi32>
    %add3A_81 = arith.constant 1 : i32
    %add3A_82 = vector.broadcast %add3A_81 : i32 to vector<16xi32>
    %add3A_83 = arith.addi %mul3A_80, %add3A_82 : vector<16xi32>
    %broadcast_in_dim3A_84 = arith.constant 0.000000e+00 : f32
    %broadcast_in_dim3A_85 = vector.broadcast %broadcast_in_dim3A_84 : f32 to vector<16xf32>
    %scan3A_86 = arith.constant 0 : i32
    %scan3A_87 = arith.constant 128 : i32
    %scan3A_88 = arith.addi %scan3A_86, %scan3A_87 : i32
    %scan3A_89 = arith.constant 1 : i32
    %scan3A_90 = scf.for %scan3A_228 = %scan3A_86 to %scan3A_88 step %scan3A_89 iter_args(%scan3A_229 = %broadcast_in_dim3A_85) -> (vector<16xf32>)  : i32 {
      %add3A_230 = vector.broadcast %scan3A_228 : i32 to vector<16xi32>
      %add3A_231 = arith.addi %broadcast_in_dim3A_65, %add3A_230 : vector<16xi32>
      %gather3A = tpu.vector_load_idx %arg16[%mul3A_80, %add3A_231] : memref<256x128xf32, #tpu.memory_space<vmem>>[vector<16xi32>, vector<16xi32>], vector<16xf32>,
      %gather3A_232 = tpu.vector_load_idx %arg16[%add3A_83, %add3A_231] : memref<256x128xf32, #tpu.memory_space<vmem>>[vector<16xi32>, vector<16xi32>], vector<16xf32>,
      %mul3A_233 = arith.mulf %gather3A, %gather3A_232 : vector<16xf32>
      %add3A_234 = arith.addf %scan3A_229, %mul3A_233 : vector<16xf32>
      scf.yield %add3A_234 : vector<16xf32>
    }
    %scan3A_91 = arith.constant 128 : i32
    %swap3A = arith.constant 0 : index
    %swap3A_92 = tpu.vector_load %arg17[%swap3A] {strides = array<i32>} : memref<128xf32, #tpu.memory_space<vmem>>, vector<16xf32>,
    tpu.vector_store %arg17[%swap3A], %scan3A_90 {strides = array<i32>} : memref<128xf32, #tpu.memory_space<vmem>>, vector<16xf32>,
    %add3A_93 = arith.constant 16 : i32
    %add3A_94 = vector.broadcast %add3A_93 : i32 to vector<16xi32>
    %add3A_95 = arith.addi %add3A_94, %iota3A : vector<16xi32>
    %mul3A_96 = arith.constant 2 : i32
    %mul3A_97 = vector.broadcast %mul3A_96 : i32 to vector<16xi32>
    %mul3A_98 = arith.muli %mul3A_97, %add3A_95 : vector<16xi32>
    %add3A_99 = arith.constant 1 : i32
    %add3A_100 = vector.broadcast %add3A_99 : i32 to vector<16xi32>
    %add3A_101 = arith.addi %mul3A_98, %add3A_100 : vector<16xi32>
    %broadcast_in_dim3A_102 = arith.constant 0.000000e+00 : f32
    %broadcast_in_dim3A_103 = vector.broadcast %broadcast_in_dim3A_102 : f32 to vector<16xf32>
    %scan3A_104 = arith.constant 0 : i32
    %scan3A_105 = arith.constant 128 : i32
    %scan3A_106 = arith.addi %scan3A_104, %scan3A_105 : i32
    %scan3A_107 = arith.constant 1 : i32
    %scan3A_108 = scf.for %scan3A_228 = %scan3A_104 to %scan3A_106 step %scan3A_107 iter_args(%scan3A_229 = %broadcast_in_dim3A_103) -> (vector<16xf32>)  : i32 {
      %add3A_230 = vector.broadcast %scan3A_228 : i32 to vector<16xi32>
      %add3A_231 = arith.addi %broadcast_in_dim3A_65, %add3A_230 : vector<16xi32>
      %gather3A = tpu.vector_load_idx %arg16[%mul3A_98, %add3A_231] : memref<256x128xf32, #tpu.memory_space<vmem>>[vector<16xi32>, vector<16xi32>], vector<16xf32>,
      %gather3A_232 = tpu.vector_load_idx %arg16[%add3A_101, %add3A_231] : memref<256x128xf32, #tpu.memory_space<vmem>>[vector<16xi32>, vector<16xi32>], vector<16xf32>,
      %mul3A_233 = arith.mulf %gather3A, %gather3A_232 : vector<16xf32>
      %add3A_234 = arith.addf %scan3A_229, %mul3A_233 : vector<16xf32>
      scf.yield %add3A_234 : vector<16xf32>
    }
    %scan3A_109 = arith.constant 128 : i32
    %swap3A_110 = arith.constant 16 : index
    %swap3A_111 = tpu.vector_load %arg17[%swap3A_110] {strides = array<i32>} : memref<128xf32, #tpu.memory_space<vmem>>, vector<16xf32>,
    tpu.vector_store %arg17[%swap3A_110], %scan3A_108 {strides = array<i32>} : memref<128xf32, #tpu.memory_space<vmem>>, vector<16xf32>,
    %add3A_112 = arith.constant 32 : i32
    %add3A_113 = vector.broadcast %add3A_112 : i32 to vector<16xi32>
    %add3A_114 = arith.addi %add3A_113, %iota3A : vector<16xi32>
    %mul3A_115 = arith.constant 2 : i32
    %mul3A_116 = vector.broadcast %mul3A_115 : i32 to vector<16xi32>
    %mul3A_117 = arith.muli %mul3A_116, %add3A_114 : vector<16xi32>
    %add3A_118 = arith.constant 1 : i32
    %add3A_119 = vector.broadcast %add3A_118 : i32 to vector<16xi32>
    %add3A_120 = arith.addi %mul3A_117, %add3A_119 : vector<16xi32>
    %broadcast_in_dim3A_121 = arith.constant 0.000000e+00 : f32
    %broadcast_in_dim3A_122 = vector.broadcast %broadcast_in_dim3A_121 : f32 to vector<16xf32>
    %scan3A_123 = arith.constant 0 : i32
    %scan3A_124 = arith.constant 128 : i32
    %scan3A_125 = arith.addi %scan3A_123, %scan3A_124 : i32
    %scan3A_126 = arith.constant 1 : i32
    %scan3A_127 = scf.for %scan3A_228 = %scan3A_123 to %scan3A_125 step %scan3A_126 iter_args(%scan3A_229 = %broadcast_in_dim3A_122) -> (vector<16xf32>)  : i32 {
      %add3A_230 = vector.broadcast %scan3A_228 : i32 to vector<16xi32>
      %add3A_231 = arith.addi %broadcast_in_dim3A_65, %add3A_230 : vector<16xi32>
      %gather3A = tpu.vector_load_idx %arg16[%mul3A_117, %add3A_231] : memref<256x128xf32, #tpu.memory_space<vmem>>[vector<16xi32>, vector<16xi32>], vector<16xf32>,
      %gather3A_232 = tpu.vector_load_idx %arg16[%add3A_120, %add3A_231] : memref<256x128xf32, #tpu.memory_space<vmem>>[vector<16xi32>, vector<16xi32>], vector<16xf32>,
      %mul3A_233 = arith.mulf %gather3A, %gather3A_232 : vector<16xf32>
      %add3A_234 = arith.addf %scan3A_229, %mul3A_233 : vector<16xf32>
      scf.yield %add3A_234 : vector<16xf32>
    }
    %scan3A_128 = arith.constant 128 : i32
    %swap3A_129 = arith.constant 32 : index
    %swap3A_130 = tpu.vector_load %arg17[%swap3A_129] {strides = array<i32>} : memref<128xf32, #tpu.memory_space<vmem>>, vector<16xf32>,
    tpu.vector_store %arg17[%swap3A_129], %scan3A_127 {strides = array<i32>} : memref<128xf32, #tpu.memory_space<vmem>>, vector<16xf32>,
    %add3A_131 = arith.constant 48 : i32
    %add3A_132 = vector.broadcast %add3A_131 : i32 to vector<16xi32>
    %add3A_133 = arith.addi %add3A_132, %iota3A : vector<16xi32>
    %mul3A_134 = arith.constant 2 : i32
    %mul3A_135 = vector.broadcast %mul3A_134 : i32 to vector<16xi32>
    %mul3A_136 = arith.muli %mul3A_135, %add3A_133 : vector<16xi32>
    %add3A_137 = arith.constant 1 : i32
    %add3A_138 = vector.broadcast %add3A_137 : i32 to vector<16xi32>
    %add3A_139 = arith.addi %mul3A_136, %add3A_138 : vector<16xi32>
    %broadcast_in_dim3A_140 = arith.constant 0.000000e+00 : f32
    %broadcast_in_dim3A_141 = vector.broadcast %broadcast_in_dim3A_140 : f32 to vector<16xf32>
    %scan3A_142 = arith.constant 0 : i32
    %scan3A_143 = arith.constant 128 : i32
    %scan3A_144 = arith.addi %scan3A_142, %scan3A_143 : i32
    %scan3A_145 = arith.constant 1 : i32
    %scan3A_146 = scf.for %scan3A_228 = %scan3A_142 to %scan3A_144 step %scan3A_145 iter_args(%scan3A_229 = %broadcast_in_dim3A_141) -> (vector<16xf32>)  : i32 {
      %add3A_230 = vector.broadcast %scan3A_228 : i32 to vector<16xi32>
      %add3A_231 = arith.addi %broadcast_in_dim3A_65, %add3A_230 : vector<16xi32>
      %gather3A = tpu.vector_load_idx %arg16[%mul3A_136, %add3A_231] : memref<256x128xf32, #tpu.memory_space<vmem>>[vector<16xi32>, vector<16xi32>], vector<16xf32>,
      %gather3A_232 = tpu.vector_load_idx %arg16[%add3A_139, %add3A_231] : memref<256x128xf32, #tpu.memory_space<vmem>>[vector<16xi32>, vector<16xi32>], vector<16xf32>,
      %mul3A_233 = arith.mulf %gather3A, %gather3A_232 : vector<16xf32>
      %add3A_234 = arith.addf %scan3A_229, %mul3A_233 : vector<16xf32>
      scf.yield %add3A_234 : vector<16xf32>
    }
    %scan3A_147 = arith.constant 128 : i32
    %swap3A_148 = arith.constant 48 : index
    %swap3A_149 = tpu.vector_load %arg17[%swap3A_148] {strides = array<i32>} : memref<128xf32, #tpu.memory_space<vmem>>, vector<16xf32>,
    tpu.vector_store %arg17[%swap3A_148], %scan3A_146 {strides = array<i32>} : memref<128xf32, #tpu.memory_space<vmem>>, vector<16xf32>,
    %add3A_150 = arith.constant 64 : i32
    %add3A_151 = vector.broadcast %add3A_150 : i32 to vector<16xi32>
    %add3A_152 = arith.addi %add3A_151, %iota3A : vector<16xi32>
    %mul3A_153 = arith.constant 2 : i32
    %mul3A_154 = vector.broadcast %mul3A_153 : i32 to vector<16xi32>
    %mul3A_155 = arith.muli %mul3A_154, %add3A_152 : vector<16xi32>
    %add3A_156 = arith.constant 1 : i32
    %add3A_157 = vector.broadcast %add3A_156 : i32 to vector<16xi32>
    %add3A_158 = arith.addi %mul3A_155, %add3A_157 : vector<16xi32>
    %broadcast_in_dim3A_159 = arith.constant 0.000000e+00 : f32
    %broadcast_in_dim3A_160 = vector.broadcast %broadcast_in_dim3A_159 : f32 to vector<16xf32>
    %scan3A_161 = arith.constant 0 : i32
    %scan3A_162 = arith.constant 128 : i32
    %scan3A_163 = arith.addi %scan3A_161, %scan3A_162 : i32
    %scan3A_164 = arith.constant 1 : i32
    %scan3A_165 = scf.for %scan3A_228 = %scan3A_161 to %scan3A_163 step %scan3A_164 iter_args(%scan3A_229 = %broadcast_in_dim3A_160) -> (vector<16xf32>)  : i32 {
      %add3A_230 = vector.broadcast %scan3A_228 : i32 to vector<16xi32>
      %add3A_231 = arith.addi %broadcast_in_dim3A_65, %add3A_230 : vector<16xi32>
      %gather3A = tpu.vector_load_idx %arg16[%mul3A_155, %add3A_231] : memref<256x128xf32, #tpu.memory_space<vmem>>[vector<16xi32>, vector<16xi32>], vector<16xf32>,
      %gather3A_232 = tpu.vector_load_idx %arg16[%add3A_158, %add3A_231] : memref<256x128xf32, #tpu.memory_space<vmem>>[vector<16xi32>, vector<16xi32>], vector<16xf32>,
      %mul3A_233 = arith.mulf %gather3A, %gather3A_232 : vector<16xf32>
      %add3A_234 = arith.addf %scan3A_229, %mul3A_233 : vector<16xf32>
      scf.yield %add3A_234 : vector<16xf32>
    }
    %scan3A_166 = arith.constant 128 : i32
    %swap3A_167 = arith.constant 64 : index
    %swap3A_168 = tpu.vector_load %arg17[%swap3A_167] {strides = array<i32>} : memref<128xf32, #tpu.memory_space<vmem>>, vector<16xf32>,
    tpu.vector_store %arg17[%swap3A_167], %scan3A_165 {strides = array<i32>} : memref<128xf32, #tpu.memory_space<vmem>>, vector<16xf32>,
    %add3A_169 = arith.constant 80 : i32
    %add3A_170 = vector.broadcast %add3A_169 : i32 to vector<16xi32>
    %add3A_171 = arith.addi %add3A_170, %iota3A : vector<16xi32>
    %mul3A_172 = arith.constant 2 : i32
    %mul3A_173 = vector.broadcast %mul3A_172 : i32 to vector<16xi32>
    %mul3A_174 = arith.muli %mul3A_173, %add3A_171 : vector<16xi32>
    %add3A_175 = arith.constant 1 : i32
    %add3A_176 = vector.broadcast %add3A_175 : i32 to vector<16xi32>
    %add3A_177 = arith.addi %mul3A_174, %add3A_176 : vector<16xi32>
    %broadcast_in_dim3A_178 = arith.constant 0.000000e+00 : f32
    %broadcast_in_dim3A_179 = vector.broadcast %broadcast_in_dim3A_178 : f32 to vector<16xf32>
    %scan3A_180 = arith.constant 0 : i32
    %scan3A_181 = arith.constant 128 : i32
    %scan3A_182 = arith.addi %scan3A_180, %scan3A_181 : i32
    %scan3A_183 = arith.constant 1 : i32
    %scan3A_184 = scf.for %scan3A_228 = %scan3A_180 to %scan3A_182 step %scan3A_183 iter_args(%scan3A_229 = %broadcast_in_dim3A_179) -> (vector<16xf32>)  : i32 {
      %add3A_230 = vector.broadcast %scan3A_228 : i32 to vector<16xi32>
      %add3A_231 = arith.addi %broadcast_in_dim3A_65, %add3A_230 : vector<16xi32>
      %gather3A = tpu.vector_load_idx %arg16[%mul3A_174, %add3A_231] : memref<256x128xf32, #tpu.memory_space<vmem>>[vector<16xi32>, vector<16xi32>], vector<16xf32>,
      %gather3A_232 = tpu.vector_load_idx %arg16[%add3A_177, %add3A_231] : memref<256x128xf32, #tpu.memory_space<vmem>>[vector<16xi32>, vector<16xi32>], vector<16xf32>,
      %mul3A_233 = arith.mulf %gather3A, %gather3A_232 : vector<16xf32>
      %add3A_234 = arith.addf %scan3A_229, %mul3A_233 : vector<16xf32>
      scf.yield %add3A_234 : vector<16xf32>
    }
    %scan3A_185 = arith.constant 128 : i32
    %swap3A_186 = arith.constant 80 : index
    %swap3A_187 = tpu.vector_load %arg17[%swap3A_186] {strides = array<i32>} : memref<128xf32, #tpu.memory_space<vmem>>, vector<16xf32>,
    tpu.vector_store %arg17[%swap3A_186], %scan3A_184 {strides = array<i32>} : memref<128xf32, #tpu.memory_space<vmem>>, vector<16xf32>,
    %add3A_188 = arith.constant 96 : i32
    %add3A_189 = vector.broadcast %add3A_188 : i32 to vector<16xi32>
    %add3A_190 = arith.addi %add3A_189, %iota3A : vector<16xi32>
    %mul3A_191 = arith.constant 2 : i32
    %mul3A_192 = vector.broadcast %mul3A_191 : i32 to vector<16xi32>
    %mul3A_193 = arith.muli %mul3A_192, %add3A_190 : vector<16xi32>
    %add3A_194 = arith.constant 1 : i32
    %add3A_195 = vector.broadcast %add3A_194 : i32 to vector<16xi32>
    %add3A_196 = arith.addi %mul3A_193, %add3A_195 : vector<16xi32>
    %broadcast_in_dim3A_197 = arith.constant 0.000000e+00 : f32
    %broadcast_in_dim3A_198 = vector.broadcast %broadcast_in_dim3A_197 : f32 to vector<16xf32>
    %scan3A_199 = arith.constant 0 : i32
    %scan3A_200 = arith.constant 128 : i32
    %scan3A_201 = arith.addi %scan3A_199, %scan3A_200 : i32
    %scan3A_202 = arith.constant 1 : i32
    %scan3A_203 = scf.for %scan3A_228 = %scan3A_199 to %scan3A_201 step %scan3A_202 iter_args(%scan3A_229 = %broadcast_in_dim3A_198) -> (vector<16xf32>)  : i32 {
      %add3A_230 = vector.broadcast %scan3A_228 : i32 to vector<16xi32>
      %add3A_231 = arith.addi %broadcast_in_dim3A_65, %add3A_230 : vector<16xi32>
      %gather3A = tpu.vector_load_idx %arg16[%mul3A_193, %add3A_231] : memref<256x128xf32, #tpu.memory_space<vmem>>[vector<16xi32>, vector<16xi32>], vector<16xf32>,
      %gather3A_232 = tpu.vector_load_idx %arg16[%add3A_196, %add3A_231] : memref<256x128xf32, #tpu.memory_space<vmem>>[vector<16xi32>, vector<16xi32>], vector<16xf32>,
      %mul3A_233 = arith.mulf %gather3A, %gather3A_232 : vector<16xf32>
      %add3A_234 = arith.addf %scan3A_229, %mul3A_233 : vector<16xf32>
      scf.yield %add3A_234 : vector<16xf32>
    }
    %scan3A_204 = arith.constant 128 : i32
    %swap3A_205 = arith.constant 96 : index
    %swap3A_206 = tpu.vector_load %arg17[%swap3A_205] {strides = array<i32>} : memref<128xf32, #tpu.memory_space<vmem>>, vector<16xf32>,
    tpu.vector_store %arg17[%swap3A_205], %scan3A_203 {strides = array<i32>} : memref<128xf32, #tpu.memory_space<vmem>>, vector<16xf32>,
    %add3A_207 = arith.constant 112 : i32
    %add3A_208 = vector.broadcast %add3A_207 : i32 to vector<16xi32>
    %add3A_209 = arith.addi %add3A_208, %iota3A : vector<16xi32>
    %mul3A_210 = arith.constant 2 : i32
    %mul3A_211 = vector.broadcast %mul3A_210 : i32 to vector<16xi32>
    %mul3A_212 = arith.muli %mul3A_211, %add3A_209 : vector<16xi32>
    %add3A_213 = arith.constant 1 : i32
    %add3A_214 = vector.broadcast %add3A_213 : i32 to vector<16xi32>
    %add3A_215 = arith.addi %mul3A_212, %add3A_214 : vector<16xi32>
    %broadcast_in_dim3A_216 = arith.constant 0.000000e+00 : f32
    %broadcast_in_dim3A_217 = vector.broadcast %broadcast_in_dim3A_216 : f32 to vector<16xf32>
    %scan3A_218 = arith.constant 0 : i32
    %scan3A_219 = arith.constant 128 : i32
    %scan3A_220 = arith.addi %scan3A_218, %scan3A_219 : i32
    %scan3A_221 = arith.constant 1 : i32
    %scan3A_222 = scf.for %scan3A_228 = %scan3A_218 to %scan3A_220 step %scan3A_221 iter_args(%scan3A_229 = %broadcast_in_dim3A_217) -> (vector<16xf32>)  : i32 {
      %add3A_230 = vector.broadcast %scan3A_228 : i32 to vector<16xi32>
      %add3A_231 = arith.addi %broadcast_in_dim3A_65, %add3A_230 : vector<16xi32>
      %gather3A = tpu.vector_load_idx %arg16[%mul3A_212, %add3A_231] : memref<256x128xf32, #tpu.memory_space<vmem>>[vector<16xi32>, vector<16xi32>], vector<16xf32>,
      %gather3A_232 = tpu.vector_load_idx %arg16[%add3A_215, %add3A_231] : memref<256x128xf32, #tpu.memory_space<vmem>>[vector<16xi32>, vector<16xi32>], vector<16xf32>,
      %mul3A_233 = arith.mulf %gather3A, %gather3A_232 : vector<16xf32>
      %add3A_234 = arith.addf %scan3A_229, %mul3A_233 : vector<16xf32>
      scf.yield %add3A_234 : vector<16xf32>
    }
    %scan3A_223 = arith.constant 128 : i32
    %swap3A_224 = arith.constant 112 : index
    %swap3A_225 = tpu.vector_load %arg17[%swap3A_224] {strides = array<i32>} : memref<128xf32, #tpu.memory_space<vmem>>, vector<16xf32>,
    tpu.vector_store %arg17[%swap3A_224], %scan3A_222 {strides = array<i32>} : memref<128xf32, #tpu.memory_space<vmem>>, vector<16xf32>,
    %mul3A_226 = arith.constant 128 : i32
    %mul3A_227 = arith.muli %add3A, %mul3A_226 : i32
    "tpu.region"() ({
      %run_scoped3A = tpu.sem_alloc : memref<!tpu.dma_semaphore, #tpu.memory_space<semaphore_mem>>
      %dma_start3A_228 = tpu.memref_slice %arg7[%mul3A_227] : memref<4096xf32, #tpu.memory_space<hbm>> -> memref<128xf32, #tpu.memory_space<hbm>>
      %dma_start3A_229 = tpu.memref_slice %arg7[%mul3A_227] : memref<4096xf32, #tpu.memory_space<hbm>> -> memref<128xf32, #tpu.memory_space<hbm>>
      tpu.enqueue_dma source(%arg17 : memref<128xf32, #tpu.memory_space<vmem>>) target(%dma_start3A_229 : memref<128xf32, #tpu.memory_space<hbm>>) target_semaphore(%run_scoped3A : memref<!tpu.dma_semaphore, #tpu.memory_space<semaphore_mem>>)
      %dma_wait3A_230 = tpu.memref_slice %arg7[%mul3A_227] : memref<4096xf32, #tpu.memory_space<hbm>> -> memref<128xf32, #tpu.memory_space<hbm>>
      %dma_wait3A_231 = tpu.memref_slice %arg7[%mul3A_227] : memref<4096xf32, #tpu.memory_space<hbm>> -> memref<128xf32, #tpu.memory_space<hbm>>
      tpu.wait_dma2 semaphore(%run_scoped3A : memref<!tpu.dma_semaphore, #tpu.memory_space<semaphore_mem>>) src(%arg17 : memref<128xf32, #tpu.memory_space<vmem>>) dst(%dma_wait3A_231 : memref<128xf32, #tpu.memory_space<hbm>>)
      tpu.yield
    }) : () -> ()
    return
  }
}

</mosaic_0001>

<sc_bundles>
// kernel: _run.3.cloned.1.call-start
scs
__scs_entry_jumppad:
0x0: {  	(pc) =	sbr.rel $0x88, $3  }
0x1: {  	(tag) =	ssettag $0x0;
	lr =	simm.s32 $0x1  }
0x2: {  	[smem:$0x3F9C] =	sst lr;
	_ =	strace $0xD0000000  }
0x3: {  	_ = 	snop  }
0x4: {  	_ = 	snop  }
0x5: {  	_ = 	snop  }
0x6: {  	_ = 	snop  }
0x7: {  	_ = 	snop  }
__scs_overlays_trampoline_lowered:
0x8: {  	[smem:$0x3FAB] =	sst s0  }
0x9: {  	[smem:$0x3FAC] =	sst s1  }
0xa: {  	[smem:$0x3FAD] =	sst s2  }
0xb: {  	[smem:$0x3FAE] =	sst s3  }
0xc: {  	[smem:$0x3FAF] =	sst s4  }
0xd: {  	[smem:$0x3FB0] =	sst s5  }
0xe: {  	[smem:$0x3FB1] =	sst s6  }
0xf: {  	[smem:$0x3FB2] =	sst s7  }
0x10: {  	[smem:$0x3FB3] =	sst s8  }
0x11: {  	[smem:$0x3FB4] =	sst s9;
	s0 =	simm.s32 @!p0 $0x0  }
0x12: {  	s1 =	sld [smem:$0x3F9A];
	s0 =	simm.s32 @p0 $0x1  }
0x13: {  	[smem:$0x3FB5] =	sst s0;
	s0 =	simm.s32 @!p1 $0x0  }
0x14: {  	s2 =	sld [smem:$0x3F99];
	s0 =	simm.s32 @p1 $0x1  }
0x15: {  	[smem:$0x3FB6] =	sst s0;
	s0 =	simm.s32 @!p2 $0x0  }
0x16: {  	s3 =	sld [smem:$0x3FDB];
	s0 =	simm.s32 @p2 $0x1  }
0x17: {  	s4 =	simm.s32 $0x1BF5;
	[smem:$0x3FB8] =	sst s0  }
0x18: {  	s0 =	sld [smem:$0x3F9B];
	_ =	swait.ge [sflag:s4], $0x0  }
0x19: {  	s7 =	sld [smem:$0x3F9C]  }
0x1a: {  	s8 =	sadd.s32 $0xFFFFE003, lr  }
0x1b: {  	s9 =	sadd.s32 $0xFFFFFEF7, lr;
	s5 =	simm.s32 $0xFFFFFFFF;
	p2 =	slt.u32 s8, $0xFFFFF086  }
0x1c: {  	p1 =	slt.u32 s9, $0xF7A;
	s5 =	simm.s32 @!p2 $0x0  }
0x1d: {  	s5 =	simm.s32 @p1 $0x1;
	p0 =	seq.s32 s7, s2  }
0x1e: {  	s7 =	smul.u32 @!p0 $0xF7A, s2;
	p2 =	seq.s32 @!p0 s5, $0x0  }
0x1f: {  	s9 =	smul.u32 $0xF7A, s1;
	s8 =	simm.s32 @!p0 $0x1BF5;
	p2 =	por !p2, p0  }
0x20: {  	[sflag:s8] =	ssyncset.s32 @!p0 $0xFFFFF086;
	s6 =	sadd.s32 @!p0 s3, s7;
	s7 =	simm.s32 @!p0 $0x108  }
0x21: {  	s3 =	sadd.s32 s3, s9;
	s6 =	sadd.s32 @!p0 $0x88, s6;
	s7 =	simm.s32 @p2 $0x1082  }
0x22: {  	[simem:s7], [sflag:s8] =	dma.local @!p0 [hbm:s6], $0xF7A  }
0x23: {  	s9 =	sor.u32 $0xD0000000, s2;
	s6 =	simm.s32 $0x108;
	_ =	swait.ge @!p0 [sflag:s8], $0x0  }
0x24: {  	s3 =	sadd.s32 $0x88, s3;
	s6 =	simm.s32 @!p1 $0x1082;
	[sflag:s4] =	ssyncset.s32 $0xFFFFF086  }
0x25: {  	[simem:s6], [sflag:s4] =	dma.local [hbm:s3], $0xF7A  }
0x26: {  	[smem:$0x3F9C] =	sst s1;
	(tag) =	ssettag s2;
	_ =	strace s9  }
0x27: {  	s1 =	sld [smem:$0x3FAC]  }
0x28: {  	s2 =	sld [smem:$0x3FAD]  }
0x29: {  	s4 =	sld [smem:$0x3FAF]  }
0x2a: {  	p0 =	seq.s32 s5, $0x0;
	s5 =	sld [smem:$0x3FB0]  }
0x2b: {  	s6 =	sld [smem:$0x3FB1]  }
0x2c: {  	s7 =	sld [smem:$0x3FB2]  }
0x2d: {  	s3 =	simm.s32 $0x108;
	s8 =	sld [smem:$0x3FB3]  }
0x2e: {  	s3 =	simm.s32 @!p0 $0x1082;
	s9 =	sld [smem:$0x3FB4]  }
0x2f: {  	lr =	sadd.s32 s0, s3;
	s0 =	sld [smem:$0x3FAB]  }
0x30: {  	s3 =	sld [smem:$0x3FAE]  }
0x31: {  	[smem:$0x3FB7] =	sst s10  }
0x32: {  	s10 =	sld [smem:$0x3FB5];
	_ =	sdelay $0x3  }
0x33: {  	p0 =	seq.s32 s10, $0x1;
	s10 =	sld [smem:$0x3FB7];
	_ =	sdelay $0x3  }
0x34: {  	[smem:$0x3FB7] =	sst s10  }
0x35: {  	s10 =	sld [smem:$0x3FB6];
	_ =	sdelay $0x3  }
0x36: {  	p1 =	seq.s32 s10, $0x1;
	s10 =	sld [smem:$0x3FB7];
	_ =	sdelay $0x3  }
0x37: {  	[smem:$0x3FB7] =	sst s10  }
0x38: {  	s10 =	sld [smem:$0x3FB8]  }
0x39: {  	_ = 	snop;
	(pc) =	sbr.ind lr, $3  }
0x3a: {  	_ = 	snop  }
0x3b: {  	_ = 	snop  }
0x3c: {  	p2 =	seq.s32 s10, $0x1;
	s10 =	sld [smem:$0x3FB7]  }
0x3d: {  	_ =	shalt  }
0x3e: {  	_ =	shalt  }
0x3f: {  	_ =	shalt  }
0x40: {  	_ =	shalt  }
0x41: {  	_ =	shalt  }
0x42: {  	_ =	shalt  }
0x43: {  	_ =	shalt  }
0x44: {  	_ =	shalt  }
0x45: {  	_ =	shalt  }
0x46: {  	_ =	shalt  }
0x47: {  	_ =	shalt  }
0x48: {  	_ =	shalt  }
0x49: {  	_ =	shalt  }
0x4a: {  	_ =	shalt  }
0x4b: {  	_ =	shalt  }
0x4c: {  	_ =	shalt  }
0x4d: {  	_ =	shalt  }
0x4e: {  	_ =	shalt  }
0x4f: {  	_ =	shalt  }
0x50: {  	_ =	shalt  }
0x51: {  	_ =	shalt  }
0x52: {  	_ =	shalt  }
0x53: {  	_ =	shalt  }
0x54: {  	_ =	shalt  }
0x55: {  	_ =	shalt  }
0x56: {  	_ =	shalt  }
0x57: {  	_ =	shalt  }
0x58: {  	_ =	shalt  }
0x59: {  	_ =	shalt  }
0x5a: {  	_ =	shalt  }
0x5b: {  	_ =	shalt  }
0x5c: {  	_ =	shalt  }
0x5d: {  	_ =	shalt  }
0x5e: {  	_ =	shalt  }
0x5f: {  	_ =	shalt  }
0x60: {  	_ =	shalt  }
0x61: {  	_ =	shalt  }
0x62: {  	_ =	shalt  }
0x63: {  	_ =	shalt  }
0x64: {  	_ =	shalt  }
0x65: {  	_ =	shalt  }
0x66: {  	_ =	shalt  }
0x67: {  	_ =	shalt  }
0x68: {  	_ =	shalt  }
0x69: {  	_ =	shalt  }
0x6a: {  	_ =	shalt  }
0x6b: {  	_ =	shalt  }
0x6c: {  	_ =	shalt  }
0x6d: {  	_ =	shalt  }
0x6e: {  	_ =	shalt  }
0x6f: {  	_ =	shalt  }
0x70: {  	_ =	shalt  }
0x71: {  	_ =	shalt  }
0x72: {  	_ =	shalt  }
0x73: {  	_ =	shalt  }
0x74: {  	_ =	shalt  }
0x75: {  	_ =	shalt  }
0x76: {  	_ =	shalt  }
0x77: {  	_ =	shalt  }
0x78: {  	_ =	shalt  }
0x79: {  	_ =	shalt  }
0x7a: {  	_ =	shalt  }
0x7b: {  	_ =	shalt  }
0x7c: {  	_ =	shalt  }
0x7d: {  	_ =	shalt  }
0x7e: {  	_ =	shalt  }
0x7f: {  	_ =	shalt  }
0x80: {  	_ =	shalt  }
0x81: {  	_ =	shalt  }
0x82: {  	_ =	shalt  }
0x83: {  	_ =	shalt  }
0x84: {  	_ =	shalt  }
0x85: {  	_ =	shalt  }
0x86: {  	_ =	shalt  }
0x87: {  	_ =	shalt  }
.Lfunc_end0:
.L_simem_size_0:
called_computation_lowered:
.L_overlay_start_0:
0x88: {  	s2 =	sld [smem:$0x3FD9]  }
0x89: {  	s3 =	sld [smem:$0x3FFE];
	_ =	sdelay $0x1  }
0x8a: {  	s1 =	srdreg.scid  }
0x8b: {  	s0 =	sand.u32 $0x1, s1  }
0x8c: {  	s17 =	sshll.u32 s0, $0xA;
	s2 =	sadd.s32 s3, s2  }
0x8d: {  	s2 =	sadd.s32 s2, s17  }
0x8e: {  	[smem:$0x3FC3] =	sst s2  }
0x8f: {  	_ = 	snop  }
0x90: {  	s2 =	sld [smem:$0x3FC9]  }
0x91: {  	s18 =	sld [smem:$0x3FC8]  }
0x92: {  	s4 =	sld [smem:$0x3FC7]  }
0x93: {  	s5 =	sld [smem:$0x3FD0];
	(tm) =	ssettm $0x1  }
0x94: {  	s6 =	sld [smem:$0x3FFB];
	_ =	sdelay $0x3  }
0x95: {  	_ =	strace s6  }
0x96: {  	s6 =	sld [smem:$0x3FFC];
	_ =	sdelay $0x3  }
0x97: {  	_ =	strace s6  }
0x98: {  	s6 =	sld [smem:$0x3FFD];
	_ =	sdelay $0x3  }
0x99: {  	_ =	strace s6  }
0x9a: {  	_ =	strace $0x8FFFFFFF  }
0x9b: {  	s19 =	sld [smem:$0x3FDB];
	_ =	sdelay $0x1  }
0x9c: {  	s7 =	simm.s32 $_scs_section_size  }
0x9d: {  	s8 =	simm.s32 $_size__tile_overlayer_lowered;
	s9 =	simm.s32 $_tile_overlayer_lowered  }
0x9e: {  	s22 =	simm.s32 $0x1BFF;
	s21 =	sshll.u32 s9, $0x1;
	s6 =	sadd.s32 s7, s19  }
0x9f: {  	s10 =	simm.s32 $0x0;
	s20 =	sshll.u32 s8, $0x1;
	s8 =	sadd.s32 s21, s6  }
0xa0: {  	[timem:s10], [sflag:s22] =	dma.local [hbm:s8], s20  }
0xa1: {  	_ =	swait.ge [sflag:s22], s20  }
0xa2: {  	s7 =	ssub.s32 $0x0, s20;
	[sflag:s22] =	ssyncset.done $0x0  }
0xa3: {  	[sflag:s22] =	ssyncadd.s32 s7;
	_ =	sdelay $0x1  }
0xa4: {  	s23 =	simm.s32 $0x1B8B  }
0xa5: {  	_ =	swait.ge [sflag:s23], $0x1  }
0xa6: {  	[sflag:s23] =	ssyncset.done $0x0  }
0xa7: {  	s25 =	simm.s32 $0x1B8E;
	s24 =	sld [smem:$0x3FFE];
	[sflag:s23] =	ssyncadd.s32 $0xFFFFFFFF  }
0xa8: {  	s26 =	simm.s32 $execute0_lowered;
	[smem:$0x3FD2] =	sst s25  }
0xa9: {  	s8 =	sshll.u32 s26, $0x1;
	_ =	strace $0x80000046;
	[dreg:$0x1] =	wrdreg $0xFFFFFFFF  }
0xaa: {  	s28 =	simm.s32 $_size_execute0_lowered;
	s6 =	sadd.s32 s6, s8;
	[dreg:$0x0] =	wrdreg $0x0  }
0xab: {  	s8 =	sshll.u32 s28, $0x1;
	[dreg:$0x2] =	wrdreg s6  }
0xac: {  	[dreg:$0x3] =	wrdreg s8  }
0xad: {  	[dreg:$0x4] =	wrdreg $0xC0  }
0xae: {  	_ =	task [dreg:s10], $0x5FFFF  }
0xaf: {  	[dreg:$0x1] =	wrdreg $0xFFFFFFFF  }
0xb0: {  	[dreg:$0x0] =	wrdreg $0x60  }
0xb1: {  	[dreg:$0x2] =	wrdreg s2  }
0xb2: {  	[dreg:$0x3] =	wrdreg s18  }
0xb3: {  	[dreg:$0x4] =	wrdreg s4  }
0xb4: {  	[dreg:$0x5] =	wrdreg s24  }
0xb5: {  	[dreg:$0x6] =	wrdreg s5  }
0xb6: {  	[dreg:$0x7] =	wrdreg $0x9  }
0xb7: {  	_ =	task.clear_ibuf [dreg:s10], $0x8FFFF;
	_ =	strace $0x90000046  }
0xb8: {  	s29 =	simm.s32 $0x9;
	_ =	strace $0x80000048  }
0xb9: {  	_ =	swait.ge [sflag:s29], $0x1  }
0xba: {  	[sflag:s29] =	ssyncadd.s32 $0xFFFFFFFF  }
0xbb: {  	_ =	strace $0x90000048  }
0xbc: {  	_ =	sfence  }
0xbd: {  	s30 =	sld [smem:$0x0];
	_ =	sdelay $0x2  }
0xbe: {  	s31 =	sshll.u32 s1, $0xD;
	s1 =	sshrl.u32 s1, $0x2  }
0xbf: {  	s3 =	sand.u32 $0x4000, s31;
	s1 =	sadd.s32 s1, s30  }
0xc0: {  	s0 =	sor.u32 s3, s0;
	s1 =	sshll.u32 s1, $0x11  }
0xc1: {  	s0 =	sor.u32 s1, s0  }
0xc2: {  	s0 =	sadd.s32 $0x8F2B, s0  }
0xc3: {  	[sflag:s0] =	ssyncadd.remote.s32 $0x1  }
0xc4: {  	_ =	sfence.sel $0xFFFF  }
0xc5: {  	[dreg:$0x0] =	wrdreg $0xFFFFFFFF;
	(pc) =	sbr.abs _section_cstart, $3  }
0xc6: {  	[dreg:$0x1] =	wrdreg $0xFFFFFFFF  }
0xc7: {  	_ =	task.clear_ibuf [dreg:s10], $0x2FFFF;
	_ =	strace $0x9FFFFFFF  }
0xc8: {  	(tm) =	ssettm $0x7FFFFFFF  }
0xc9: {  	_ =	shalt  }
tec
execute0_lowered:
.L_overlay_start_1:
0x0: {  	(tag) =	ssettag $0x1  }
0x1: {  	v0 =	vimm.s32 $0x51504140;
	v1 =	vimm.s32 $0x71706160;
	vm0 =	vcmask $0x1F10  }
0x2: {  	v2 =	vimm.s32 $0x31302120;
	v3 =	vimm.s32 $0xD1D0C1C0;
	v4 =	vimm.s32 $0xF1F0E1E0  }
0x3: {  	v5 =	vimm.s32 $0x91908180;
	v6 =	vimm.s32 $0xB1B0A1A0;
	vm14 =	vcmask $0x300  }
0x4: {  	vm13 =	vcmask $0x704;
	vm12 =	vcmask $0xB08;
	vm11 =	vcmask $0xF0C  }
0x5: {  	vm10 =	vcmask $0x1310;
	vm9 =	vcmask $0x1714;
	vm8 =	vcmask $0x1B18  }
0x6: {  	vm7 =	vcmask $0x1F1C;
	vm6 =	vcmask $0x2320;
	vm5 =	vcmask $0x2724  }
0x7: {  	vm4 =	vcmask $0x2B28;
	vm3 =	vcmask $0x2F2C;
	vm1 =	vcmask $0x3330  }
0x8: {  	vm15 =	vcmask $0x3734;
	vm2 =	vcmask $0x3B38;
	v7 =	vimm.s32 $0x3F1  }
0x9: {  	v8 =	vimm.s32 $0x471;
	v9 =	vimm.s32 $0x4F1;
	v10 =	vimm.s32 $0x571  }
0xa: {  	v11 =	vimm.s32 $0x5F1;
	v12 =	vimm.s32 $0x671;
	v13 =	vimm.s32 $0x6F1  }
0xb: {  	v14 =	vimm.s32 $0x771;
	v15 =	vimm.s32 $0x7F1;
	v0 =	vunpack.c.0.s8.s32 v0  }
0xc: {  	v1 =	vunpack.c.0.s8.s32 v1;
	v2 =	vunpack.c.0.s8.s32 v2;
	v3 =	vunpack.c.0.s8.s32 v3  }
0xd: {  	v4 =	vunpack.c.0.s8.s32 v4;
	v7 =	vsel vm14, $0x380, v7;
	v8 =	vsel vm14, $0x400, v8  }
0xe: {  	v9 =	vsel vm14, $0x480, v9;
	v10 =	vsel vm14, $0x500, v10;
	v11 =	vsel vm14, $0x580, v11  }
0xf: {  	v12 =	vsel vm14, $0x600, v12;
	v13 =	vsel vm14, $0x680, v13;
	v14 =	vsel vm14, $0x700, v14  }
0x10: {  	v15 =	vsel vm14, $0x780, v15;
	v7 =	vsel vm13, $0x381, v7;
	v8 =	vsel vm13, $0x401, v8  }
0x11: {  	v9 =	vsel vm13, $0x481, v9;
	v10 =	vsel vm13, $0x501, v10;
	v11 =	vsel vm13, $0x581, v11  }
0x12: {  	v12 =	vsel vm13, $0x601, v12;
	v13 =	vsel vm13, $0x681, v13;
	v14 =	vsel vm13, $0x701, v14  }
0x13: {  	v15 =	vsel vm13, $0x781, v15;
	v0 =	vsel vm0, v1, v0;
	v1 =	vimm.s32 $0x11100100  }
0x14: {  	v7 =	vsel vm12, $0x390, v7;
	v8 =	vsel vm12, $0x410, v8;
	v9 =	vsel vm12, $0x490, v9  }
0x15: {  	v10 =	vsel vm12, $0x510, v10;
	v11 =	vsel vm12, $0x590, v11;
	v12 =	vsel vm12, $0x610, v12  }
0x16: {  	v13 =	vsel vm12, $0x690, v13;
	v14 =	vsel vm12, $0x710, v14;
	v15 =	vsel vm12, $0x790, v15  }
0x17: {  	v1 =	vunpack.c.0.s8.s32 v1;
	v7 =	vsel vm11, $0x391, v7;
	v8 =	vsel vm11, $0x411, v8  }
0x18: {  	v9 =	vsel vm11, $0x491, v9;
	v10 =	vsel vm11, $0x511, v10;
	v11 =	vsel vm11, $0x591, v11  }
0x19: {  	v12 =	vsel vm11, $0x611, v12;
	v13 =	vsel vm11, $0x691, v13;
	v14 =	vsel vm11, $0x711, v14  }
0x1a: {  	v15 =	vsel vm11, $0x791, v15;
	v7 =	vsel vm10, $0x3A0, v7;
	v8 =	vsel vm10, $0x420, v8  }
0x1b: {  	v9 =	vsel vm10, $0x4A0, v9;
	v10 =	vsel vm10, $0x520, v10;
	v11 =	vsel vm10, $0x5A0, v11  }
0x1c: {  	v12 =	vsel vm10, $0x620, v12;
	v13 =	vsel vm10, $0x6A0, v13;
	v14 =	vsel vm10, $0x720, v14  }
0x1d: {  	v15 =	vsel vm10, $0x7A0, v15;
	v1 =	vsel vm0, v2, v1;
	v2 =	vunpack.c.0.s8.s32 v5  }
0x1e: {  	v5 =	vunpack.c.0.s8.s32 v6;
	v6 =	vimm.s32 $0x371;
	v7 =	vsel vm9, $0x3A1, v7  }
0x1f: {  	v8 =	vsel vm9, $0x421, v8;
	v9 =	vsel vm9, $0x4A1, v9;
	v10 =	vsel vm9, $0x521, v10  }
0x20: {  	v11 =	vsel vm9, $0x5A1, v11;
	v12 =	vsel vm9, $0x621, v12;
	v13 =	vsel vm9, $0x6A1, v13  }
0x21: {  	v14 =	vsel vm9, $0x721, v14;
	v15 =	vsel vm9, $0x7A1, v15;
	v0 =	vcombine.low v1, v0  }
0x22: {  	v1 =	vsel vm0, v4, v3;
	v3 =	vimm.s32 $0x171;
	v4 =	vimm.s32 $0x271  }
0x23: {  	v6 =	vsel vm14, $0x300, v6;
	v7 =	vsel vm8, $0x3B0, v7;
	v8 =	vsel vm8, $0x430, v8  }
0x24: {  	v9 =	vsel vm8, $0x4B0, v9;
	v10 =	vsel vm8, $0x530, v10;
	v11 =	vsel vm8, $0x5B0, v11  }
0x25: {  	v12 =	vsel vm8, $0x630, v12;
	v13 =	vsel vm8, $0x6B0, v13;
	v14 =	vsel vm8, $0x730, v14  }
0x26: {  	v15 =	vsel vm8, $0x7B0, v15;
	v2 =	vsel vm0, v5, v2;
	v4 =	vsel vm14, $0x200, v4  }
0x27: {  	v5 =	vimm.s32 $0x2F1;
	v6 =	vsel vm13, $0x301, v6;
	v7 =	vsel vm7, $0x3B1, v7  }
0x28: {  	v8 =	vsel vm7, $0x431, v8;
	v9 =	vsel vm7, $0x4B1, v9;
	v10 =	vsel vm7, $0x531, v10  }
0x29: {  	v11 =	vsel vm7, $0x5B1, v11;
	v12 =	vsel vm7, $0x631, v12;
	v13 =	vsel vm7, $0x6B1, v13  }
0x2a: {  	v14 =	vsel vm7, $0x731, v14;
	v15 =	vsel vm7, $0x7B1, v15;
	v1 =	vcombine.low v2, v1  }
0x2b: {  	v2 =	vsel vm14, $0x100, v3;
	v3 =	vimm.s32 $0x1F1;
	v4 =	vsel vm13, $0x201, v4  }
0x2c: {  	v5 =	vsel vm14, $0x280, v5;
	v6 =	vsel vm12, $0x310, v6;
	v7 =	vsel vm6, $0x3C0, v7  }
0x2d: {  	v8 =	vsel vm6, $0x440, v8;
	v9 =	vsel vm6, $0x4C0, v9;
	v10 =	vsel vm6, $0x540, v10  }
0x2e: {  	v11 =	vsel vm6, $0x5C0, v11;
	v12 =	vsel vm6, $0x640, v12;
	v13 =	vsel vm6, $0x6C0, v13  }
0x2f: {  	v14 =	vsel vm6, $0x740, v14;
	v15 =	vsel vm6, $0x7C0, v15;
	v2 =	vsel vm13, $0x101, v2  }
0x30: {  	v3 =	vsel vm14, $0x180, v3;
	v4 =	vsel vm12, $0x210, v4;
	v5 =	vsel vm13, $0x281, v5  }
0x31: {  	v6 =	vsel vm11, $0x311, v6;
	v7 =	vsel vm5, $0x3C1, v7;
	v8 =	vsel vm5, $0x441, v8  }
0x32: {  	v9 =	vsel vm5, $0x4C1, v9;
	v10 =	vsel vm5, $0x541, v10;
	v11 =	vsel vm5, $0x5C1, v11  }
0x33: {  	v12 =	vsel vm5, $0x641, v12;
	v13 =	vsel vm5, $0x6C1, v13;
	v14 =	vsel vm5, $0x741, v14  }
0x34: {  	v15 =	vsel vm5, $0x7C1, v15;
	v2 =	vsel vm12, $0x110, v2;
	v3 =	vsel vm13, $0x181, v3  }
0x35: {  	v1 =	vand.u32 $0xFF, v1;
	v4 =	vsel vm11, $0x211, v4;
	v5 =	vsel vm12, $0x290, v5  }
0x36: {  	v6 =	vsel vm10, $0x320, v6;
	v7 =	vsel vm4, $0x3D0, v7;
	v8 =	vsel vm4, $0x450, v8  }
0x37: {  	v9 =	vsel vm4, $0x4D0, v9;
	v10 =	vsel vm4, $0x550, v10;
	v11 =	vsel vm4, $0x5D0, v11  }
0x38: {  	v12 =	vsel vm4, $0x650, v12;
	v13 =	vsel vm4, $0x6D0, v13;
	v14 =	vsel vm4, $0x750, v14  }
0x39: {  	v2 =	vsel vm11, $0x111, v2;
	v3 =	vsel vm12, $0x190, v3;
	v4 =	vsel vm10, $0x220, v4  }
0x3a: {  	v5 =	vsel vm11, $0x291, v5;
	v6 =	vsel vm9, $0x321, v6;
	v7 =	vsel vm3, $0x3D1, v7  }
0x3b: {  	v8 =	vsel vm3, $0x451, v8;
	v9 =	vsel vm3, $0x4D1, v9;
	v10 =	vsel vm3, $0x551, v10  }
0x3c: {  	v11 =	vsel vm3, $0x5D1, v11;
	v12 =	vsel vm3, $0x651, v12;
	v13 =	vsel vm3, $0x6D1, v13  }
0x3d: {  	v2 =	vsel vm10, $0x120, v2;
	v3 =	vsel vm11, $0x191, v3;
	v4 =	vsel vm9, $0x221, v4  }
0x3e: {  	v5 =	vsel vm10, $0x2A0, v5;
	v6 =	vsel vm8, $0x330, v6;
	v7 =	vsel vm1, $0x3E0, v7  }
0x3f: {  	v8 =	vsel vm1, $0x460, v8;
	v9 =	vsel vm1, $0x4E0, v9;
	v10 =	vsel vm1, $0x560, v10  }
0x40: {  	v11 =	vsel vm1, $0x5E0, v11;
	v12 =	vsel vm1, $0x660, v12;
	v13 =	vsel vm1, $0x6E0, v13  }
0x41: {  	v2 =	vsel vm9, $0x121, v2;
	v3 =	vsel vm10, $0x1A0, v3;
	v4 =	vsel vm8, $0x230, v4  }
0x42: {  	v5 =	vsel vm9, $0x2A1, v5;
	v6 =	vsel vm7, $0x331, v6;
	v7 =	vsel vm15, $0x3E1, v7  }
0x43: {  	v8 =	vsel vm15, $0x461, v8;
	v9 =	vsel vm15, $0x4E1, v9;
	v10 =	vsel vm15, $0x561, v10  }
0x44: {  	v11 =	vsel vm15, $0x5E1, v11;
	v12 =	vsel vm15, $0x661, v12;
	v16 =	vsel vm15, $0x6E1, v13  }
0x45: {  	v13 =	vsel vm3, $0x751, v14;
	v14 =	vsel vm4, $0x7D0, v15;
	v2 =	vsel vm8, $0x130, v2  }
0x46: {  	v3 =	vsel vm9, $0x1A1, v3;
	v4 =	vsel vm7, $0x231, v4;
	v5 =	vsel vm8, $0x2B0, v5  }
0x47: {  	v6 =	vsel vm6, $0x340, v6;
	v7 =	vsel vm2, $0x3F0, v7;
	v8 =	vsel vm2, $0x470, v8  }
0x48: {  	v9 =	vsel vm2, $0x4F0, v9;
	v10 =	vsel vm2, $0x570, v10;
	v11 =	vsel vm2, $0x5F0, v11  }
0x49: {  	v12 =	vsel vm2, $0x670, v12;
	v15 =	vsel vm1, $0x760, v13;
	v14 =	vsel vm3, $0x7D1, v14  }
0x4a: {  	v13 =	vlaneseq.u32;
	v2 =	vsel vm7, $0x131, v2;
	v3 =	vsel vm8, $0x1B0, v3  }
0x4b: {  	v4 =	vsel vm6, $0x240, v4;
	v5 =	vsel vm7, $0x2B1, v5;
	v6 =	vsel vm5, $0x341, v6  }
0x4c: {  	s0 =	rddreg [dreg:$0x0];
	v15 =	vsel vm15, $0x761, v15;
	v17 =	vsel vm1, $0x7E0, v14;
	v24 =	vmul.u32 $0x10, v13  }
0x4d: {  	s1 =	rddreg [dreg:$0x1];
	v14 =	vsel vm2, $0x6F0, v16;
	v2 =	vsel vm6, $0x140, v2;
	v3 =	vsel vm7, $0x1B1, v3  }
0x4e: {  	s2 =	rddreg [dreg:$0x2];
	v4 =	vsel vm5, $0x241, v4;
	v5 =	vsel vm6, $0x2C0, v5;
	v6 =	vsel vm4, $0x350, v6  }
0x4f: {  	s4 =	rddreg [dreg:$0x3];
	v15 =	vsel vm2, $0x770, v15;
	v16 =	vsel vm15, $0x7E1, v17;
	v2 =	vsel vm5, $0x141, v2  }
0x50: {  	s8 =	rddreg [dreg:$0x4];
	s3 =	simm.s32 $0x0;
	v3 =	vsel vm6, $0x1C0, v3;
	v4 =	vsel vm4, $0x250, v4;
	v5 =	vsel vm5, $0x2C1, v5  }
0x51: {  	s6 =	srdreg.scid;
	s9 =	stileid.u32;
	s14 =	simm.s32 $0xEB00;
	v6 =	vsel vm3, $0x351, v6;
	v16 =	vsel vm2, $0x7F0, v16;
	v17 =	vor.u32 $0x2, v24  }
0x52: {  	s16 =	simm.s32 $0x1;
	s17 =	simm.s32 $0x2;
	s18 =	simm.s32 $0x2900;
	v18 =	vor.u32 $0x102, v24;
	v19 =	vor.u32 $0x202, v24;
	v20 =	vor.u32 $0x302, v24  }
0x53: {  	s19 =	simm.s32 $0x2100;
	s20 =	simm.s32 $0x3;
	s21 =	simm.s32 $0x2980;
	v21 =	vor.u32 $0x402, v24;
	v22 =	vor.u32 $0x502, v24;
	v23 =	vor.u32 $0x602, v24  }
0x54: {  	s22 =	simm.s32 $0x2B00;
	s23 =	simm.s32 $0x2A00;
	s24 =	simm.s32 $0x6B00;
	v24 =	vor.u32 $0x702, v24;
	v2 =	vsel vm4, $0x150, v2;
	v3 =	vsel vm5, $0x1C1, v3  }
0x55: {  	s25 =	simm.s32 $0x2A80;
	s26 =	simm.s32 $0xAB00;
	s28 =	simm.s32 $0x4;
	v4 =	vsel vm3, $0x251, v4;
	v5 =	vsel vm4, $0x2D0, v5;
	v6 =	vsel vm1, $0x360, v6  }
0x56: {  	s30 =	simm.s32 $0x0;
	[smem:$0x7FF] =	sst s3;
	s5 =	sadd.s32 $0x187000, s4;
	v2 =	vsel vm3, $0x151, v2;
	v3 =	vsel vm4, $0x1D0, v3;
	v4 =	vsel vm1, $0x260, v4  }
0x57: {  	s7 =	sand.u32 $0x1, s6;
	s9 =	sshll.u32 s9, $0x1;
	s6 =	sadd.s32 $0x186A600, s4;
	v5 =	vsel vm3, $0x2D1, v5;
	v6 =	vsel vm15, $0x361, v6;
	v2 =	vsel vm1, $0x160, v2  }
0x58: {  	_ =	strace $0x80000047;
	s29 =	ssub.s32 $0x2, s7;
	s7 =	sor.u32 s7, s9;
	v3 =	vsel vm3, $0x1D1, v3;
	v4 =	vsel vm15, $0x261, v4;
	v5 =	vsel vm1, $0x2E0, v5  }
0x59: {  	s31 =	sshrl.u32 s29, $0x1;
	s10 =	sshll.u32 s7, $0x5;
	s11 =	sshll.u32 s7, $0x4;
	v6 =	vsel vm2, $0x370, v6;
	v2 =	vsel vm15, $0x161, v2;
	v3 =	vsel vm1, $0x1E0, v3  }
0x5a: {  	s4 =	ssub.s32 s29, s31;
	s7 =	sadd.s32 s2, s10;
	s8 =	sadd.s32 s8, s11;
	v4 =	vsel vm2, $0x270, v4;
	v5 =	vsel vm15, $0x2E1, v5;
	v3 =	vsel vm15, $0x1E1, v3  }
0x5b: {  	s10 =	simm.s32 $0x5;
	s11 =	simm.s32 $0x80;
	s9 =	smax.u32 s4, $0x1;
	v2 =	vsel vm2, $0x170, v2;
	v5 =	vsel vm2, $0x2F0, v5;
	v3 =	vsel vm2, $0x1F0, v3  }
.LBB2_1:
0x5c: {  	[tilespmem:s3], [sflag:$0x5] =	stream.linear.gather [hbm4b:s7+s3], $0x100, $0x38;
	[tilespmem:$0x16B80] =	vst v63  }
0x5d: {  	_ =	swait.ge [sflag:s10], $0x100  }
0x5e: {  	[sflag:s10] =	ssyncset.done $0x0  }
0x5f: {  	s2 =	simm.s32 $0x100;
	[sflag:s10] =	ssyncadd.s32 $0xFFFFFF00  }
0x60: {  	[tilespmem:s2], [sflag:$0x1] =	stream.indirect.gather [hbm4b:s5+s11], $0x20, s3, s11, $0xb8;
	[tilespmem:$0x16B80] =	vst v63  }
0x61: {  	s15 =	simm.s32 $0x1100  }
0x62: {  	[tilespmem:s15], [sflag:$0x1] =	stream.indirect.gather [hbm4b:s5+s11], $0x20, s11, s11, $0xb8;
	[tilespmem:$0x16B80] =	vst v63  }
0x63: {  	_ = 	snop  }
0x64: {  	[tilespmem:s14], [sflag:$0x2] =	stream.indirect.gather [hbm4b:s0+s11], $0x80, s3, s11, $0xb8;
	[tilespmem:$0x16B80] =	vst v63  }
0x65: {  	s29 =	simm.s32 $0x12B00  }
0x66: {  	[tilespmem:s29], [sflag:$0x2] =	stream.indirect.gather [hbm4b:s0+s11], $0x80, s11, s11, $0xb8;
	[tilespmem:$0x16B80] =	vst v63  }
0x67: {  	_ =	swait.ge [sflag:s16], $0x1000  }
0x68: {  	[sflag:s16] =	ssyncset.done $0x0  }
0x69: {  	[sflag:s16] =	ssyncadd.s32 $0xFFFFF000  }
0x6a: {  	_ =	swait.ge [sflag:s16], $0x1000  }
0x6b: {  	[sflag:s16] =	ssyncset.done $0x0  }
0x6c: {  	[sflag:s16] =	ssyncadd.s32 $0xFFFFF000  }
0x6d: {  	_ =	swait.ge [sflag:s17], $0x4000  }
0x6e: {  	[sflag:s17] =	ssyncset.done $0x0  }
0x6f: {  	[sflag:s17] =	ssyncadd.s32 $0xFFFFC000  }
0x70: {  	_ =	swait.ge [sflag:s17], $0x4000  }
0x71: {  	[sflag:s17] =	ssyncset.done $0x0  }
0x72: {  	s31 =	simm.s32 $0x0;
	[sflag:s17] =	ssyncadd.s32 $0xFFFFC000  }
.LBB2_2:
0x73: {  	s2 =	sshll.u32 s31, $0x7  }
0x74: {  	s2 =	sand.u32 $0x3FFFFF80, s2  }
0x75: {  	v25 =	vld [tilespmem:s2+$0x100];
	_ =	sdelay $0x4  }
0x76: {  	[tilespmem:$0x2900] =	vst v25  }
0x77: {  	v25 =	vld [tilespmem:s2+$0x110];
	_ =	sdelay $0x1  }
0x78: {  	s15 =	sshll.u32 s31, $0x2  }
0x79: {  	s12 =	sor.u32 $0x1, s15  }
0x7a: {  	s4 =	sshll.u32 s12, $0x5  }
0x7b: {  	s4 =	sand.u32 $0x3FFFFFA0, s4;
	[tilespmem:$0x2910] =	vst v25  }
0x7c: {  	v25 =	vld [tilespmem:s4+$0x100];
	_ =	sdelay $0x4  }
0x7d: {  	[tilespmem:$0x2920] =	vst v25  }
0x7e: {  	v25 =	vld [tilespmem:s4+$0x110];
	_ =	sdelay $0x2  }
0x7f: {  	s4 =	sor.u32 $0x2, s15  }
0x80: {  	s2 =	sshll.u32 s4, $0x5  }
0x81: {  	s2 =	sand.u32 $0x3FFFFFC0, s2;
	[tilespmem:$0x2930] =	vst v25  }
0x82: {  	v25 =	vld [tilespmem:s2+$0x100];
	_ =	sdelay $0x4  }
0x83: {  	[tilespmem:$0x2940] =	vst v25  }
0x84: {  	v25 =	vld [tilespmem:s2+$0x110];
	_ =	sdelay $0x2  }
0x85: {  	s2 =	sshllo.u32 s31, $0x2  }
0x86: {  	s13 =	sshll.u32 s2, $0x5  }
0x87: {  	s13 =	sand.u32 $0x3FFFFFE0, s13;
	[tilespmem:$0x2950] =	vst v25  }
0x88: {  	v25 =	vld [tilespmem:s13+$0x100];
	_ =	sdelay $0x4  }
0x89: {  	[tilespmem:$0x2960] =	vst v25  }
0x8a: {  	v25 =	vld [tilespmem:s13+$0x110];
	_ =	sdelay $0x4  }
0x8b: {  	[tilespmem:$0x2970] =	vst v25  }
0x8c: {  	[tilespmem:s19], [sflag:$0x3] =	stream.indirect.gather [hbm4b:s6+s11], $0x10, s18, s11, $0xb8;
	[tilespmem:$0x16B80] =	vst v63  }
0x8d: {  	_ =	swait.ge [sflag:s20], $0x800  }
0x8e: {  	[sflag:s20] =	ssyncset.done $0x0  }
0x8f: {  	[sflag:s20] =	ssyncadd.s32 $0xFFFFF800  }
0x90: {  	v25 =	vld.idx.msk [tilespmem:v0+s19+$0x0], $0xffff;
	_ =	sdelay $0x4  }
0x91: {  	[tilespmem:$0x2980] =	vst v25  }
0x92: {  	v25 =	vld.idx.msk [tilespmem:v1+s19+$0x0], $0xffff;
	_ =	sdelay $0x4  }
0x93: {  	[tilespmem:$0x2990] =	vst v25  }
0x94: {  	v25 =	vld.idx.msk [tilespmem:v2+s19+$0x0], $0xffff;
	_ =	sdelay $0x4  }
0x95: {  	[tilespmem:$0x29A0] =	vst v25  }
0x96: {  	v25 =	vld.idx.msk [tilespmem:v3+s19+$0x0], $0xffff;
	_ =	sdelay $0x4  }
0x97: {  	[tilespmem:$0x29B0] =	vst v25  }
0x98: {  	v25 =	vld.idx.msk [tilespmem:v4+s19+$0x0], $0xffff;
	_ =	sdelay $0x4  }
0x99: {  	[tilespmem:$0x29C0] =	vst v25  }
0x9a: {  	v25 =	vld.idx.msk [tilespmem:v5+s19+$0x0], $0xffff;
	_ =	sdelay $0x4  }
0x9b: {  	[tilespmem:$0x29D0] =	vst v25  }
0x9c: {  	v25 =	vld.idx.msk [tilespmem:v6+s19+$0x0], $0xffff;
	_ =	sdelay $0x4  }
0x9d: {  	[tilespmem:$0x29E0] =	vst v25  }
0x9e: {  	v25 =	vld.idx.msk [tilespmem:v7+s19+$0x0], $0xffff;
	_ =	sdelay $0x4  }
0x9f: {  	[tilespmem:$0x29F0] =	vst v25  }
0xa0: {  	v25 =	vld.idx.msk [tilespmem:v8+s19+$0x0], $0xffff;
	_ =	sdelay $0x4  }
0xa1: {  	[tilespmem:$0x2A00] =	vst v25  }
0xa2: {  	v25 =	vld.idx.msk [tilespmem:v9+s19+$0x0], $0xffff;
	_ =	sdelay $0x4  }
0xa3: {  	[tilespmem:$0x2A10] =	vst v25  }
0xa4: {  	v25 =	vld.idx.msk [tilespmem:v10+s19+$0x0], $0xffff;
	_ =	sdelay $0x4  }
0xa5: {  	[tilespmem:$0x2A20] =	vst v25  }
0xa6: {  	v25 =	vld.idx.msk [tilespmem:v11+s19+$0x0], $0xffff;
	_ =	sdelay $0x4  }
0xa7: {  	[tilespmem:$0x2A30] =	vst v25  }
0xa8: {  	v25 =	vld.idx.msk [tilespmem:v12+s19+$0x0], $0xffff;
	_ =	sdelay $0x4  }
0xa9: {  	[tilespmem:$0x2A40] =	vst v25  }
0xaa: {  	v25 =	vld.idx.msk [tilespmem:v14+s19+$0x0], $0xffff;
	_ =	sdelay $0x4  }
0xab: {  	[tilespmem:$0x2A50] =	vst v25  }
0xac: {  	v25 =	vld.idx.msk [tilespmem:v15+s19+$0x0], $0xffff;
	_ =	sdelay $0x4  }
0xad: {  	[tilespmem:$0x2A60] =	vst v25  }
0xae: {  	v25 =	vld.idx.msk [tilespmem:v16+s19+$0x0], $0xffff;
	_ =	sdelay $0x4  }
0xaf: {  	[tilespmem:$0x2A70] =	vst v25  }
0xb0: {  	v25 =	vld.idx.msk [tilespmem:v17+s19+$0x0], $0xffff;
	_ =	sdelay $0x4  }
0xb1: {  	[tilespmem:$0x2A80] =	vst v25  }
0xb2: {  	v25 =	vld.idx.msk [tilespmem:v18+s19+$0x0], $0xffff;
	_ =	sdelay $0x4  }
0xb3: {  	[tilespmem:$0x2A90] =	vst v25  }
0xb4: {  	v25 =	vld.idx.msk [tilespmem:v19+s19+$0x0], $0xffff;
	_ =	sdelay $0x4  }
0xb5: {  	[tilespmem:$0x2AA0] =	vst v25  }
0xb6: {  	v25 =	vld.idx.msk [tilespmem:v20+s19+$0x0], $0xffff;
	_ =	sdelay $0x4  }
0xb7: {  	[tilespmem:$0x2AB0] =	vst v25  }
0xb8: {  	v25 =	vld.idx.msk [tilespmem:v21+s19+$0x0], $0xffff;
	_ =	sdelay $0x4  }
0xb9: {  	[tilespmem:$0x2AC0] =	vst v25  }
0xba: {  	v25 =	vld.idx.msk [tilespmem:v22+s19+$0x0], $0xffff;
	_ =	sdelay $0x4  }
0xbb: {  	[tilespmem:$0x2AD0] =	vst v25  }
0xbc: {  	v25 =	vld.idx.msk [tilespmem:v23+s19+$0x0], $0xffff;
	_ =	sdelay $0x4  }
0xbd: {  	[tilespmem:$0x2AE0] =	vst v25  }
0xbe: {  	v25 =	vld.idx.msk [tilespmem:v24+s19+$0x0], $0xffff;
	_ =	sdelay $0x4  }
0xbf: {  	[tilespmem:$0x2AF0] =	vst v25  }
0xc0: {  	[tilespmem:s22], [sflag:$0x1] =	stream.indirect.gather [hbm4b:s0+s11], $0x80, s21, s11, $0xb8;
	[tilespmem:$0x16B80] =	vst v63  }
0xc1: {  	_ = 	snop  }
0xc2: {  	[tilespmem:s24], [sflag:$0x2] =	stream.indirect.gather [hbm4b:s0+s11], $0x80, s23, s11, $0xb8;
	[tilespmem:$0x16B80] =	vst v63  }
0xc3: {  	_ = 	snop  }
0xc4: {  	[tilespmem:s26], [sflag:$0x4] =	stream.indirect.gather [hbm4b:s1+s11], $0x80, s25, s11, $0xb8;
	[tilespmem:$0x16B80] =	vst v63  }
0xc5: {  	_ =	swait.ge [sflag:s16], $0x4000  }
0xc6: {  	[sflag:s16] =	ssyncset.done $0x0  }
0xc7: {  	[sflag:s16] =	ssyncadd.s32 $0xFFFFC000  }
0xc8: {  	_ =	swait.ge [sflag:s17], $0x4000  }
0xc9: {  	[sflag:s17] =	ssyncset.done $0x0  }
0xca: {  	[sflag:s17] =	ssyncadd.s32 $0xFFFFC000  }
0xcb: {  	_ =	swait.ge [sflag:s28], $0x4000  }
0xcc: {  	[sflag:s28] =	ssyncset.done $0x0  }
0xcd: {  	s13 =	simm.s32 $0x2B80;
	[sflag:s28] =	ssyncadd.s32 $0xFFFFC000  }
0xce: {  	v25 =	vld [tilespmem:s13+$0xFFFFFF80]  }
0xcf: {  	v26 =	vld [tilespmem:s13+$0x0]  }
0xd0: {  	v27 =	vld [tilespmem:s13+$0xFFFFFF90]  }
0xd1: {  	v28 =	vld [tilespmem:s13+$0x10]  }
0xd2: {  	v29 =	vld [tilespmem:s13+$0xFFFFFFA0]  }
0xd3: {  	v30 =	vld [tilespmem:s13+$0x20]  }
0xd4: {  	v31 =	vld [tilespmem:s13+$0xFFFFFFB0]  }
0xd5: {  	v32 =	vld [tilespmem:s13+$0x30]  }
0xd6: {  	v34 =	vld [tilespmem:s13+$0xFFFFFFC0]  }
0xd7: {  	v35 =	vld [tilespmem:s13+$0x40]  }
0xd8: {  	v36 =	vld [tilespmem:s13+$0xFFFFFFD0]  }
0xd9: {  	v37 =	vld [tilespmem:s13+$0x50]  }
0xda: {  	v40 =	vld [tilespmem:s13+$0xFFFFFFE0]  }
0xdb: {  	v43 =	vld [tilespmem:s13+$0x60]  }
0xdc: {  	v44 =	vld [tilespmem:s13+$0xFFFFFFF0]  }
0xdd: {  	v45 =	vld [tilespmem:s13+$0x70]  }
0xde: {  	s29 =	simm.s32 $0x0  }
0xdf: {  	v33 =	vld [tilespmem:s29+$0xAB00];
	v25 =	vadd.f32 v26, v25;
	v26 =	vadd.f32 v28, v27  }
0xe0: {  	v38 =	vld [tilespmem:s29+$0xAB10];
	v41 =	vadd.f32 v30, v29;
	v42 =	vadd.f32 v32, v31  }
0xe1: {  	v39 =	vld [tilespmem:s29+$0xAB20];
	v34 =	vadd.f32 v35, v34;
	v30 =	vimm.f32 $0.0e+00;
	v36 =	vadd.f32 v37, v36  }
0xe2: {  	v35 =	vadd.f32 v43, v40;
	v40 =	vld [tilespmem:s29+$0xAB30];
	v37 =	vadd.f32 v45, v44;
	v32 =	vimm.f32 $0.0e+00  }
0xe3: {  	v29 =	vld [tilespmem:s29+$0xAB40];
	v28 =	vimm.f32 $0.0e+00;
	v27 =	vimm.f32 $0.0e+00;
	v43 =	vadd.f32 v25, v30  }
0xe4: {  	s15 =	simm.s32 $0x200;
	v31 =	vld [tilespmem:s29+$0xAB50];
	v44 =	vadd.f32 v26, v30;
	v25 =	vimm.f32 $0.0e+00;
	v26 =	vimm.f32 $0.0e+00  }
.LBB2_3:
0xe5: {  	p0 =	sne.s32 s15, $0x3E00;
	v30 =	vadd.f32 v41, v30;
	v32 =	vadd.f32 v42, v32;
	v41 =	vld [tilespmem:s29+$0xAB60]  }
0xe6: {  	s13 =	sadd.s32 $0x100, s13;
	v42 =	vadd.f32 v43, v33;
	v43 =	vadd.f32 v44, v38;
	v44 =	vld [tilespmem:s29+$0xAB70]  }
0xe7: {  	v45 =	vld [tilespmem:s13+$0xFFFFFF80];
	v30 =	vadd.f32 v30, v39;
	v32 =	vadd.f32 v32, v40  }
0xe8: {  	v46 =	vld [tilespmem:s13+$0x0];
	v47 =	vadd.f32 v42, v33;
	v48 =	vadd.f32 v43, v38  }
0xe9: {  	v38 =	vld [tilespmem:s13+$0xFFFFFF90];
	v30 =	vadd.f32 v30, v39;
	v32 =	vadd.f32 v32, v40  }
0xea: {  	v25 =	vadd.f32 v34, v25;
	v28 =	vadd.f32 v36, v28;
	v39 =	vld [tilespmem:s13+$0x10]  }
0xeb: {  	v26 =	vadd.f32 v35, v26;
	v27 =	vadd.f32 v37, v27;
	v34 =	vld [tilespmem:s13+$0xFFFFFFA0]  }
0xec: {  	v25 =	vadd.f32 v25, v29;
	v28 =	vadd.f32 v28, v31;
	v35 =	vld [tilespmem:s13+$0x20]  }
0xed: {  	v26 =	vadd.f32 v26, v41;
	v27 =	vadd.f32 v27, v44;
	v36 =	vld [tilespmem:s13+$0xFFFFFFB0]  }
0xee: {  	v25 =	vadd.f32 v25, v29;
	v28 =	vadd.f32 v28, v31;
	v37 =	vld [tilespmem:s13+$0x30]  }
0xef: {  	v26 =	vadd.f32 v26, v41;
	v27 =	vadd.f32 v27, v44;
	v29 =	vld [tilespmem:s13+$0xFFFFFFC0]  }
0xf0: {  	v31 =	vld [tilespmem:s13+$0x40]  }
0xf1: {  	v43 =	vld [tilespmem:s13+$0xFFFFFFD0]  }
0xf2: {  	v44 =	vld [tilespmem:s13+$0x50]  }
0xf3: {  	v49 =	vld [tilespmem:s13+$0xFFFFFFE0]  }
0xf4: {  	v50 =	vld [tilespmem:s13+$0x60]  }
0xf5: {  	v51 =	vld [tilespmem:s13+$0xFFFFFFF0]  }
0xf6: {  	s29 =	sshra.s32 s15, $0x2;
	v52 =	vld [tilespmem:s13+$0x70]  }
0xf7: {  	v33 =	vld [tilespmem:s29+$0xAB00]  }
.Ltmp0:
0xf8: {  	v45 =	vadd.f32 v46, v45;
	v46 =	vadd.f32 v39, v38;
	v38 =	vld [tilespmem:s29+$0xAB10];
	(pc) =	sbr.rel @p0 .LBB2_3-.Ltmp0, $4  }
0xf9: {  	v41 =	vadd.f32 v35, v34;
	v42 =	vadd.f32 v37, v36;
	v39 =	vld [tilespmem:s29+$0xAB20]  }
0xfa: {  	v34 =	vadd.f32 v31, v29;
	v36 =	vadd.f32 v44, v43;
	v40 =	vld [tilespmem:s29+$0xAB30]  }
0xfb: {  	v35 =	vadd.f32 v50, v49;
	v29 =	vld [tilespmem:s29+$0xAB40];
	v37 =	vadd.f32 v52, v51  }
0xfc: {  	s15 =	sadd.s32 $0x200, s15;
	v43 =	vadd.f32 v45, v47;
	v44 =	vadd.f32 v46, v48;
	v31 =	vld [tilespmem:s29+$0xAB50]  }
0xfd: {  	v30 =	vadd.f32 v41, v30;
	v32 =	vadd.f32 v42, v32  }
0xfe: {  	v25 =	vadd.f32 v34, v25;
	v28 =	vadd.f32 v36, v28  }
0xff: {  	v62 =	vld [tilespmem:s29+$0xAB60];
	s13 =	sshll.u32 s31, $0x9;
	v26 =	vadd.f32 v35, v26;
	v27 =	vadd.f32 v37, v27  }
0x100: {  	v63 =	vld [tilespmem:s29+$0xAB70];
	v60 =	vadd.f32 v43, v33;
	v61 =	vadd.f32 v44, v38;
	s13 =	sand.u32 $0x3FFFFE00, s13  }
0x101: {  	v30 =	vadd.f32 v30, v39;
	v32 =	vadd.f32 v32, v40;
	v48 =	vld [tilespmem:s13+$0xEB00]  }
0x102: {  	v49 =	vld [tilespmem:s13+$0xEB10];
	v33 =	vadd.f32 v60, v33;
	v38 =	vadd.f32 v61, v38  }
0x103: {  	v50 =	vld [tilespmem:s13+$0xEB20];
	v25 =	vadd.f32 v25, v29;
	v30 =	vadd.f32 v30, v39  }
0x104: {  	v51 =	vld [tilespmem:s13+$0xEB30];
	v32 =	vadd.f32 v32, v40;
	v28 =	vadd.f32 v28, v31;
	v33 =	vmul.f32 $1.562500000e-02, v33  }
0x105: {  	v53 =	vld [tilespmem:s13+$0xEB40];
	v26 =	vadd.f32 v26, v62;
	v27 =	vadd.f32 v27, v63;
	v52 =	vmul.f32 $1.562500000e-02, v38  }
0x106: {  	v54 =	vld [tilespmem:s13+$0xEB50];
	v25 =	vadd.f32 v25, v29;
	v30 =	vmul.f32 $1.562500000e-02, v30;
	v29 =	vadd.f32 v48, v33  }
0x107: {  	v55 =	vld [tilespmem:s13+$0xEB60];
	v28 =	vadd.f32 v28, v31;
	v32 =	vmul.f32 $1.562500000e-02, v32;
	v31 =	vadd.f32 v49, v52  }
0x108: {  	v26 =	vadd.f32 v26, v62;
	v25 =	vmul.f32 $1.562500000e-02, v25;
	[tilespmem:s13+$0xEB00] =	vst v29;
	v29 =	vadd.f32 v50, v30;
	v30 =	vld [tilespmem:s13+$0xEB70]  }
0x109: {  	v27 =	vadd.f32 v27, v63;
	v28 =	vmul.f32 $1.562500000e-02, v28;
	[tilespmem:s13+$0xEB10] =	vst v31;
	v31 =	vadd.f32 v51, v32  }
0x10a: {  	v25 =	vadd.f32 v53, v25;
	v26 =	vmul.f32 $1.562500000e-02, v26;
	[tilespmem:s13+$0xEB20] =	vst v29  }
0x10b: {  	v27 =	vmul.f32 $1.562500000e-02, v27;
	v28 =	vadd.f32 v54, v28;
	[tilespmem:s13+$0xEB30] =	vst v31  }
0x10c: {  	[tilespmem:s13+$0xEB40] =	vst v25;
	v25 =	vadd.f32 v55, v26  }
0x10d: {  	[tilespmem:s13+$0xEB50] =	vst v28;
	v26 =	vadd.f32 v30, v27  }
0x10e: {  	[tilespmem:s13+$0xEB60] =	vst v25  }
0x10f: {  	[tilespmem:s13+$0xEB70] =	vst v26;
	s13 =	simm.s32 $0x4BF0  }
0x110: {  	v25 =	vld [tilespmem:s13+$0xFFFFFF10]  }
0x111: {  	v26 =	vld [tilespmem:s13+$0xFFFFFF90]  }
0x112: {  	v27 =	vld [tilespmem:s13+$0xFFFFFF20]  }
0x113: {  	v28 =	vld [tilespmem:s13+$0xFFFFFFA0]  }
0x114: {  	v29 =	vld [tilespmem:s13+$0xFFFFFF30]  }
0x115: {  	v30 =	vld [tilespmem:s13+$0xFFFFFFB0]  }
0x116: {  	v31 =	vld [tilespmem:s13+$0xFFFFFF40]  }
0x117: {  	v56 =	vld [tilespmem:s13+$0xFFFFFFC0]  }
0x118: {  	v57 =	vld [tilespmem:s13+$0xFFFFFF50]  }
0x119: {  	v58 =	vld [tilespmem:s13+$0xFFFFFFD0]  }
0x11a: {  	v59 =	vld [tilespmem:s13+$0xFFFFFF60]  }
0x11b: {  	v60 =	vld [tilespmem:s13+$0xFFFFFFE0]  }
0x11c: {  	v61 =	vld [tilespmem:s13+$0xFFFFFF70]  }
0x11d: {  	v62 =	vld [tilespmem:s13+$0xFFFFFFF0]  }
0x11e: {  	v63 =	vld [tilespmem:s13+$0xFFFFFF80]  }
0x11f: {  	v45 =	vld [tilespmem:s13+$0x0]  }
0x120: {  	s29 =	simm.s32 $0x0  }
0x121: {  	v33 =	vld [tilespmem:s29+$0xBB00];
	v25 =	vadd.f32 v26, v25;
	v26 =	vadd.f32 v28, v27  }
0x122: {  	v38 =	vld [tilespmem:s29+$0xBB10];
	v41 =	vadd.f32 v30, v29;
	v42 =	vadd.f32 v56, v31  }
0x123: {  	v32 =	vimm.f32 $0.0e+00;
	v39 =	vld [tilespmem:s29+$0xBB20];
	v34 =	vadd.f32 v58, v57;
	v36 =	vadd.f32 v60, v59  }
0x124: {  	v40 =	vld [tilespmem:s29+$0xBB30];
	v30 =	vimm.f32 $0.0e+00;
	v35 =	vadd.f32 v62, v61;
	v37 =	vadd.f32 v45, v63  }
0x125: {  	v29 =	vld [tilespmem:s29+$0xBB40];
	v28 =	vimm.f32 $0.0e+00;
	v27 =	vimm.f32 $0.0e+00;
	v43 =	vadd.f32 v25, v30  }
0x126: {  	s15 =	simm.s32 $0x200;
	v31 =	vld [tilespmem:s29+$0xBB50];
	v44 =	vadd.f32 v26, v30;
	v25 =	vimm.f32 $0.0e+00;
	v26 =	vimm.f32 $0.0e+00  }
.LBB2_5:
0x127: {  	p0 =	sne.s32 s15, $0x3E00;
	v30 =	vadd.f32 v41, v30;
	v32 =	vadd.f32 v42, v32;
	v41 =	vld [tilespmem:s29+$0xBB60]  }
0x128: {  	s13 =	sadd.s32 $0x100, s13;
	v42 =	vadd.f32 v43, v33;
	v43 =	vadd.f32 v44, v38;
	v44 =	vld [tilespmem:s29+$0xBB70]  }
0x129: {  	v45 =	vld [tilespmem:s13+$0xFFFFFF10];
	v30 =	vadd.f32 v30, v39;
	v32 =	vadd.f32 v32, v40  }
0x12a: {  	v46 =	vld [tilespmem:s13+$0xFFFFFF90];
	v47 =	vadd.f32 v42, v33;
	v48 =	vadd.f32 v43, v38  }
0x12b: {  	v38 =	vld [tilespmem:s13+$0xFFFFFF20];
	v30 =	vadd.f32 v30, v39;
	v32 =	vadd.f32 v32, v40  }
0x12c: {  	v25 =	vadd.f32 v34, v25;
	v28 =	vadd.f32 v36, v28;
	v39 =	vld [tilespmem:s13+$0xFFFFFFA0]  }
0x12d: {  	v26 =	vadd.f32 v35, v26;
	v27 =	vadd.f32 v37, v27;
	v34 =	vld [tilespmem:s13+$0xFFFFFF30]  }
0x12e: {  	v25 =	vadd.f32 v25, v29;
	v28 =	vadd.f32 v28, v31;
	v35 =	vld [tilespmem:s13+$0xFFFFFFB0]  }
0x12f: {  	v26 =	vadd.f32 v26, v41;
	v27 =	vadd.f32 v27, v44;
	v36 =	vld [tilespmem:s13+$0xFFFFFF40]  }
0x130: {  	v25 =	vadd.f32 v25, v29;
	v28 =	vadd.f32 v28, v31;
	v37 =	vld [tilespmem:s13+$0xFFFFFFC0]  }
0x131: {  	v26 =	vadd.f32 v26, v41;
	v27 =	vadd.f32 v27, v44;
	v29 =	vld [tilespmem:s13+$0xFFFFFF50]  }
0x132: {  	v31 =	vld [tilespmem:s13+$0xFFFFFFD0]  }
0x133: {  	v43 =	vld [tilespmem:s13+$0xFFFFFF60]  }
0x134: {  	v44 =	vld [tilespmem:s13+$0xFFFFFFE0]  }
0x135: {  	v49 =	vld [tilespmem:s13+$0xFFFFFF70]  }
0x136: {  	v50 =	vld [tilespmem:s13+$0xFFFFFFF0]  }
0x137: {  	v51 =	vld [tilespmem:s13+$0xFFFFFF80]  }
0x138: {  	s29 =	sshra.s32 s15, $0x2;
	v52 =	vld [tilespmem:s13+$0x0]  }
0x139: {  	v33 =	vld [tilespmem:s29+$0xBB00]  }
.Ltmp1:
0x13a: {  	v45 =	vadd.f32 v46, v45;
	v46 =	vadd.f32 v39, v38;
	v38 =	vld [tilespmem:s29+$0xBB10];
	(pc) =	sbr.rel @p0 .LBB2_5-.Ltmp1, $4  }
0x13b: {  	v41 =	vadd.f32 v35, v34;
	v42 =	vadd.f32 v37, v36;
	v39 =	vld [tilespmem:s29+$0xBB20]  }
0x13c: {  	v34 =	vadd.f32 v31, v29;
	v36 =	vadd.f32 v44, v43;
	v40 =	vld [tilespmem:s29+$0xBB30]  }
0x13d: {  	v35 =	vadd.f32 v50, v49;
	v29 =	vld [tilespmem:s29+$0xBB40];
	v37 =	vadd.f32 v52, v51  }
0x13e: {  	s15 =	sadd.s32 $0x200, s15;
	v43 =	vadd.f32 v45, v47;
	v44 =	vadd.f32 v46, v48;
	v31 =	vld [tilespmem:s29+$0xBB50]  }
0x13f: {  	v30 =	vadd.f32 v41, v30;
	v32 =	vadd.f32 v42, v32  }
0x140: {  	v25 =	vadd.f32 v34, v25;
	v28 =	vadd.f32 v36, v28  }
0x141: {  	v63 =	vld [tilespmem:s29+$0xBB60];
	s12 =	sshll.u32 s12, $0x7;
	v26 =	vadd.f32 v35, v26;
	v27 =	vadd.f32 v37, v27  }
0x142: {  	v48 =	vld [tilespmem:s29+$0xBB70];
	v61 =	vadd.f32 v43, v33;
	v62 =	vadd.f32 v44, v38;
	s12 =	sand.u32 $0x3FFFFF80, s12  }
0x143: {  	v30 =	vadd.f32 v30, v39;
	v32 =	vadd.f32 v32, v40;
	v49 =	vld [tilespmem:s12+$0xEB00]  }
0x144: {  	v50 =	vld [tilespmem:s12+$0xEB10];
	v33 =	vadd.f32 v61, v33;
	v38 =	vadd.f32 v62, v38  }
0x145: {  	v51 =	vld [tilespmem:s12+$0xEB20];
	v25 =	vadd.f32 v25, v29;
	v30 =	vadd.f32 v30, v39  }
0x146: {  	v52 =	vld [tilespmem:s12+$0xEB30];
	v32 =	vadd.f32 v32, v40;
	v28 =	vadd.f32 v28, v31;
	v33 =	vmul.f32 $1.562500000e-02, v33  }
0x147: {  	v54 =	vld [tilespmem:s12+$0xEB40];
	v26 =	vadd.f32 v26, v63;
	v27 =	vadd.f32 v27, v48;
	v53 =	vmul.f32 $1.562500000e-02, v38  }
0x148: {  	v55 =	vld [tilespmem:s12+$0xEB50];
	v25 =	vadd.f32 v25, v29;
	v30 =	vmul.f32 $1.562500000e-02, v30;
	v29 =	vadd.f32 v49, v33  }
0x149: {  	v56 =	vld [tilespmem:s12+$0xEB60];
	v28 =	vadd.f32 v28, v31;
	v32 =	vmul.f32 $1.562500000e-02, v32;
	v31 =	vadd.f32 v50, v53  }
0x14a: {  	v26 =	vadd.f32 v26, v63;
	v25 =	vmul.f32 $1.562500000e-02, v25;
	[tilespmem:s12+$0xEB00] =	vst v29;
	v29 =	vadd.f32 v51, v30;
	v30 =	vld [tilespmem:s12+$0xEB70]  }
0x14b: {  	v27 =	vadd.f32 v27, v48;
	v28 =	vmul.f32 $1.562500000e-02, v28;
	[tilespmem:s12+$0xEB10] =	vst v31;
	v31 =	vadd.f32 v52, v32  }
0x14c: {  	v25 =	vadd.f32 v54, v25;
	v26 =	vmul.f32 $1.562500000e-02, v26;
	[tilespmem:s12+$0xEB20] =	vst v29  }
0x14d: {  	v27 =	vmul.f32 $1.562500000e-02, v27;
	v28 =	vadd.f32 v55, v28;
	[tilespmem:s12+$0xEB30] =	vst v31  }
0x14e: {  	[tilespmem:s12+$0xEB40] =	vst v25;
	v25 =	vadd.f32 v56, v26  }
0x14f: {  	[tilespmem:s12+$0xEB50] =	vst v28;
	v26 =	vadd.f32 v30, v27  }
0x150: {  	[tilespmem:s12+$0xEB60] =	vst v25  }
0x151: {  	s29 =	simm.s32 $0x0;
	[tilespmem:s12+$0xEB70] =	vst v26  }
0x152: {  	v25 =	vld [tilespmem:s29+$0x6B00]  }
0x153: {  	v26 =	vld [tilespmem:s29+$0x6B80]  }
0x154: {  	v27 =	vld [tilespmem:s29+$0x6B10]  }
0x155: {  	v28 =	vld [tilespmem:s29+$0x6B90]  }
0x156: {  	v29 =	vld [tilespmem:s29+$0x6B20]  }
0x157: {  	v30 =	vld [tilespmem:s29+$0x6BA0]  }
0x158: {  	v31 =	vld [tilespmem:s29+$0x6B30]  }
0x159: {  	v57 =	vld [tilespmem:s29+$0x6BB0]  }
0x15a: {  	v58 =	vld [tilespmem:s29+$0x6B40]  }
0x15b: {  	v59 =	vld [tilespmem:s29+$0x6BC0]  }
0x15c: {  	v60 =	vld [tilespmem:s29+$0x6B50]  }
0x15d: {  	v61 =	vld [tilespmem:s29+$0x6BD0]  }
0x15e: {  	v62 =	vld [tilespmem:s29+$0x6B60]  }
0x15f: {  	v63 =	vld [tilespmem:s29+$0x6BE0]  }
0x160: {  	v46 =	vld [tilespmem:s29+$0x6B70]  }
0x161: {  	v47 =	vld [tilespmem:s29+$0x6BF0]  }
0x162: {  	s12 =	simm.s32 $0xCB70;
	v42 =	vadd.f32 v26, v25  }
0x163: {  	v33 =	vimm.f32 $0.0e+00;
	v34 =	vld [tilespmem:s12+$0xFFFFFF90];
	v43 =	vadd.f32 v28, v27;
	v44 =	vadd.f32 v30, v29  }
0x164: {  	v32 =	vimm.f32 $0.0e+00;
	v39 =	vld [tilespmem:s12+$0xFFFFFFA0];
	v45 =	vadd.f32 v57, v31;
	v35 =	vadd.f32 v59, v58  }
0x165: {  	v40 =	vld [tilespmem:s12+$0xFFFFFFB0];
	v30 =	vimm.f32 $0.0e+00;
	v36 =	vadd.f32 v61, v60;
	v37 =	vadd.f32 v63, v62  }
0x166: {  	v41 =	vld [tilespmem:s12+$0xFFFFFFC0];
	v38 =	vadd.f32 v47, v46;
	v31 =	vimm.f32 $0.0e+00;
	v25 =	vimm.f32 $0.0e+00  }
0x167: {  	s13 =	simm.s32 $0x400;
	v29 =	vld [tilespmem:s12+$0xFFFFFFD0];
	v28 =	vimm.f32 $0.0e+00;
	v26 =	vimm.f32 $0.0e+00;
	v27 =	vimm.f32 $0.0e+00  }
.LBB2_7:
0x168: {  	p0 =	sne.s32 s13, $0x7C00;
	v30 =	vadd.f32 v42, v30;
	v31 =	vadd.f32 v43, v31;
	v42 =	vld [tilespmem:s12+$0xFFFFFFE0]  }
0x169: {  	v32 =	vadd.f32 v44, v32;
	v33 =	vadd.f32 v45, v33;
	v43 =	vld [tilespmem:s12+$0xFFFFFFF0]  }
0x16a: {  	s15 =	sshra.s32 s13, $0x2;
	v30 =	vadd.f32 v30, v34;
	v31 =	vadd.f32 v31, v39;
	v44 =	vld [tilespmem:s12+$0x0]  }
0x16b: {  	v32 =	vadd.f32 v32, v40;
	v45 =	vld [tilespmem:s15+$0x6B00];
	v33 =	vadd.f32 v33, v41  }
0x16c: {  	v46 =	vld [tilespmem:s15+$0x6B80];
	v30 =	vadd.f32 v30, v34;
	v31 =	vadd.f32 v31, v39  }
0x16d: {  	v32 =	vadd.f32 v32, v40;
	v39 =	vld [tilespmem:s15+$0x6B10];
	v33 =	vadd.f32 v33, v41  }
0x16e: {  	v25 =	vadd.f32 v35, v25;
	v28 =	vadd.f32 v36, v28;
	v40 =	vld [tilespmem:s15+$0x6B90]  }
0x16f: {  	v26 =	vadd.f32 v37, v26;
	v27 =	vadd.f32 v38, v27;
	v35 =	vld [tilespmem:s15+$0x6B20]  }
0x170: {  	v25 =	vadd.f32 v25, v29;
	v28 =	vadd.f32 v28, v42;
	v36 =	vld [tilespmem:s15+$0x6BA0]  }
0x171: {  	v26 =	vadd.f32 v26, v43;
	v27 =	vadd.f32 v27, v44;
	v37 =	vld [tilespmem:s15+$0x6B30]  }
0x172: {  	v25 =	vadd.f32 v25, v29;
	v28 =	vadd.f32 v28, v42;
	v38 =	vld [tilespmem:s15+$0x6BB0]  }
0x173: {  	v26 =	vadd.f32 v26, v43;
	v27 =	vadd.f32 v27, v44;
	v29 =	vld [tilespmem:s15+$0x6B40]  }
0x174: {  	v47 =	vld [tilespmem:s15+$0x6BC0]  }
0x175: {  	v48 =	vld [tilespmem:s15+$0x6B50]  }
0x176: {  	v49 =	vld [tilespmem:s15+$0x6BD0]  }
0x177: {  	v50 =	vld [tilespmem:s15+$0x6B60]  }
0x178: {  	v51 =	vld [tilespmem:s15+$0x6BE0]  }
0x179: {  	v52 =	vld [tilespmem:s15+$0x6B70]  }
0x17a: {  	s12 =	sadd.s32 $0x80, s12;
	v53 =	vld [tilespmem:s15+$0x6BF0]  }
.Ltmp2:
0x17b: {  	v34 =	vld [tilespmem:s12+$0xFFFFFF90];
	(pc) =	sbr.rel @p0 .LBB2_7-.Ltmp2, $4  }
0x17c: {  	v42 =	vadd.f32 v46, v45;
	v43 =	vadd.f32 v40, v39;
	v39 =	vld [tilespmem:s12+$0xFFFFFFA0]  }
0x17d: {  	v44 =	vadd.f32 v36, v35;
	v45 =	vadd.f32 v38, v37;
	v40 =	vld [tilespmem:s12+$0xFFFFFFB0]  }
0x17e: {  	v35 =	vadd.f32 v47, v29;
	v36 =	vadd.f32 v49, v48;
	v41 =	vld [tilespmem:s12+$0xFFFFFFC0]  }
0x17f: {  	s13 =	sadd.s32 $0x400, s13;
	v37 =	vadd.f32 v51, v50;
	v29 =	vld [tilespmem:s12+$0xFFFFFFD0];
	v38 =	vadd.f32 v53, v52  }
0x180: {  	v30 =	vadd.f32 v42, v30;
	v31 =	vadd.f32 v43, v31  }
0x181: {  	v32 =	vadd.f32 v44, v32;
	v33 =	vadd.f32 v45, v33  }
0x182: {  	v63 =	vld [tilespmem:s12+$0xFFFFFFE0];
	v25 =	vadd.f32 v35, v25;
	v28 =	vadd.f32 v36, v28  }
0x183: {  	v48 =	vld [tilespmem:s12+$0xFFFFFFF0];
	s4 =	sshll.u32 s4, $0x7;
	v26 =	vadd.f32 v37, v26;
	v27 =	vadd.f32 v38, v27  }
0x184: {  	v49 =	vld [tilespmem:s12+$0x0];
	s4 =	sand.u32 $0x3FFFFF80, s4;
	v30 =	vadd.f32 v30, v34;
	v31 =	vadd.f32 v31, v39  }
0x185: {  	v32 =	vadd.f32 v32, v40;
	v50 =	vld [tilespmem:s4+$0xEB00];
	v33 =	vadd.f32 v33, v41  }
0x186: {  	v51 =	vld [tilespmem:s4+$0xEB10];
	v30 =	vadd.f32 v30, v34;
	v31 =	vadd.f32 v31, v39  }
0x187: {  	v52 =	vld [tilespmem:s4+$0xEB20];
	v32 =	vadd.f32 v32, v40;
	v25 =	vadd.f32 v25, v29  }
0x188: {  	v53 =	vld [tilespmem:s4+$0xEB30];
	v33 =	vadd.f32 v33, v41;
	v28 =	vadd.f32 v28, v63;
	v30 =	vmul.f32 $1.562500000e-02, v30  }
0x189: {  	v54 =	vld [tilespmem:s4+$0xEB40];
	v26 =	vadd.f32 v26, v48;
	v27 =	vadd.f32 v27, v49;
	v31 =	vmul.f32 $1.562500000e-02, v31  }
0x18a: {  	v55 =	vld [tilespmem:s4+$0xEB50];
	v25 =	vadd.f32 v25, v29;
	v29 =	vadd.f32 v50, v30;
	v30 =	vmul.f32 $1.562500000e-02, v32  }
0x18b: {  	v56 =	vld [tilespmem:s4+$0xEB60];
	v28 =	vadd.f32 v28, v63;
	v33 =	vmul.f32 $1.562500000e-02, v33;
	v31 =	vadd.f32 v51, v31  }
0x18c: {  	v26 =	vadd.f32 v26, v48;
	v25 =	vmul.f32 $1.562500000e-02, v25;
	[tilespmem:s4+$0xEB00] =	vst v29;
	v29 =	vadd.f32 v52, v30;
	v30 =	vld [tilespmem:s4+$0xEB70]  }
0x18d: {  	v27 =	vadd.f32 v27, v49;
	v28 =	vmul.f32 $1.562500000e-02, v28;
	[tilespmem:s4+$0xEB10] =	vst v31;
	v31 =	vadd.f32 v53, v33  }
0x18e: {  	v26 =	vmul.f32 $1.562500000e-02, v26;
	v25 =	vadd.f32 v54, v25;
	[tilespmem:s4+$0xEB20] =	vst v29  }
0x18f: {  	v27 =	vmul.f32 $1.562500000e-02, v27;
	v28 =	vadd.f32 v55, v28;
	[tilespmem:s4+$0xEB30] =	vst v31  }
0x190: {  	[tilespmem:s4+$0xEB40] =	vst v25;
	v25 =	vadd.f32 v56, v26  }
0x191: {  	[tilespmem:s4+$0xEB50] =	vst v28;
	v26 =	vadd.f32 v30, v27  }
0x192: {  	[tilespmem:s4+$0xEB60] =	vst v25  }
0x193: {  	s29 =	simm.s32 $0x0;
	[tilespmem:s4+$0xEB70] =	vst v26  }
0x194: {  	v25 =	vld [tilespmem:s29+$0x8B00]  }
0x195: {  	v26 =	vld [tilespmem:s29+$0x8B80]  }
0x196: {  	v27 =	vld [tilespmem:s29+$0x8B10]  }
0x197: {  	v28 =	vld [tilespmem:s29+$0x8B90]  }
0x198: {  	v29 =	vld [tilespmem:s29+$0x8B20]  }
0x199: {  	v30 =	vld [tilespmem:s29+$0x8BA0]  }
0x19a: {  	v31 =	vld [tilespmem:s29+$0x8B30]  }
0x19b: {  	v57 =	vld [tilespmem:s29+$0x8BB0]  }
0x19c: {  	v58 =	vld [tilespmem:s29+$0x8B40]  }
0x19d: {  	v59 =	vld [tilespmem:s29+$0x8BC0]  }
0x19e: {  	v60 =	vld [tilespmem:s29+$0x8B50]  }
0x19f: {  	v61 =	vld [tilespmem:s29+$0x8BD0]  }
0x1a0: {  	v62 =	vld [tilespmem:s29+$0x8B60]  }
0x1a1: {  	v63 =	vld [tilespmem:s29+$0x8BE0]  }
0x1a2: {  	v46 =	vld [tilespmem:s29+$0x8B70]  }
0x1a3: {  	v47 =	vld [tilespmem:s29+$0x8BF0]  }
0x1a4: {  	s4 =	simm.s32 $0xDB70;
	v42 =	vadd.f32 v26, v25  }
0x1a5: {  	v32 =	vimm.f32 $0.0e+00;
	v34 =	vld [tilespmem:s4+$0xFFFFFF90];
	v43 =	vadd.f32 v28, v27;
	v44 =	vadd.f32 v30, v29  }
0x1a6: {  	v33 =	vimm.f32 $0.0e+00;
	v39 =	vld [tilespmem:s4+$0xFFFFFFA0];
	v45 =	vadd.f32 v57, v31;
	v35 =	vadd.f32 v59, v58  }
0x1a7: {  	v40 =	vld [tilespmem:s4+$0xFFFFFFB0];
	v30 =	vimm.f32 $0.0e+00;
	v36 =	vadd.f32 v61, v60;
	v37 =	vadd.f32 v63, v62  }
0x1a8: {  	v41 =	vld [tilespmem:s4+$0xFFFFFFC0];
	v38 =	vadd.f32 v47, v46;
	v31 =	vimm.f32 $0.0e+00;
	v25 =	vimm.f32 $0.0e+00  }
0x1a9: {  	s12 =	simm.s32 $0x400;
	v29 =	vld [tilespmem:s4+$0xFFFFFFD0];
	v28 =	vimm.f32 $0.0e+00;
	v26 =	vimm.f32 $0.0e+00;
	v27 =	vimm.f32 $0.0e+00  }
.LBB2_9:
0x1aa: {  	p0 =	sne.s32 s12, $0x7C00;
	v30 =	vadd.f32 v42, v30;
	v31 =	vadd.f32 v43, v31;
	v42 =	vld [tilespmem:s4+$0xFFFFFFE0]  }
0x1ab: {  	v32 =	vadd.f32 v44, v32;
	v33 =	vadd.f32 v45, v33;
	v43 =	vld [tilespmem:s4+$0xFFFFFFF0]  }
0x1ac: {  	s13 =	sshra.s32 s12, $0x2;
	v30 =	vadd.f32 v30, v34;
	v31 =	vadd.f32 v31, v39;
	v44 =	vld [tilespmem:s4+$0x0]  }
0x1ad: {  	v32 =	vadd.f32 v32, v40;
	v45 =	vld [tilespmem:s13+$0x8B00];
	v33 =	vadd.f32 v33, v41  }
0x1ae: {  	v46 =	vld [tilespmem:s13+$0x8B80];
	v30 =	vadd.f32 v30, v34;
	v31 =	vadd.f32 v31, v39  }
0x1af: {  	v32 =	vadd.f32 v32, v40;
	v39 =	vld [tilespmem:s13+$0x8B10];
	v33 =	vadd.f32 v33, v41  }
0x1b0: {  	v25 =	vadd.f32 v35, v25;
	v28 =	vadd.f32 v36, v28;
	v40 =	vld [tilespmem:s13+$0x8B90]  }
0x1b1: {  	v26 =	vadd.f32 v37, v26;
	v27 =	vadd.f32 v38, v27;
	v35 =	vld [tilespmem:s13+$0x8B20]  }
0x1b2: {  	v25 =	vadd.f32 v25, v29;
	v28 =	vadd.f32 v28, v42;
	v36 =	vld [tilespmem:s13+$0x8BA0]  }
0x1b3: {  	v26 =	vadd.f32 v26, v43;
	v27 =	vadd.f32 v27, v44;
	v37 =	vld [tilespmem:s13+$0x8B30]  }
0x1b4: {  	v25 =	vadd.f32 v25, v29;
	v28 =	vadd.f32 v28, v42;
	v38 =	vld [tilespmem:s13+$0x8BB0]  }
0x1b5: {  	v26 =	vadd.f32 v26, v43;
	v27 =	vadd.f32 v27, v44;
	v29 =	vld [tilespmem:s13+$0x8B40]  }
0x1b6: {  	v47 =	vld [tilespmem:s13+$0x8BC0]  }
0x1b7: {  	v48 =	vld [tilespmem:s13+$0x8B50]  }
0x1b8: {  	v49 =	vld [tilespmem:s13+$0x8BD0]  }
0x1b9: {  	v50 =	vld [tilespmem:s13+$0x8B60]  }
0x1ba: {  	v51 =	vld [tilespmem:s13+$0x8BE0]  }
0x1bb: {  	v52 =	vld [tilespmem:s13+$0x8B70]  }
0x1bc: {  	s4 =	sadd.s32 $0x80, s4;
	v53 =	vld [tilespmem:s13+$0x8BF0]  }
.Ltmp3:
0x1bd: {  	v34 =	vld [tilespmem:s4+$0xFFFFFF90];
	(pc) =	sbr.rel @p0 .LBB2_9-.Ltmp3, $4  }
0x1be: {  	v42 =	vadd.f32 v46, v45;
	v43 =	vadd.f32 v40, v39;
	v39 =	vld [tilespmem:s4+$0xFFFFFFA0]  }
0x1bf: {  	v44 =	vadd.f32 v36, v35;
	v45 =	vadd.f32 v38, v37;
	v40 =	vld [tilespmem:s4+$0xFFFFFFB0]  }
0x1c0: {  	v35 =	vadd.f32 v47, v29;
	v36 =	vadd.f32 v49, v48;
	v41 =	vld [tilespmem:s4+$0xFFFFFFC0]  }
0x1c1: {  	s12 =	sadd.s32 $0x400, s12;
	v37 =	vadd.f32 v51, v50;
	v29 =	vld [tilespmem:s4+$0xFFFFFFD0];
	v38 =	vadd.f32 v53, v52  }
0x1c2: {  	v30 =	vadd.f32 v42, v30;
	v31 =	vadd.f32 v43, v31  }
0x1c3: {  	v32 =	vadd.f32 v44, v32;
	v33 =	vadd.f32 v45, v33  }
0x1c4: {  	v49 =	vld [tilespmem:s4+$0xFFFFFFE0];
	v25 =	vadd.f32 v35, v25;
	v28 =	vadd.f32 v36, v28  }
0x1c5: {  	v50 =	vld [tilespmem:s4+$0xFFFFFFF0];
	s2 =	sshll.u32 s2, $0x7;
	v26 =	vadd.f32 v37, v26;
	v27 =	vadd.f32 v38, v27  }
0x1c6: {  	v51 =	vld [tilespmem:s4+$0x0];
	s2 =	sand.u32 $0x3FFFFF80, s2;
	v30 =	vadd.f32 v30, v34;
	v31 =	vadd.f32 v31, v39  }
0x1c7: {  	v32 =	vadd.f32 v32, v40;
	v52 =	vld [tilespmem:s2+$0xEB00];
	v33 =	vadd.f32 v33, v41  }
0x1c8: {  	v53 =	vld [tilespmem:s2+$0xEB10];
	v30 =	vadd.f32 v30, v34;
	v31 =	vadd.f32 v31, v39  }
0x1c9: {  	v54 =	vld [tilespmem:s2+$0xEB20];
	v32 =	vadd.f32 v32, v40;
	v25 =	vadd.f32 v25, v29  }
0x1ca: {  	v55 =	vld [tilespmem:s2+$0xEB30];
	v33 =	vadd.f32 v33, v41;
	v28 =	vadd.f32 v28, v49;
	v30 =	vmul.f32 $1.562500000e-02, v30  }
0x1cb: {  	v56 =	vld [tilespmem:s2+$0xEB40];
	v26 =	vadd.f32 v26, v50;
	v27 =	vadd.f32 v27, v51;
	v31 =	vmul.f32 $1.562500000e-02, v31  }
0x1cc: {  	v59 =	vld [tilespmem:s2+$0xEB50];
	v25 =	vadd.f32 v25, v29;
	v58 =	vmul.f32 $1.562500000e-02, v32;
	v57 =	vadd.f32 v52, v30  }
0x1cd: {  	v60 =	vld [tilespmem:s2+$0xEB60];
	v28 =	vadd.f32 v28, v49;
	v33 =	vmul.f32 $1.562500000e-02, v33;
	v31 =	vadd.f32 v53, v31  }
0x1ce: {  	v62 =	vld [tilespmem:s2+$0xEB70];
	v26 =	vadd.f32 v26, v50;
	v61 =	vadd.f32 v54, v58;
	v25 =	vmul.f32 $1.562500000e-02, v25;
	[tilespmem:s2+$0xEB00] =	vst v57  }
0x1cf: {  	s31 =	sadd.s32 $0x1, s31;
	v27 =	vadd.f32 v27, v51;
	v63 =	vadd.f32 v55, v33;
	v28 =	vmul.f32 $1.562500000e-02, v28;
	[tilespmem:s2+$0xEB10] =	vst v31  }
0x1d0: {  	p0 =	sne.s32 s31, $0x40;
	v26 =	vmul.f32 $1.562500000e-02, v26;
	[tilespmem:s2+$0xEB20] =	vst v61;
	v25 =	vadd.f32 v56, v25  }
.Ltmp4:
0x1d1: {  	v27 =	vmul.f32 $1.562500000e-02, v27;
	[tilespmem:s2+$0xEB30] =	vst v63;
	v28 =	vadd.f32 v59, v28;
	(pc) =	sbr.rel @p0 .LBB2_2-.Ltmp4, $4  }
0x1d2: {  	[tilespmem:s2+$0xEB40] =	vst v25;
	v25 =	vadd.f32 v60, v26  }
0x1d3: {  	v26 =	vadd.f32 v62, v27;
	[tilespmem:s2+$0xEB50] =	vst v28  }
0x1d4: {  	[tilespmem:s2+$0xEB60] =	vst v25  }
0x1d5: {  	[tilespmem:s2+$0xEB70] =	vst v26  }
0x1d6: {  	s2 =	simm.s32 $0x0  }
0x1d7: {  	v25 =	vmov s2  }
0x1d8: {  	v25 =	vand.u32 $0x7F, v25  }
0x1d9: {  	v27 =	vbroadcast v25, $0x0;
	v25 =	vmul.u32 $0x100, v13;
	_ =	sdelay $0x1  }
0x1da: {  	v28 =	vor.u32 v25, v27;
	v26 =	vor.u32 $0x80, v25  }
0x1db: {  	s29 =	simm.s32 $0x1;
	v27 =	vor.u32 v26, v27  }
0x1dc: {  	v29 =	vmov s29  }
0x1dd: {  	v29 =	vand.u32 $0x7F, v29  }
0x1de: {  	v29 =	vbroadcast v29, $0x0  }
0x1df: {  	v31 =	vld.idx.msk [tilespmem:v28+s14+$0x0], $0xffff  }
0x1e0: {  	s31 =	simm.s32 $0x2;
	v28 =	vor.u32 v25, v29;
	v32 =	vld.idx.msk [tilespmem:v27+s14+$0x0], $0xffff  }
0x1e1: {  	v29 =	vor.u32 v26, v29;
	v27 =	vmov s31  }
0x1e2: {  	v27 =	vand.u32 $0x7F, v27  }
0x1e3: {  	v33 =	vbroadcast v27, $0x0;
	_ =	sdelay $0x1  }
0x1e4: {  	v28 =	vld.idx.msk [tilespmem:v28+s14+$0x0], $0xffff;
	v30 =	vor.u32 v25, v33;
	v32 =	vmul.f32 v32, v31  }
0x1e5: {  	s2 =	simm.s32 $0x3;
	v27 =	vimm.f32 $0.0e+00;
	v29 =	vld.idx.msk [tilespmem:v29+s14+$0x0], $0xffff;
	v31 =	vor.u32 v26, v33  }
.LBB2_12:
0x1e6: {  	v33 =	vmov s2;
	v27 =	vadd.f32 v32, v27;
	p0 =	sne.s32 s2, $0x7F  }
.Ltmp5:
0x1e7: {  	s2 =	sadd.s32 $0x1, s2;
	v34 =	vand.u32 $0x7F, v33;
	(pc) =	sbr.rel @p0 .LBB2_12-.Ltmp5, $4  }
0x1e8: {  	v33 =	vbroadcast v34, $0x0  }
0x1e9: {  	v32 =	vmov v28;
	v28 =	vld.idx.msk [tilespmem:v30+s14+$0x0], $0xffff  }
0x1ea: {  	v32 =	vmul.f32 v29, v32;
	v30 =	vor.u32 v25, v33;
	v29 =	vld.idx.msk [tilespmem:v31+s14+$0x0], $0xffff  }
0x1eb: {  	v31 =	vor.u32 v26, v33  }
0x1ec: {  	_ =	sdelay $0x3  }
0x1ed: {  	v30 =	vld.idx.msk [tilespmem:v30+s14+$0x0], $0xffff  }
0x1ee: {  	v31 =	vld.idx.msk [tilespmem:v31+s14+$0x0], $0xffff;
	s2 =	simm.s32 $0x0  }
0x1ef: {  	v26 =	vmov s2  }
0x1f0: {  	v27 =	vadd.f32 v32, v27;
	v26 =	vand.u32 $0x7F, v26;
	v28 =	vmul.f32 v29, v28  }
0x1f1: {  	v29 =	vbroadcast v26, $0x0  }
0x1f2: {  	v26 =	vor.u32 $0x1000, v25;
	v28 =	vadd.f32 v28, v27  }
0x1f3: {  	v30 =	vmul.f32 v31, v30;
	v31 =	vor.u32 v26, v29;
	v27 =	vor.u32 $0x1080, v25  }
0x1f4: {  	s29 =	simm.s32 $0x1;
	v29 =	vor.u32 v27, v29  }
0x1f5: {  	v62 =	vmov s29;
	v28 =	vadd.f32 v30, v28  }
0x1f6: {  	v30 =	vand.u32 $0x7F, v62  }
0x1f7: {  	v30 =	vbroadcast v30, $0x0;
	[tilespmem:$0x16B00] =	vst v28  }
0x1f8: {  	v63 =	vld.idx.msk [tilespmem:v31+s14+$0x0], $0xffff  }
0x1f9: {  	s31 =	simm.s32 $0x2;
	v31 =	vor.u32 v26, v30;
	v33 =	vld.idx.msk [tilespmem:v29+s14+$0x0], $0xffff  }
0x1fa: {  	v28 =	vmov s31;
	v30 =	vor.u32 v27, v30  }
0x1fb: {  	v28 =	vand.u32 $0x7F, v28  }
0x1fc: {  	v34 =	vbroadcast v28, $0x0;
	_ =	sdelay $0x1  }
0x1fd: {  	v29 =	vld.idx.msk [tilespmem:v31+s14+$0x0], $0xffff;
	v31 =	vor.u32 v26, v34;
	v33 =	vmul.f32 v33, v63  }
0x1fe: {  	s2 =	simm.s32 $0x3;
	v28 =	vimm.f32 $0.0e+00;
	v32 =	vor.u32 v27, v34;
	v30 =	vld.idx.msk [tilespmem:v30+s14+$0x0], $0xffff  }
.LBB2_14:
0x1ff: {  	v34 =	vmov s2;
	v28 =	vadd.f32 v33, v28;
	p0 =	sne.s32 s2, $0x7F  }
.Ltmp6:
0x200: {  	s2 =	sadd.s32 $0x1, s2;
	v35 =	vand.u32 $0x7F, v34;
	(pc) =	sbr.rel @p0 .LBB2_14-.Ltmp6, $4  }
0x201: {  	v34 =	vbroadcast v35, $0x0  }
0x202: {  	v33 =	vmov v29;
	v29 =	vld.idx.msk [tilespmem:v31+s14+$0x0], $0xffff  }
0x203: {  	v33 =	vmul.f32 v30, v33;
	v31 =	vor.u32 v26, v34;
	v30 =	vld.idx.msk [tilespmem:v32+s14+$0x0], $0xffff  }
0x204: {  	v32 =	vor.u32 v27, v34  }
0x205: {  	_ =	sdelay $0x3  }
0x206: {  	v27 =	vld.idx.msk [tilespmem:v31+s14+$0x0], $0xffff  }
0x207: {  	v31 =	vld.idx.msk [tilespmem:v32+s14+$0x0], $0xffff;
	s2 =	simm.s32 $0x0  }
0x208: {  	v26 =	vmov s2  }
0x209: {  	v28 =	vadd.f32 v33, v28;
	v26 =	vand.u32 $0x7F, v26;
	v29 =	vmul.f32 v30, v29  }
0x20a: {  	v30 =	vbroadcast v26, $0x0  }
0x20b: {  	v26 =	vor.u32 $0x2000, v25;
	v28 =	vadd.f32 v29, v28  }
0x20c: {  	v29 =	vmul.f32 v31, v27;
	v31 =	vor.u32 v26, v30;
	v27 =	vor.u32 $0x2080, v25  }
0x20d: {  	s29 =	simm.s32 $0x1;
	v30 =	vor.u32 v27, v30  }
0x20e: {  	v61 =	vmov s29;
	v28 =	vadd.f32 v29, v28  }
0x20f: {  	v29 =	vand.u32 $0x7F, v61  }
0x210: {  	v29 =	vbroadcast v29, $0x0;
	[tilespmem:$0x16B10] =	vst v28  }
0x211: {  	v62 =	vld.idx.msk [tilespmem:v31+s14+$0x0], $0xffff  }
0x212: {  	s31 =	simm.s32 $0x2;
	v31 =	vor.u32 v26, v29;
	v63 =	vld.idx.msk [tilespmem:v30+s14+$0x0], $0xffff  }
0x213: {  	v28 =	vmov s31;
	v30 =	vor.u32 v27, v29  }
0x214: {  	v28 =	vand.u32 $0x7F, v28  }
0x215: {  	v34 =	vbroadcast v28, $0x0;
	_ =	sdelay $0x1  }
0x216: {  	v29 =	vld.idx.msk [tilespmem:v31+s14+$0x0], $0xffff;
	v31 =	vor.u32 v26, v34;
	v33 =	vmul.f32 v63, v62  }
0x217: {  	s2 =	simm.s32 $0x3;
	v28 =	vimm.f32 $0.0e+00;
	v32 =	vor.u32 v27, v34;
	v30 =	vld.idx.msk [tilespmem:v30+s14+$0x0], $0xffff  }
.LBB2_16:
0x218: {  	v34 =	vmov s2;
	v28 =	vadd.f32 v33, v28;
	p0 =	sne.s32 s2, $0x7F  }
.Ltmp7:
0x219: {  	s2 =	sadd.s32 $0x1, s2;
	v35 =	vand.u32 $0x7F, v34;
	(pc) =	sbr.rel @p0 .LBB2_16-.Ltmp7, $4  }
0x21a: {  	v34 =	vbroadcast v35, $0x0  }
0x21b: {  	v33 =	vmov v29;
	v29 =	vld.idx.msk [tilespmem:v31+s14+$0x0], $0xffff  }
0x21c: {  	v33 =	vmul.f32 v30, v33;
	v31 =	vor.u32 v26, v34;
	v30 =	vld.idx.msk [tilespmem:v32+s14+$0x0], $0xffff  }
0x21d: {  	v32 =	vor.u32 v27, v34  }
0x21e: {  	_ =	sdelay $0x3  }
0x21f: {  	v27 =	vld.idx.msk [tilespmem:v31+s14+$0x0], $0xffff  }
0x220: {  	v31 =	vld.idx.msk [tilespmem:v32+s14+$0x0], $0xffff;
	s2 =	simm.s32 $0x0  }
0x221: {  	v26 =	vmov s2  }
0x222: {  	v28 =	vadd.f32 v33, v28;
	v26 =	vand.u32 $0x7F, v26;
	v29 =	vmul.f32 v30, v29  }
0x223: {  	v30 =	vbroadcast v26, $0x0  }
0x224: {  	v26 =	vor.u32 $0x3000, v25;
	v28 =	vadd.f32 v29, v28  }
0x225: {  	v29 =	vmul.f32 v31, v27;
	v31 =	vor.u32 v26, v30;
	v27 =	vor.u32 $0x3080, v25  }
0x226: {  	s29 =	simm.s32 $0x1;
	v30 =	vor.u32 v27, v30  }
0x227: {  	v61 =	vmov s29;
	v28 =	vadd.f32 v29, v28  }
0x228: {  	v29 =	vand.u32 $0x7F, v61  }
0x229: {  	v29 =	vbroadcast v29, $0x0;
	[tilespmem:$0x16B20] =	vst v28  }
0x22a: {  	v62 =	vld.idx.msk [tilespmem:v31+s14+$0x0], $0xffff  }
0x22b: {  	s31 =	simm.s32 $0x2;
	v31 =	vor.u32 v26, v29;
	v63 =	vld.idx.msk [tilespmem:v30+s14+$0x0], $0xffff  }
0x22c: {  	v28 =	vmov s31;
	v30 =	vor.u32 v27, v29  }
0x22d: {  	v28 =	vand.u32 $0x7F, v28  }
0x22e: {  	v34 =	vbroadcast v28, $0x0;
	_ =	sdelay $0x1  }
0x22f: {  	v29 =	vld.idx.msk [tilespmem:v31+s14+$0x0], $0xffff;
	v31 =	vor.u32 v26, v34;
	v33 =	vmul.f32 v63, v62  }
0x230: {  	s2 =	simm.s32 $0x3;
	v28 =	vimm.f32 $0.0e+00;
	v32 =	vor.u32 v27, v34;
	v30 =	vld.idx.msk [tilespmem:v30+s14+$0x0], $0xffff  }
.LBB2_18:
0x231: {  	v34 =	vmov s2;
	v28 =	vadd.f32 v33, v28;
	p0 =	sne.s32 s2, $0x7F  }
.Ltmp8:
0x232: {  	s2 =	sadd.s32 $0x1, s2;
	v35 =	vand.u32 $0x7F, v34;
	(pc) =	sbr.rel @p0 .LBB2_18-.Ltmp8, $4  }
0x233: {  	v34 =	vbroadcast v35, $0x0  }
0x234: {  	v33 =	vmov v29;
	v29 =	vld.idx.msk [tilespmem:v31+s14+$0x0], $0xffff  }
0x235: {  	v33 =	vmul.f32 v30, v33;
	v31 =	vor.u32 v26, v34;
	v30 =	vld.idx.msk [tilespmem:v32+s14+$0x0], $0xffff  }
0x236: {  	v32 =	vor.u32 v27, v34  }
0x237: {  	_ =	sdelay $0x3  }
0x238: {  	v27 =	vld.idx.msk [tilespmem:v31+s14+$0x0], $0xffff  }
0x239: {  	v31 =	vld.idx.msk [tilespmem:v32+s14+$0x0], $0xffff;
	s2 =	simm.s32 $0x0  }
0x23a: {  	v26 =	vmov s2  }
0x23b: {  	v28 =	vadd.f32 v33, v28;
	v26 =	vand.u32 $0x7F, v26;
	v29 =	vmul.f32 v30, v29  }
0x23c: {  	v30 =	vbroadcast v26, $0x0  }
0x23d: {  	v26 =	vor.u32 $0x4000, v25;
	v28 =	vadd.f32 v29, v28  }
0x23e: {  	v29 =	vmul.f32 v31, v27;
	v31 =	vor.u32 v26, v30;
	v27 =	vor.u32 $0x4080, v25  }
0x23f: {  	s29 =	simm.s32 $0x1;
	v30 =	vor.u32 v27, v30  }
0x240: {  	v61 =	vmov s29;
	v28 =	vadd.f32 v29, v28  }
0x241: {  	v29 =	vand.u32 $0x7F, v61  }
0x242: {  	v29 =	vbroadcast v29, $0x0;
	[tilespmem:$0x16B30] =	vst v28  }
0x243: {  	v62 =	vld.idx.msk [tilespmem:v31+s14+$0x0], $0xffff  }
0x244: {  	s31 =	simm.s32 $0x2;
	v31 =	vor.u32 v26, v29;
	v63 =	vld.idx.msk [tilespmem:v30+s14+$0x0], $0xffff  }
0x245: {  	v28 =	vmov s31;
	v30 =	vor.u32 v27, v29  }
0x246: {  	v28 =	vand.u32 $0x7F, v28  }
0x247: {  	v34 =	vbroadcast v28, $0x0;
	_ =	sdelay $0x1  }
0x248: {  	v29 =	vld.idx.msk [tilespmem:v31+s14+$0x0], $0xffff;
	v31 =	vor.u32 v26, v34;
	v33 =	vmul.f32 v63, v62  }
0x249: {  	s2 =	simm.s32 $0x3;
	v28 =	vimm.f32 $0.0e+00;
	v32 =	vor.u32 v27, v34;
	v30 =	vld.idx.msk [tilespmem:v30+s14+$0x0], $0xffff  }
.LBB2_20:
0x24a: {  	v34 =	vmov s2;
	v28 =	vadd.f32 v33, v28;
	p0 =	sne.s32 s2, $0x7F  }
.Ltmp9:
0x24b: {  	s2 =	sadd.s32 $0x1, s2;
	v35 =	vand.u32 $0x7F, v34;
	(pc) =	sbr.rel @p0 .LBB2_20-.Ltmp9, $4  }
0x24c: {  	v34 =	vbroadcast v35, $0x0  }
0x24d: {  	v33 =	vmov v29;
	v29 =	vld.idx.msk [tilespmem:v31+s14+$0x0], $0xffff  }
0x24e: {  	v33 =	vmul.f32 v30, v33;
	v31 =	vor.u32 v26, v34;
	v30 =	vld.idx.msk [tilespmem:v32+s14+$0x0], $0xffff  }
0x24f: {  	v32 =	vor.u32 v27, v34  }
0x250: {  	_ =	sdelay $0x3  }
0x251: {  	v27 =	vld.idx.msk [tilespmem:v31+s14+$0x0], $0xffff  }
0x252: {  	v31 =	vld.idx.msk [tilespmem:v32+s14+$0x0], $0xffff;
	s2 =	simm.s32 $0x0  }
0x253: {  	v26 =	vmov s2  }
0x254: {  	v28 =	vadd.f32 v33, v28;
	v26 =	vand.u32 $0x7F, v26;
	v29 =	vmul.f32 v30, v29  }
0x255: {  	v30 =	vbroadcast v26, $0x0  }
0x256: {  	v26 =	vor.u32 $0x5000, v25;
	v28 =	vadd.f32 v29, v28  }
0x257: {  	v29 =	vmul.f32 v31, v27;
	v31 =	vor.u32 v26, v30;
	v27 =	vor.u32 $0x5080, v25  }
0x258: {  	s29 =	simm.s32 $0x1;
	v30 =	vor.u32 v27, v30  }
0x259: {  	v61 =	vmov s29;
	v28 =	vadd.f32 v29, v28  }
0x25a: {  	v29 =	vand.u32 $0x7F, v61  }
0x25b: {  	v29 =	vbroadcast v29, $0x0;
	[tilespmem:$0x16B40] =	vst v28  }
0x25c: {  	v62 =	vld.idx.msk [tilespmem:v31+s14+$0x0], $0xffff  }
0x25d: {  	s31 =	simm.s32 $0x2;
	v31 =	vor.u32 v26, v29;
	v63 =	vld.idx.msk [tilespmem:v30+s14+$0x0], $0xffff  }
0x25e: {  	v28 =	vmov s31;
	v30 =	vor.u32 v27, v29  }
0x25f: {  	v28 =	vand.u32 $0x7F, v28  }
0x260: {  	v34 =	vbroadcast v28, $0x0;
	_ =	sdelay $0x1  }
0x261: {  	v29 =	vld.idx.msk [tilespmem:v31+s14+$0x0], $0xffff;
	v31 =	vor.u32 v26, v34;
	v33 =	vmul.f32 v63, v62  }
0x262: {  	s2 =	simm.s32 $0x3;
	v28 =	vimm.f32 $0.0e+00;
	v32 =	vor.u32 v27, v34;
	v30 =	vld.idx.msk [tilespmem:v30+s14+$0x0], $0xffff  }
.LBB2_22:
0x263: {  	v34 =	vmov s2;
	v28 =	vadd.f32 v33, v28;
	p0 =	sne.s32 s2, $0x7F  }
.Ltmp10:
0x264: {  	s2 =	sadd.s32 $0x1, s2;
	v35 =	vand.u32 $0x7F, v34;
	(pc) =	sbr.rel @p0 .LBB2_22-.Ltmp10, $4  }
0x265: {  	v34 =	vbroadcast v35, $0x0  }
0x266: {  	v33 =	vmov v29;
	v29 =	vld.idx.msk [tilespmem:v31+s14+$0x0], $0xffff  }
0x267: {  	v33 =	vmul.f32 v30, v33;
	v31 =	vor.u32 v26, v34;
	v30 =	vld.idx.msk [tilespmem:v32+s14+$0x0], $0xffff  }
0x268: {  	v32 =	vor.u32 v27, v34  }
0x269: {  	_ =	sdelay $0x3  }
0x26a: {  	v27 =	vld.idx.msk [tilespmem:v31+s14+$0x0], $0xffff  }
0x26b: {  	v31 =	vld.idx.msk [tilespmem:v32+s14+$0x0], $0xffff;
	s2 =	simm.s32 $0x0  }
0x26c: {  	v26 =	vmov s2  }
0x26d: {  	v28 =	vadd.f32 v33, v28;
	v26 =	vand.u32 $0x7F, v26;
	v29 =	vmul.f32 v30, v29  }
0x26e: {  	v30 =	vbroadcast v26, $0x0  }
0x26f: {  	v26 =	vor.u32 $0x6000, v25;
	v28 =	vadd.f32 v29, v28  }
0x270: {  	v29 =	vmul.f32 v31, v27;
	v31 =	vor.u32 v26, v30;
	v27 =	vor.u32 $0x6080, v25  }
0x271: {  	s29 =	simm.s32 $0x1;
	v30 =	vor.u32 v27, v30  }
0x272: {  	v61 =	vmov s29;
	v28 =	vadd.f32 v29, v28  }
0x273: {  	v29 =	vand.u32 $0x7F, v61  }
0x274: {  	v29 =	vbroadcast v29, $0x0;
	[tilespmem:$0x16B50] =	vst v28  }
0x275: {  	v62 =	vld.idx.msk [tilespmem:v31+s14+$0x0], $0xffff  }
0x276: {  	s31 =	simm.s32 $0x2;
	v31 =	vor.u32 v26, v29;
	v63 =	vld.idx.msk [tilespmem:v30+s14+$0x0], $0xffff  }
0x277: {  	v28 =	vmov s31;
	v30 =	vor.u32 v27, v29  }
0x278: {  	v28 =	vand.u32 $0x7F, v28  }
0x279: {  	v34 =	vbroadcast v28, $0x0;
	_ =	sdelay $0x1  }
0x27a: {  	v29 =	vld.idx.msk [tilespmem:v31+s14+$0x0], $0xffff;
	v31 =	vor.u32 v26, v34;
	v33 =	vmul.f32 v63, v62  }
0x27b: {  	s2 =	simm.s32 $0x3;
	v28 =	vimm.f32 $0.0e+00;
	v32 =	vor.u32 v27, v34;
	v30 =	vld.idx.msk [tilespmem:v30+s14+$0x0], $0xffff  }
.LBB2_24:
0x27c: {  	v34 =	vmov s2;
	v28 =	vadd.f32 v33, v28;
	p0 =	sne.s32 s2, $0x7F  }
.Ltmp11:
0x27d: {  	s2 =	sadd.s32 $0x1, s2;
	v35 =	vand.u32 $0x7F, v34;
	(pc) =	sbr.rel @p0 .LBB2_24-.Ltmp11, $4  }
0x27e: {  	v34 =	vbroadcast v35, $0x0  }
0x27f: {  	v33 =	vmov v29;
	v29 =	vld.idx.msk [tilespmem:v31+s14+$0x0], $0xffff  }
0x280: {  	v33 =	vmul.f32 v30, v33;
	v31 =	vor.u32 v26, v34;
	v30 =	vld.idx.msk [tilespmem:v32+s14+$0x0], $0xffff  }
0x281: {  	v32 =	vor.u32 v27, v34  }
0x282: {  	_ =	sdelay $0x3  }
0x283: {  	v27 =	vld.idx.msk [tilespmem:v31+s14+$0x0], $0xffff  }
0x284: {  	v31 =	vld.idx.msk [tilespmem:v32+s14+$0x0], $0xffff;
	s2 =	simm.s32 $0x0  }
0x285: {  	v26 =	vmov s2  }
0x286: {  	v26 =	vand.u32 $0x7F, v26  }
0x287: {  	v28 =	vadd.f32 v33, v28;
	v29 =	vmul.f32 v30, v29;
	v30 =	vbroadcast v26, $0x0  }
0x288: {  	v26 =	vor.u32 $0x7000, v25;
	v25 =	vor.u32 $0x7080, v25  }
0x289: {  	v28 =	vadd.f32 v29, v28;
	v27 =	vmul.f32 v31, v27;
	v29 =	vor.u32 v26, v30  }
0x28a: {  	s29 =	simm.s32 $0x1;
	v30 =	vor.u32 v25, v30  }
0x28b: {  	v31 =	vmov s29;
	v27 =	vadd.f32 v27, v28  }
0x28c: {  	v28 =	vand.u32 $0x7F, v31  }
0x28d: {  	v28 =	vbroadcast v28, $0x0;
	[tilespmem:$0x16B60] =	vst v27  }
0x28e: {  	v31 =	vld.idx.msk [tilespmem:v29+s14+$0x0], $0xffff  }
0x28f: {  	s31 =	simm.s32 $0x2;
	v29 =	vor.u32 v26, v28;
	v62 =	vld.idx.msk [tilespmem:v30+s14+$0x0], $0xffff  }
0x290: {  	v27 =	vmov s31;
	v63 =	vor.u32 v25, v28  }
0x291: {  	v27 =	vand.u32 $0x7F, v27  }
0x292: {  	v34 =	vbroadcast v27, $0x0;
	_ =	sdelay $0x1  }
0x293: {  	v30 =	vor.u32 v26, v34;
	v28 =	vld.idx.msk [tilespmem:v29+s14+$0x0], $0xffff;
	v32 =	vmul.f32 v62, v31  }
0x294: {  	s2 =	simm.s32 $0x3;
	v27 =	vimm.f32 $0.0e+00;
	v29 =	vld.idx.msk [tilespmem:v63+s14+$0x0], $0xffff;
	v31 =	vor.u32 v25, v34  }
.LBB2_26:
0x295: {  	v33 =	vmov s2;
	v27 =	vadd.f32 v32, v27;
	p0 =	sne.s32 s2, $0x7F  }
.Ltmp12:
0x296: {  	s2 =	sadd.s32 $0x1, s2;
	v34 =	vand.u32 $0x7F, v33;
	(pc) =	sbr.rel @p0 .LBB2_26-.Ltmp12, $4  }
0x297: {  	v33 =	vbroadcast v34, $0x0  }
0x298: {  	v32 =	vmov v28;
	v28 =	vld.idx.msk [tilespmem:v30+s14+$0x0], $0xffff  }
0x299: {  	v32 =	vmul.f32 v29, v32;
	v30 =	vor.u32 v26, v33;
	v29 =	vld.idx.msk [tilespmem:v31+s14+$0x0], $0xffff  }
0x29a: {  	v31 =	vor.u32 v25, v33  }
0x29b: {  	_ =	sdelay $0x3  }
0x29c: {  	v25 =	vld.idx.msk [tilespmem:v30+s14+$0x0], $0xffff  }
0x29d: {  	v26 =	vld.idx.msk [tilespmem:v31+s14+$0x0], $0xffff;
	_ =	sdelay $0x2  }
0x29e: {  	v27 =	vadd.f32 v32, v27;
	v28 =	vmul.f32 v29, v28;
	_ =	sdelay $0x1  }
0x29f: {  	v27 =	vadd.f32 v28, v27;
	v25 =	vmul.f32 v26, v25;
	_ =	sdelay $0x1  }
0x2a0: {  	s30 =	sadd.s32 $0x1, s30;
	v25 =	vadd.f32 v25, v27  }
0x2a1: {  	p0 =	sne.s32 s30, s9  }
.Ltmp13:
0x2a2: {  	s2 =	simm.s32 $0x16B00;
	[tilespmem:$0x16B70] =	vst v25;
	(pc) =	sbr.rel @p0 .LBB2_1-.Ltmp13, $4  }
0x2a3: {  	[hbm4b:s8+s3] =	stream.linear.scatter [tilespmem:s2], [sflag:$0x5], $0x80, $0x38;
	[tilespmem:$0x16B80] =	vst v63  }
0x2a4: {  	_ =	swait.ge [sflag:s10], $0x80  }
0x2a5: {  	[sflag:s10] =	ssyncset.done $0x0  }
0x2a6: {  	[sflag:s10] =	ssyncadd.s32 $0xFFFFFF80  }
0x2a7: {  	_ =	sfence.sel $0x180000  }
0x2a8: {  	[bflag:$0x0] =	sbarrier.arrive $0xFFFF  }
0x2a9: {  	_ =	strace $0x90000047  }
0x2aa: {  	s0 =	stileid.u32;
	[bflag:$0x2] =	sbarrier.arrive $0xFFFF  }
0x2ab: {  	p0 =	sne.s32 s0, $0x0;
	s0 =	rddreg [dreg:$0x5]  }
0x2ac: {  	s0 =	sadd.s32 @!p0 $0x100000, s0  }
0x2ad: {  	[sflag:s0] =	ssyncadd.tile.s32 @!p0 $0x1;
	_ =	shalt  }
.Lfunc_end2:
_tile_overlayer_lowered:
.L_overlay_start_2:
0x2ae: {  	(tag) =	ssettag $0x2  }
0x2af: {  	s0 =	rddreg [dreg:$0x0];
	s2 =	stileid.u32  }
0x2b0: {  	s1 =	rddreg [dreg:$0x1];
	p0 =	sne.s32 s2, $0x0  }
0x2b1: {  	s3 =	rddreg [dreg:$0x2];
	[bflag:$0x3] =	sbarrier.arrive $0xFFFF;
	s2 =	simm.s32 @!p0 $0x1C05  }
0x2b2: {  	[timem:s3], [sflag:s2] =	dma.local @!p0 [hbm:s0], s1  }
0x2b3: {  	s0 =	simm.s32 @!p0 $0x5  }
0x2b4: {  	_ =	swait.ge @!p0 [sflag:s0], s1  }
0x2b5: {  	s1 =	ssub.s32 @!p0 $0x0, s1;
	[sflag:s0] =	ssyncset.done @!p0 $0x0  }
0x2b6: {  	[sflag:s0] =	ssyncadd.s32 @!p0 s1  }
0x2b7: {  	[bflag:$0x3] =	sbarrier.arrive $0xFFFF  }
0x2b8: {  	_ =	shalt  }

</sc_bundles>
